<compile_context>
chip_gen: v7x
topology: tpu7x:2x2x1
jax: 0.10.2.dev20260603
libtpu: 0.0.44.dev20260713+nightly
codegen_flags: <defaults>
</compile_context>

<pallas_src>
import functools

import jax
import jax.numpy as jnp
from jax.experimental import pallas as pl
from jax.experimental.pallas import tpu as pltpu
from jax.experimental.pallas import tpu_sc as plsc

EMBED_DIM = 1024
NUM_EXPERT = 16
TOP_K = 2
EXPERT_DIM = 256
HEAD_DIM = 64
NUM_HEADS = EXPERT_DIM // HEAD_DIM
MAX_POS = 64
SCALING = HEAD_DIM ** (-0.25)


_SC_TILES = 32
_SC_LANES = 16


def _gate_logits_kernel(x_ref, wg_ref, lg_ref, *, tok_per_tile):
    logits = x_ref[...] @ wg_ref[...]
    lt = logits.T
    for t in range(lt.shape[1] // tok_per_tile):
        lg_ref[t] = lt[:, t * tok_per_tile:(t + 1) * tok_per_tile]


def _sc_gate_kernel(lg_hbm, i1_hbm, i2_hbm, g1_hbm, g2_hbm,
                    lt_v, i1_v, i2_v, g1_v, g2_v, *, tok_per_tile):
    w = jax.lax.axis_index("s") * 2 + jax.lax.axis_index("c")
    pltpu.sync_copy(lg_hbm.at[w], lt_v)
    for g in range(tok_per_tile // _SC_LANES):
        sl = pl.ds(g * _SC_LANES, _SC_LANES)
        le = [lt_v[e, sl] for e in range(NUM_EXPERT)]
        m1 = le[0]
        for e in range(1, NUM_EXPERT):
            m1 = jnp.maximum(m1, le[e])
        i1 = jnp.full((_SC_LANES,), NUM_EXPERT, jnp.int32)
        for e in range(NUM_EXPERT):
            i1 = jnp.minimum(i1, jnp.where(le[e] == m1, jnp.int32(e),
                                           jnp.int32(NUM_EXPERT)))
        lm = [jnp.where(i1 == e, -jnp.inf, le[e]) for e in range(NUM_EXPERT)]
        m2 = lm[0]
        for e in range(1, NUM_EXPERT):
            m2 = jnp.maximum(m2, lm[e])
        i2 = jnp.full((_SC_LANES,), NUM_EXPERT, jnp.int32)
        for e in range(NUM_EXPERT):
            i2 = jnp.minimum(i2, jnp.where(lm[e] == m2, jnp.int32(e),
                                           jnp.int32(NUM_EXPERT)))
        g1 = 1.0 / (1.0 + jnp.exp(m2 - m1))
        i1_v[sl] = i1
        i2_v[sl] = i2
        g1_v[sl] = g1
        g2_v[sl] = 1.0 - g1
    dst = pl.ds(w * tok_per_tile, tok_per_tile)
    pltpu.sync_copy(i1_v, i1_hbm.at[dst])
    pltpu.sync_copy(i2_v, i2_hbm.at[dst])
    pltpu.sync_copy(g1_v, g1_hbm.at[dst])
    pltpu.sync_copy(g2_v, g2_hbm.at[dst])


def _qproj_kernel(x_ref, wq_ref, idx_ref, q_ref):
    e = pl.program_id(1)

    @pl.when(e == 0)
    def _():
        q_ref[...] = jnp.zeros_like(q_ref)

    p = ((x_ref[...] @ wq_ref[0]) * SCALING).astype(jnp.bfloat16)
    idx = idx_ref[...]
    for k in range(TOP_K):
        sel = idx[:, k:k + 1] == e
        q_ref[:, k * EXPERT_DIM:(k + 1) * EXPERT_DIM] += jnp.where(
            sel, p, jnp.bfloat16(0))


def _kv_kernel(xk_ref, xv_ref, wk_ref, wv_ref, k_ref, v_ref):
    k_ref[...] = ((xk_ref[...] @ wk_ref[...]) * SCALING).astype(jnp.bfloat16)
    v_ref[...] = (xv_ref[...] @ wv_ref[...]).astype(jnp.bfloat16)


_BC = 512
_BW = 1024


def _attn_kernel(q_ref, k_ref, v_ref, e_ref, y_ref, p_scr, d_scr, *, block_t):
    S = k_ref.shape[0]
    t = pl.program_id(1)
    i0 = t * block_t
    jw = pl.multiple_of(jnp.clip((i0 - 128) // _BC * _BC, 0, S - _BW), _BC)
    rr = jax.lax.broadcasted_iota(jnp.int32, (block_t, _BW), 0)
    cc = jax.lax.broadcasted_iota(jnp.int32, (block_t, _BW), 1)
    d_scr[...] = jnp.clip((jw + cc) - (i0 + rr),
                          1 - MAX_POS, MAX_POS - 1) + MAX_POS
    kk = k_ref[...]
    vv = v_ref[...]
    f32 = jnp.float32
    for h in range(NUM_HEADS):
        qh = q_ref[:, h * HEAD_DIM:(h + 1) * HEAD_DIM]
        kh = kk[:, h * HEAD_DIM:(h + 1) * HEAD_DIM]
        vh = vv[:, h * HEAD_DIM:(h + 1) * HEAD_DIM]
        rlog = jax.lax.dot_general(
            qh, e_ref[h], (((1,), (0,)), ((), ())),
            preferred_element_type=f32)
        rl1 = rlog[:, 1:2]
        rl127 = rlog[:, 127:128]
        rmax = jnp.max(rlog[:, 1:], axis=1, keepdims=True)
        qh32 = qh.astype(f32)
        qn2 = jnp.sum(qh32 * qh32, axis=1, keepdims=True)
        kh32 = kh.astype(f32)
        kn2 = jnp.sum(kh32 * kh32, axis=1, keepdims=True)
        m2 = jnp.sqrt(qn2 * jnp.max(kn2)) + rmax - rl1
        l = None
        for c in range(S // _BC):
            ks = kh[c * _BC:(c + 1) * _BC, :]
            s = jax.lax.dot_general(
                qh, ks, (((1,), (1,)), ((), ())),
                preferred_element_type=f32)
            base = jnp.where(c * _BC >= jw + _BW, rl127 - rl1, 0.0)
            p = jnp.exp(s + (base - m2))
            lc = jnp.sum(p, axis=1, keepdims=True)
            l = lc if l is None else l + lc
            p_scr[:, c * _BC:(c + 1) * _BC] = p.astype(jnp.bfloat16)
        delta = jnp.take_along_axis(rlog, d_scr[...], axis=1) - rl1
        pold = p_scr[:, pl.ds(jw, _BW)].astype(f32)
        pnew = pold * jnp.exp(delta)
        l = l + jnp.sum(pnew - pold, axis=1, keepdims=True)
        p_scr[:, pl.ds(jw, _BW)] = pnew.astype(jnp.bfloat16)
        pv = jax.lax.dot_general(
            p_scr[...], vh, (((1,), (0,)), ((), ())),
            preferred_element_type=f32)
        y_ref[:, h * HEAD_DIM:(h + 1) * HEAD_DIM] = pv / l


def _oproj_kernel(y_ref, idx_ref, gate_ref, wo_ref, o_ref):
    e = pl.program_id(1)

    @pl.when(e == 0)
    def _():
        o_ref[...] = jnp.zeros_like(o_ref)

    idx = idx_ref[...]
    g = gate_ref[...]
    z = None
    for k in range(TOP_K):
        w = jnp.where(idx[:, k:k + 1] == e, g[:, k:k + 1], 0.0)
        zk = y_ref[:, k * EXPERT_DIM:(k + 1) * EXPERT_DIM] * w
        z = zk if z is None else z + zk
    o_ref[...] += z @ wo_ref[0]


def kernel(query, key, value, Wg, Wq, Wk, Wv, Wo, rel_pos_emb):
    T, B, D = query.shape
    S = key.shape[0]
    n = T * B
    x = query.reshape(n, D)
    xk = key.reshape(S * B, D)
    xv = value.reshape(S * B, D)
    f32 = jnp.float32
    bf16 = jnp.bfloat16

    bT = 512
    tok_per_tile = n // _SC_TILES
    tiles_per_blk = bT // tok_per_tile
    lg = pl.pallas_call(
        functools.partial(_gate_logits_kernel, tok_per_tile=tok_per_tile),
        grid=(n // bT,),
        in_specs=[
            pl.BlockSpec((bT, D), lambda i: (i, 0)),
            pl.BlockSpec((D, NUM_EXPERT), lambda i: (0, 0)),
        ],
        out_specs=pl.BlockSpec((tiles_per_blk, NUM_EXPERT, tok_per_tile),
                               lambda i: (i, 0, 0)),
        out_shape=jax.ShapeDtypeStruct((_SC_TILES, NUM_EXPERT, tok_per_tile),
                                       f32),
    )(x, Wg)

    i1, i2, g1, g2 = pl.kernel(
        functools.partial(_sc_gate_kernel, tok_per_tile=tok_per_tile),
        out_type=[
            jax.ShapeDtypeStruct((n,), jnp.int32),
            jax.ShapeDtypeStruct((n,), jnp.int32),
            jax.ShapeDtypeStruct((n,), f32),
            jax.ShapeDtypeStruct((n,), f32),
        ],
        mesh=plsc.VectorSubcoreMesh(core_axis_name="c", subcore_axis_name="s"),
        scratch_types=[
            pltpu.VMEM((NUM_EXPERT, tok_per_tile), f32),
            pltpu.VMEM((tok_per_tile,), jnp.int32),
            pltpu.VMEM((tok_per_tile,), jnp.int32),
            pltpu.VMEM((tok_per_tile,), f32),
            pltpu.VMEM((tok_per_tile,), f32),
        ],
    )(lg)
    idx = jnp.stack([i1, i2], axis=1)
    gates = jnp.stack([g1, g2], axis=1)

    q = pl.pallas_call(
        _qproj_kernel,
        grid=(n // bT, NUM_EXPERT),
        in_specs=[
            pl.BlockSpec((bT, D), lambda i, e: (i, 0)),
            pl.BlockSpec((1, D, EXPERT_DIM), lambda i, e: (e, 0, 0)),
            pl.BlockSpec((bT, TOP_K), lambda i, e: (i, 0)),
        ],
        out_specs=pl.BlockSpec((bT, TOP_K * EXPERT_DIM), lambda i, e: (i, 0)),
        out_shape=jax.ShapeDtypeStruct((n, TOP_K * EXPERT_DIM), bf16),
    )(x, Wq, idx)

    kp, vp = pl.pallas_call(
        _kv_kernel,
        grid=(S * B // bT,),
        in_specs=[
            pl.BlockSpec((bT, D), lambda i: (i, 0)),
            pl.BlockSpec((bT, D), lambda i: (i, 0)),
            pl.BlockSpec((D, EXPERT_DIM), lambda i: (0, 0)),
            pl.BlockSpec((D, EXPERT_DIM), lambda i: (0, 0)),
        ],
        out_specs=[
            pl.BlockSpec((bT, EXPERT_DIM), lambda i: (i, 0)),
            pl.BlockSpec((bT, EXPERT_DIM), lambda i: (i, 0)),
        ],
        out_shape=[
            jax.ShapeDtypeStruct((S * B, EXPERT_DIM), bf16),
            jax.ShapeDtypeStruct((S * B, EXPERT_DIM), bf16),
        ],
    )(xk, xv, Wk, Wv)

    rpe = rel_pos_emb[:, :, :2 * MAX_POS].astype(bf16)

    bA = 256
    y = pl.pallas_call(
        functools.partial(_attn_kernel, block_t=bA),
        grid=(TOP_K, T // bA),
        in_specs=[
            pl.BlockSpec((bA, EXPERT_DIM), lambda k, t: (t, k)),
            pl.BlockSpec((S, EXPERT_DIM), lambda k, t: (0, 0)),
            pl.BlockSpec((S, EXPERT_DIM), lambda k, t: (0, 0)),
            pl.BlockSpec((NUM_HEADS, HEAD_DIM, 2 * MAX_POS),
                         lambda k, t: (0, 0, 0)),
        ],
        out_specs=pl.BlockSpec((bA, EXPERT_DIM), lambda k, t: (t, k)),
        out_shape=jax.ShapeDtypeStruct((n, TOP_K * EXPERT_DIM), f32),
        scratch_shapes=[
            pltpu.VMEM((bA, S), jnp.bfloat16),
            pltpu.VMEM((bA, _BW), jnp.int32),
        ],
    )(q, kp, vp, rpe)

    out = pl.pallas_call(
        _oproj_kernel,
        grid=(n // bT, NUM_EXPERT),
        in_specs=[
            pl.BlockSpec((bT, TOP_K * EXPERT_DIM), lambda i, e: (i, 0)),
            pl.BlockSpec((bT, TOP_K), lambda i, e: (i, 0)),
            pl.BlockSpec((bT, TOP_K), lambda i, e: (i, 0)),
            pl.BlockSpec((1, EXPERT_DIM, D), lambda i, e: (e, 0, 0)),
        ],
        out_specs=pl.BlockSpec((bT, D), lambda i, e: (i, 0)),
        out_shape=jax.ShapeDtypeStruct((n, D), f32),
    )(y, idx, gates, Wo)

    return out.reshape(T, B, D)

# --- scband reference (transcript-rebuilt; emitter-appended) ---
"""Pipeline reference for scband-multihead-attention-42958262895123 (READ-ONLY COPY).

The authoritative reference and input builder live on the scoring server;
editing this copy changes nothing except your own understanding.
"""

import jax, jax.numpy as jnp
import numpy as np

EMBED_DIM = 1024
NUM_EXPERT = 16
TOP_K = 2
EXPERT_DIM = 256
HEAD_DIM = 64
NUM_HEADS = EXPERT_DIM // HEAD_DIM
MAX_POS = 64
SCALING = HEAD_DIM ** (-0.25)
T_LEN = 2048
BSZ = 1


def setup_inputs(seed: int = 0) -> dict:
    key = jax.random.key(seed)
    ks = jax.random.split(key, 9)
    query = jax.random.normal(ks[0], (T_LEN, BSZ, EMBED_DIM), dtype=jnp.float32)
    key_t = jax.random.normal(ks[1], (T_LEN, BSZ, EMBED_DIM), dtype=jnp.float32)
    value = jax.random.normal(ks[2], (T_LEN, BSZ, EMBED_DIM), dtype=jnp.float32)
    Wg = jax.random.normal(ks[3], (EMBED_DIM, NUM_EXPERT), dtype=jnp.float32) * 0.02
    Wq = jax.random.normal(ks[4], (NUM_EXPERT, EMBED_DIM, EXPERT_DIM), dtype=jnp.float32) * (1.0 / np.sqrt(EMBED_DIM))
    Wk = jax.random.normal(ks[5], (EMBED_DIM, EXPERT_DIM), dtype=jnp.float32) * (1.0 / np.sqrt(EMBED_DIM))
    Wv = jax.random.normal(ks[6], (EMBED_DIM, EXPERT_DIM), dtype=jnp.float32) * (1.0 / np.sqrt(EMBED_DIM))
    Wo = jax.random.normal(ks[7], (NUM_EXPERT, EXPERT_DIM, EMBED_DIM), dtype=jnp.float32) * (1.0 / np.sqrt(EXPERT_DIM))
    rel_pos_emb = jax.random.normal(ks[8], (NUM_HEADS, HEAD_DIM, 2 * MAX_POS + 1), dtype=jnp.float32) * 0.02
    return {"query": query, "key": key_t, "value": value, "Wg": Wg, "Wq": Wq, "Wk": Wk, "Wv": Wv, "Wo": Wo, "rel_pos_emb": rel_pos_emb}


def reference(query, key, value, Wg, Wq, Wk, Wv, Wo, rel_pos_emb):
    T, B, D = query.shape
    S = key.shape[0]
    x = query.reshape(T * B, D)
    # --- MoE map (q_proj): gating + top-k expert selection ---
    logits = x @ Wg
    probs = jax.nn.softmax(logits, axis=-1)
    top_gates, top_idx = jax.lax.top_k(probs, TOP_K)
    top_gates = top_gates / jnp.sum(top_gates, axis=-1, keepdims=True)
    q_all = jnp.einsum('nd,edh->neh', x, Wq)
    q_sel = jnp.take_along_axis(q_all, top_idx[:, :, None], axis=1)  # (n, k, expert_dim)
    q = q_sel.reshape(T, B, TOP_K, EXPERT_DIM)
    # --- k / v projections ---
    k_p = (key.reshape(S * B, D) @ Wk).reshape(S, B, EXPERT_DIM)
    v_p = (value.reshape(S * B, D) @ Wv).reshape(S, B, EXPERT_DIM)
    q = q * SCALING
    k_p = k_p * SCALING
    q = q.reshape(T, B, TOP_K, NUM_HEADS, HEAD_DIM).transpose(1, 2, 3, 0, 4)  # (B,k,h,T,dh)
    k_p = k_p.reshape(S, B, NUM_HEADS, HEAD_DIM).transpose(1, 2, 0, 3)  # (B,h,S,dh)
    v_p = v_p.reshape(S, B, NUM_HEADS, HEAD_DIM).transpose(1, 2, 0, 3)
    attn = jnp.einsum('bkhie,bhje->bkhij', q, k_p)
    # --- relative position logits ---
    idx = jnp.arange(S)
    idx_grid = idx[None, :] - idx[-T:, None]
    idx_grid = jnp.clip(idx_grid, 1 - MAX_POS, MAX_POS - 1) + MAX_POS
    rlog = jnp.einsum('bkhid,hdj->bkhij', q, rel_pos_emb)
    idx_b = jnp.broadcast_to(idx_grid[None, None, None], (B, TOP_K, NUM_HEADS, T, S))
    rel = jnp.take_along_axis(rlog, idx_b, axis=-1)
    attn = attn + rel
    attn = jax.nn.softmax(attn, axis=-1)
    out_h = jnp.einsum('bkhij,bhje->bkhie', attn, v_p)  # (B,k,h,T,dh)
    y = out_h.transpose(3, 0, 1, 2, 4).reshape(T * B, TOP_K, EXPERT_DIM)
    # --- MoE reduce: gate-weighted per-expert output projection ---
    comb = jax.nn.one_hot(top_idx, NUM_EXPERT, dtype=y.dtype) * top_gates[:, :, None]  # (n,k,E)
    z = jnp.einsum('nkd,nke->ned', y, comb)
    out = jnp.einsum('ned,edm->nm', z, Wo).reshape(T, B, D)
    return out

if __name__ == "__main__":
    import jax
    _d = setup_inputs()
    print(jax.jit(kernel)(*tuple(_d.values())))

</pallas_src>

<mosaic_0001>
#map = affine_map<(d0, d1) -> (0, 0, 0)>
#map1 = affine_map<(d0, d1) -> (0)>
module attributes {stable_mosaic.version = 14 : i64} {
  func.func @_sc_gate_kernel(%arg0: i32, %arg1: i32, %arg2: memref<32x16x64xf32, #tpu.memory_space<hbm>>, %arg3: memref<2048xi32, #tpu.memory_space<hbm>>, %arg4: memref<2048xi32, #tpu.memory_space<hbm>>, %arg5: memref<2048xf32, #tpu.memory_space<hbm>>, %arg6: memref<2048xf32, #tpu.memory_space<hbm>>, %arg7: memref<16x64xf32, #tpu.memory_space<vmem>>, %arg8: memref<64xi32, #tpu.memory_space<vmem>>, %arg9: memref<64xi32, #tpu.memory_space<vmem>>, %arg10: memref<64xf32, #tpu.memory_space<vmem>>, %arg11: memref<64xf32, #tpu.memory_space<vmem>>) attributes {dimension_semantics = [#tpu.dimension_semantics<core_parallel>, #tpu.dimension_semantics<subcore_parallel>], iteration_bounds = array<i64: 2, 16>, scalar_prefetch = 0 : i64, scratch_operands = 5 : i64, tpu.core_type = #tpu.core_type<sc_vector_subcore>, window_params = [{transform_indices = #map}, {transform_indices = #map1}, {transform_indices = #map1}, {transform_indices = #map1}, {transform_indices = #map1}]} {
    %mul3A = arith.constant 2 : i32
    %mul3A_0 = arith.muli %arg1, %mul3A : i32
    %add3A = arith.addi %mul3A_0, %arg0 : i32
    "tpu.region"() ({
      %run_scoped3A = tpu.sem_alloc : memref<!tpu.dma_semaphore, #tpu.memory_space<semaphore_mem>>
      %dma_start3A = arith.constant 0 : i32
      %dma_start3A_1836 = arith.constant 0 : i32
      %dma_start3A_1837 = tpu.memref_slice %arg2[%add3A, %dma_start3A, %dma_start3A_1836] : memref<32x16x64xf32, #tpu.memory_space<hbm>> -> memref<1x16x64xf32, #tpu.memory_space<hbm>>
      %dma_start3A_1838 = tpu.memref_squeeze %dma_start3A_1837 : memref<1x16x64xf32, #tpu.memory_space<hbm>> -> memref<16x64xf32, #tpu.memory_space<hbm>>
      %dma_start3A_1839 = arith.constant 0 : i32
      %dma_start3A_1840 = arith.constant 0 : i32
      %dma_start3A_1841 = tpu.memref_slice %arg2[%add3A, %dma_start3A_1839, %dma_start3A_1840] : memref<32x16x64xf32, #tpu.memory_space<hbm>> -> memref<1x16x64xf32, #tpu.memory_space<hbm>>
      %dma_start3A_1842 = tpu.memref_squeeze %dma_start3A_1841 : memref<1x16x64xf32, #tpu.memory_space<hbm>> -> memref<16x64xf32, #tpu.memory_space<hbm>>
      tpu.enqueue_dma source(%dma_start3A_1842 : memref<16x64xf32, #tpu.memory_space<hbm>>) target(%arg7 : memref<16x64xf32, #tpu.memory_space<vmem>>) target_semaphore(%run_scoped3A : memref<!tpu.dma_semaphore, #tpu.memory_space<semaphore_mem>>)
      %dma_wait3A = arith.constant 0 : i32
      %dma_wait3A_1843 = arith.constant 0 : i32
      %dma_wait3A_1844 = tpu.memref_slice %arg2[%add3A, %dma_wait3A, %dma_wait3A_1843] : memref<32x16x64xf32, #tpu.memory_space<hbm>> -> memref<1x16x64xf32, #tpu.memory_space<hbm>>
      %dma_wait3A_1845 = tpu.memref_squeeze %dma_wait3A_1844 : memref<1x16x64xf32, #tpu.memory_space<hbm>> -> memref<16x64xf32, #tpu.memory_space<hbm>>
      %dma_wait3A_1846 = arith.constant 0 : i32
      %dma_wait3A_1847 = arith.constant 0 : i32
      %dma_wait3A_1848 = tpu.memref_slice %arg2[%add3A, %dma_wait3A_1846, %dma_wait3A_1847] : memref<32x16x64xf32, #tpu.memory_space<hbm>> -> memref<1x16x64xf32, #tpu.memory_space<hbm>>
      %dma_wait3A_1849 = tpu.memref_squeeze %dma_wait3A_1848 : memref<1x16x64xf32, #tpu.memory_space<hbm>> -> memref<16x64xf32, #tpu.memory_space<hbm>>
      tpu.wait_dma2 semaphore(%run_scoped3A : memref<!tpu.dma_semaphore, #tpu.memory_space<semaphore_mem>>) src(%dma_wait3A_1849 : memref<16x64xf32, #tpu.memory_space<hbm>>) dst(%arg7 : memref<16x64xf32, #tpu.memory_space<vmem>>)
      tpu.yield
    }) : () -> ()
    %get3A = arith.constant 0 : i32
    %get3A_1 = arith.index_cast %get3A : i32 to index
    %get3A_2 = arith.constant 0 : index
    %get3A_3 = tpu.vector_load %arg7[%get3A_1, %get3A_2] {strides = array<i32>} : memref<16x64xf32, #tpu.memory_space<vmem>>, vector<1x16xf32>,
    %get3A_4 = vector.shape_cast %get3A_3 : vector<1x16xf32> to vector<16xf32>
    %get3A_5 = arith.constant 1 : i32
    %get3A_6 = arith.index_cast %get3A_5 : i32 to index
    %get3A_7 = arith.constant 0 : index
    %get3A_8 = tpu.vector_load %arg7[%get3A_6, %get3A_7] {strides = array<i32>} : memref<16x64xf32, #tpu.memory_space<vmem>>, vector<1x16xf32>,
    %get3A_9 = vector.shape_cast %get3A_8 : vector<1x16xf32> to vector<16xf32>
    %get3A_10 = arith.constant 2 : i32
    %get3A_11 = arith.index_cast %get3A_10 : i32 to index
    %get3A_12 = arith.constant 0 : index
    %get3A_13 = tpu.vector_load %arg7[%get3A_11, %get3A_12] {strides = array<i32>} : memref<16x64xf32, #tpu.memory_space<vmem>>, vector<1x16xf32>,
    %get3A_14 = vector.shape_cast %get3A_13 : vector<1x16xf32> to vector<16xf32>
    %get3A_15 = arith.constant 3 : i32
    %get3A_16 = arith.index_cast %get3A_15 : i32 to index
    %get3A_17 = arith.constant 0 : index
    %get3A_18 = tpu.vector_load %arg7[%get3A_16, %get3A_17] {strides = array<i32>} : memref<16x64xf32, #tpu.memory_space<vmem>>, vector<1x16xf32>,
    %get3A_19 = vector.shape_cast %get3A_18 : vector<1x16xf32> to vector<16xf32>
    %get3A_20 = arith.constant 4 : i32
    %get3A_21 = arith.index_cast %get3A_20 : i32 to index
    %get3A_22 = arith.constant 0 : index
    %get3A_23 = tpu.vector_load %arg7[%get3A_21, %get3A_22] {strides = array<i32>} : memref<16x64xf32, #tpu.memory_space<vmem>>, vector<1x16xf32>,
    %get3A_24 = vector.shape_cast %get3A_23 : vector<1x16xf32> to vector<16xf32>
    %get3A_25 = arith.constant 5 : i32
    %get3A_26 = arith.index_cast %get3A_25 : i32 to index
    %get3A_27 = arith.constant 0 : index
    %get3A_28 = tpu.vector_load %arg7[%get3A_26, %get3A_27] {strides = array<i32>} : memref<16x64xf32, #tpu.memory_space<vmem>>, vector<1x16xf32>,
    %get3A_29 = vector.shape_cast %get3A_28 : vector<1x16xf32> to vector<16xf32>
    %get3A_30 = arith.constant 6 : i32
    %get3A_31 = arith.index_cast %get3A_30 : i32 to index
    %get3A_32 = arith.constant 0 : index
    %get3A_33 = tpu.vector_load %arg7[%get3A_31, %get3A_32] {strides = array<i32>} : memref<16x64xf32, #tpu.memory_space<vmem>>, vector<1x16xf32>,
    %get3A_34 = vector.shape_cast %get3A_33 : vector<1x16xf32> to vector<16xf32>
    %get3A_35 = arith.constant 7 : i32
    %get3A_36 = arith.index_cast %get3A_35 : i32 to index
    %get3A_37 = arith.constant 0 : index
    %get3A_38 = tpu.vector_load %arg7[%get3A_36, %get3A_37] {strides = array<i32>} : memref<16x64xf32, #tpu.memory_space<vmem>>, vector<1x16xf32>,
    %get3A_39 = vector.shape_cast %get3A_38 : vector<1x16xf32> to vector<16xf32>
    %get3A_40 = arith.constant 8 : i32
    %get3A_41 = arith.index_cast %get3A_40 : i32 to index
    %get3A_42 = arith.constant 0 : index
    %get3A_43 = tpu.vector_load %arg7[%get3A_41, %get3A_42] {strides = array<i32>} : memref<16x64xf32, #tpu.memory_space<vmem>>, vector<1x16xf32>,
    %get3A_44 = vector.shape_cast %get3A_43 : vector<1x16xf32> to vector<16xf32>
    %get3A_45 = arith.constant 9 : i32
    %get3A_46 = arith.index_cast %get3A_45 : i32 to index
    %get3A_47 = arith.constant 0 : index
    %get3A_48 = tpu.vector_load %arg7[%get3A_46, %get3A_47] {strides = array<i32>} : memref<16x64xf32, #tpu.memory_space<vmem>>, vector<1x16xf32>,
    %get3A_49 = vector.shape_cast %get3A_48 : vector<1x16xf32> to vector<16xf32>
    %get3A_50 = arith.constant 10 : i32
    %get3A_51 = arith.index_cast %get3A_50 : i32 to index
    %get3A_52 = arith.constant 0 : index
    %get3A_53 = tpu.vector_load %arg7[%get3A_51, %get3A_52] {strides = array<i32>} : memref<16x64xf32, #tpu.memory_space<vmem>>, vector<1x16xf32>,
    %get3A_54 = vector.shape_cast %get3A_53 : vector<1x16xf32> to vector<16xf32>
    %get3A_55 = arith.constant 11 : i32
    %get3A_56 = arith.index_cast %get3A_55 : i32 to index
    %get3A_57 = arith.constant 0 : index
    %get3A_58 = tpu.vector_load %arg7[%get3A_56, %get3A_57] {strides = array<i32>} : memref<16x64xf32, #tpu.memory_space<vmem>>, vector<1x16xf32>,
    %get3A_59 = vector.shape_cast %get3A_58 : vector<1x16xf32> to vector<16xf32>
    %get3A_60 = arith.constant 12 : i32
    %get3A_61 = arith.index_cast %get3A_60 : i32 to index
    %get3A_62 = arith.constant 0 : index
    %get3A_63 = tpu.vector_load %arg7[%get3A_61, %get3A_62] {strides = array<i32>} : memref<16x64xf32, #tpu.memory_space<vmem>>, vector<1x16xf32>,
    %get3A_64 = vector.shape_cast %get3A_63 : vector<1x16xf32> to vector<16xf32>
    %get3A_65 = arith.constant 13 : i32
    %get3A_66 = arith.index_cast %get3A_65 : i32 to index
    %get3A_67 = arith.constant 0 : index
    %get3A_68 = tpu.vector_load %arg7[%get3A_66, %get3A_67] {strides = array<i32>} : memref<16x64xf32, #tpu.memory_space<vmem>>, vector<1x16xf32>,
    %get3A_69 = vector.shape_cast %get3A_68 : vector<1x16xf32> to vector<16xf32>
    %get3A_70 = arith.constant 14 : i32
    %get3A_71 = arith.index_cast %get3A_70 : i32 to index
    %get3A_72 = arith.constant 0 : index
    %get3A_73 = tpu.vector_load %arg7[%get3A_71, %get3A_72] {strides = array<i32>} : memref<16x64xf32, #tpu.memory_space<vmem>>, vector<1x16xf32>,
    %get3A_74 = vector.shape_cast %get3A_73 : vector<1x16xf32> to vector<16xf32>
    %get3A_75 = arith.constant 15 : i32
    %get3A_76 = arith.index_cast %get3A_75 : i32 to index
    %get3A_77 = arith.constant 0 : index
    %get3A_78 = tpu.vector_load %arg7[%get3A_76, %get3A_77] {strides = array<i32>} : memref<16x64xf32, #tpu.memory_space<vmem>>, vector<1x16xf32>,
    %get3A_79 = vector.shape_cast %get3A_78 : vector<1x16xf32> to vector<16xf32>
    %max3A = arith.maximumf %get3A_4, %get3A_9 : vector<16xf32>
    %max3A_80 = arith.maximumf %max3A, %get3A_14 : vector<16xf32>
    %max3A_81 = arith.maximumf %max3A_80, %get3A_19 : vector<16xf32>
    %max3A_82 = arith.maximumf %max3A_81, %get3A_24 : vector<16xf32>
    %max3A_83 = arith.maximumf %max3A_82, %get3A_29 : vector<16xf32>
    %max3A_84 = arith.maximumf %max3A_83, %get3A_34 : vector<16xf32>
    %max3A_85 = arith.maximumf %max3A_84, %get3A_39 : vector<16xf32>
    %max3A_86 = arith.maximumf %max3A_85, %get3A_44 : vector<16xf32>
    %max3A_87 = arith.maximumf %max3A_86, %get3A_49 : vector<16xf32>
    %max3A_88 = arith.maximumf %max3A_87, %get3A_54 : vector<16xf32>
    %max3A_89 = arith.maximumf %max3A_88, %get3A_59 : vector<16xf32>
    %max3A_90 = arith.maximumf %max3A_89, %get3A_64 : vector<16xf32>
    %max3A_91 = arith.maximumf %max3A_90, %get3A_69 : vector<16xf32>
    %max3A_92 = arith.maximumf %max3A_91, %get3A_74 : vector<16xf32>
    %max3A_93 = arith.maximumf %max3A_92, %get3A_79 : vector<16xf32>
    %broadcast_in_dim3A = arith.constant 16 : i32
    %broadcast_in_dim3A_94 = vector.broadcast %broadcast_in_dim3A : i32 to vector<16xi32>
    %eq3A = arith.cmpf oeq, %get3A_4, %max3A_93 : vector<16xf32>
    %jit3A = arith.constant 0 : i32
    %jit3A_95 = arith.constant 16 : i32
    %broadcast_in_dim3A_96 = vector.broadcast %jit3A : i32 to vector<16xi32>
    %broadcast_in_dim3A_97 = vector.broadcast %jit3A_95 : i32 to vector<16xi32>
    %select_n3A = arith.select %eq3A, %broadcast_in_dim3A_96, %broadcast_in_dim3A_97 : vector<16xi1>, vector<16xi32>
    %min3A = arith.minsi %broadcast_in_dim3A_94, %select_n3A : vector<16xi32>
    %eq3A_98 = arith.cmpf oeq, %get3A_9, %max3A_93 : vector<16xf32>
    %jit3A_99 = arith.constant 1 : i32
    %jit3A_100 = arith.constant 16 : i32
    %broadcast_in_dim3A_101 = vector.broadcast %jit3A_99 : i32 to vector<16xi32>
    %broadcast_in_dim3A_102 = vector.broadcast %jit3A_100 : i32 to vector<16xi32>
    %select_n3A_103 = arith.select %eq3A_98, %broadcast_in_dim3A_101, %broadcast_in_dim3A_102 : vector<16xi1>, vector<16xi32>
    %min3A_104 = arith.minsi %min3A, %select_n3A_103 : vector<16xi32>
    %eq3A_105 = arith.cmpf oeq, %get3A_14, %max3A_93 : vector<16xf32>
    %jit3A_106 = arith.constant 2 : i32
    %jit3A_107 = arith.constant 16 : i32
    %broadcast_in_dim3A_108 = vector.broadcast %jit3A_106 : i32 to vector<16xi32>
    %broadcast_in_dim3A_109 = vector.broadcast %jit3A_107 : i32 to vector<16xi32>
    %select_n3A_110 = arith.select %eq3A_105, %broadcast_in_dim3A_108, %broadcast_in_dim3A_109 : vector<16xi1>, vector<16xi32>
    %min3A_111 = arith.minsi %min3A_104, %select_n3A_110 : vector<16xi32>
    %eq3A_112 = arith.cmpf oeq, %get3A_19, %max3A_93 : vector<16xf32>
    %jit3A_113 = arith.constant 3 : i32
    %jit3A_114 = arith.constant 16 : i32
    %broadcast_in_dim3A_115 = vector.broadcast %jit3A_113 : i32 to vector<16xi32>
    %broadcast_in_dim3A_116 = vector.broadcast %jit3A_114 : i32 to vector<16xi32>
    %select_n3A_117 = arith.select %eq3A_112, %broadcast_in_dim3A_115, %broadcast_in_dim3A_116 : vector<16xi1>, vector<16xi32>
    %min3A_118 = arith.minsi %min3A_111, %select_n3A_117 : vector<16xi32>
    %eq3A_119 = arith.cmpf oeq, %get3A_24, %max3A_93 : vector<16xf32>
    %jit3A_120 = arith.constant 4 : i32
    %jit3A_121 = arith.constant 16 : i32
    %broadcast_in_dim3A_122 = vector.broadcast %jit3A_120 : i32 to vector<16xi32>
    %broadcast_in_dim3A_123 = vector.broadcast %jit3A_121 : i32 to vector<16xi32>
    %select_n3A_124 = arith.select %eq3A_119, %broadcast_in_dim3A_122, %broadcast_in_dim3A_123 : vector<16xi1>, vector<16xi32>
    %min3A_125 = arith.minsi %min3A_118, %select_n3A_124 : vector<16xi32>
    %eq3A_126 = arith.cmpf oeq, %get3A_29, %max3A_93 : vector<16xf32>
    %jit3A_127 = arith.constant 5 : i32
    %jit3A_128 = arith.constant 16 : i32
    %broadcast_in_dim3A_129 = vector.broadcast %jit3A_127 : i32 to vector<16xi32>
    %broadcast_in_dim3A_130 = vector.broadcast %jit3A_128 : i32 to vector<16xi32>
    %select_n3A_131 = arith.select %eq3A_126, %broadcast_in_dim3A_129, %broadcast_in_dim3A_130 : vector<16xi1>, vector<16xi32>
    %min3A_132 = arith.minsi %min3A_125, %select_n3A_131 : vector<16xi32>
    %eq3A_133 = arith.cmpf oeq, %get3A_34, %max3A_93 : vector<16xf32>
    %jit3A_134 = arith.constant 6 : i32
    %jit3A_135 = arith.constant 16 : i32
    %broadcast_in_dim3A_136 = vector.broadcast %jit3A_134 : i32 to vector<16xi32>
    %broadcast_in_dim3A_137 = vector.broadcast %jit3A_135 : i32 to vector<16xi32>
    %select_n3A_138 = arith.select %eq3A_133, %broadcast_in_dim3A_136, %broadcast_in_dim3A_137 : vector<16xi1>, vector<16xi32>
    %min3A_139 = arith.minsi %min3A_132, %select_n3A_138 : vector<16xi32>
    %eq3A_140 = arith.cmpf oeq, %get3A_39, %max3A_93 : vector<16xf32>
    %jit3A_141 = arith.constant 7 : i32
    %jit3A_142 = arith.constant 16 : i32
    %broadcast_in_dim3A_143 = vector.broadcast %jit3A_141 : i32 to vector<16xi32>
    %broadcast_in_dim3A_144 = vector.broadcast %jit3A_142 : i32 to vector<16xi32>
    %select_n3A_145 = arith.select %eq3A_140, %broadcast_in_dim3A_143, %broadcast_in_dim3A_144 : vector<16xi1>, vector<16xi32>
    %min3A_146 = arith.minsi %min3A_139, %select_n3A_145 : vector<16xi32>
    %eq3A_147 = arith.cmpf oeq, %get3A_44, %max3A_93 : vector<16xf32>
    %jit3A_148 = arith.constant 8 : i32
    %jit3A_149 = arith.constant 16 : i32
    %broadcast_in_dim3A_150 = vector.broadcast %jit3A_148 : i32 to vector<16xi32>
    %broadcast_in_dim3A_151 = vector.broadcast %jit3A_149 : i32 to vector<16xi32>
    %select_n3A_152 = arith.select %eq3A_147, %broadcast_in_dim3A_150, %broadcast_in_dim3A_151 : vector<16xi1>, vector<16xi32>
    %min3A_153 = arith.minsi %min3A_146, %select_n3A_152 : vector<16xi32>
    %eq3A_154 = arith.cmpf oeq, %get3A_49, %max3A_93 : vector<16xf32>
    %jit3A_155 = arith.constant 9 : i32
    %jit3A_156 = arith.constant 16 : i32
    %broadcast_in_dim3A_157 = vector.broadcast %jit3A_155 : i32 to vector<16xi32>
    %broadcast_in_dim3A_158 = vector.broadcast %jit3A_156 : i32 to vector<16xi32>
    %select_n3A_159 = arith.select %eq3A_154, %broadcast_in_dim3A_157, %broadcast_in_dim3A_158 : vector<16xi1>, vector<16xi32>
    %min3A_160 = arith.minsi %min3A_153, %select_n3A_159 : vector<16xi32>
    %eq3A_161 = arith.cmpf oeq, %get3A_54, %max3A_93 : vector<16xf32>
    %jit3A_162 = arith.constant 10 : i32
    %jit3A_163 = arith.constant 16 : i32
    %broadcast_in_dim3A_164 = vector.broadcast %jit3A_162 : i32 to vector<16xi32>
    %broadcast_in_dim3A_165 = vector.broadcast %jit3A_163 : i32 to vector<16xi32>
    %select_n3A_166 = arith.select %eq3A_161, %broadcast_in_dim3A_164, %broadcast_in_dim3A_165 : vector<16xi1>, vector<16xi32>
    %min3A_167 = arith.minsi %min3A_160, %select_n3A_166 : vector<16xi32>
    %eq3A_168 = arith.cmpf oeq, %get3A_59, %max3A_93 : vector<16xf32>
    %jit3A_169 = arith.constant 11 : i32
    %jit3A_170 = arith.constant 16 : i32
    %broadcast_in_dim3A_171 = vector.broadcast %jit3A_169 : i32 to vector<16xi32>
    %broadcast_in_dim3A_172 = vector.broadcast %jit3A_170 : i32 to vector<16xi32>
    %select_n3A_173 = arith.select %eq3A_168, %broadcast_in_dim3A_171, %broadcast_in_dim3A_172 : vector<16xi1>, vector<16xi32>
    %min3A_174 = arith.minsi %min3A_167, %select_n3A_173 : vector<16xi32>
    %eq3A_175 = arith.cmpf oeq, %get3A_64, %max3A_93 : vector<16xf32>
    %jit3A_176 = arith.constant 12 : i32
    %jit3A_177 = arith.constant 16 : i32
    %broadcast_in_dim3A_178 = vector.broadcast %jit3A_176 : i32 to vector<16xi32>
    %broadcast_in_dim3A_179 = vector.broadcast %jit3A_177 : i32 to vector<16xi32>
    %select_n3A_180 = arith.select %eq3A_175, %broadcast_in_dim3A_178, %broadcast_in_dim3A_179 : vector<16xi1>, vector<16xi32>
    %min3A_181 = arith.minsi %min3A_174, %select_n3A_180 : vector<16xi32>
    %eq3A_182 = arith.cmpf oeq, %get3A_69, %max3A_93 : vector<16xf32>
    %jit3A_183 = arith.constant 13 : i32
    %jit3A_184 = arith.constant 16 : i32
    %broadcast_in_dim3A_185 = vector.broadcast %jit3A_183 : i32 to vector<16xi32>
    %broadcast_in_dim3A_186 = vector.broadcast %jit3A_184 : i32 to vector<16xi32>
    %select_n3A_187 = arith.select %eq3A_182, %broadcast_in_dim3A_185, %broadcast_in_dim3A_186 : vector<16xi1>, vector<16xi32>
    %min3A_188 = arith.minsi %min3A_181, %select_n3A_187 : vector<16xi32>
    %eq3A_189 = arith.cmpf oeq, %get3A_74, %max3A_93 : vector<16xf32>
    %jit3A_190 = arith.constant 14 : i32
    %jit3A_191 = arith.constant 16 : i32
    %broadcast_in_dim3A_192 = vector.broadcast %jit3A_190 : i32 to vector<16xi32>
    %broadcast_in_dim3A_193 = vector.broadcast %jit3A_191 : i32 to vector<16xi32>
    %select_n3A_194 = arith.select %eq3A_189, %broadcast_in_dim3A_192, %broadcast_in_dim3A_193 : vector<16xi1>, vector<16xi32>
    %min3A_195 = arith.minsi %min3A_188, %select_n3A_194 : vector<16xi32>
    %eq3A_196 = arith.cmpf oeq, %get3A_79, %max3A_93 : vector<16xf32>
    %jit3A_197 = arith.constant 15 : i32
    %jit3A_198 = arith.constant 16 : i32
    %broadcast_in_dim3A_199 = vector.broadcast %jit3A_197 : i32 to vector<16xi32>
    %broadcast_in_dim3A_200 = vector.broadcast %jit3A_198 : i32 to vector<16xi32>
    %select_n3A_201 = arith.select %eq3A_196, %broadcast_in_dim3A_199, %broadcast_in_dim3A_200 : vector<16xi1>, vector<16xi32>
    %min3A_202 = arith.minsi %min3A_195, %select_n3A_201 : vector<16xi32>
    %eq3A_203 = arith.constant 0 : i32
    %eq3A_204 = vector.broadcast %eq3A_203 : i32 to vector<16xi32>
    %eq3A_205 = arith.cmpi eq, %min3A_202, %eq3A_204 : vector<16xi32>
    %jit3A_206 = arith.constant 0xFF800000 : f32
    %broadcast_in_dim3A_207 = vector.broadcast %jit3A_206 : f32 to vector<16xf32>
    %select_n3A_208 = arith.select %eq3A_205, %broadcast_in_dim3A_207, %get3A_4 : vector<16xi1>, vector<16xf32>
    %eq3A_209 = arith.constant 1 : i32
    %eq3A_210 = vector.broadcast %eq3A_209 : i32 to vector<16xi32>
    %eq3A_211 = arith.cmpi eq, %min3A_202, %eq3A_210 : vector<16xi32>
    %jit3A_212 = arith.constant 0xFF800000 : f32
    %broadcast_in_dim3A_213 = vector.broadcast %jit3A_212 : f32 to vector<16xf32>
    %select_n3A_214 = arith.select %eq3A_211, %broadcast_in_dim3A_213, %get3A_9 : vector<16xi1>, vector<16xf32>
    %eq3A_215 = arith.constant 2 : i32
    %eq3A_216 = vector.broadcast %eq3A_215 : i32 to vector<16xi32>
    %eq3A_217 = arith.cmpi eq, %min3A_202, %eq3A_216 : vector<16xi32>
    %jit3A_218 = arith.constant 0xFF800000 : f32
    %broadcast_in_dim3A_219 = vector.broadcast %jit3A_218 : f32 to vector<16xf32>
    %select_n3A_220 = arith.select %eq3A_217, %broadcast_in_dim3A_219, %get3A_14 : vector<16xi1>, vector<16xf32>
    %eq3A_221 = arith.constant 3 : i32
    %eq3A_222 = vector.broadcast %eq3A_221 : i32 to vector<16xi32>
    %eq3A_223 = arith.cmpi eq, %min3A_202, %eq3A_222 : vector<16xi32>
    %jit3A_224 = arith.constant 0xFF800000 : f32
    %broadcast_in_dim3A_225 = vector.broadcast %jit3A_224 : f32 to vector<16xf32>
    %select_n3A_226 = arith.select %eq3A_223, %broadcast_in_dim3A_225, %get3A_19 : vector<16xi1>, vector<16xf32>
    %eq3A_227 = arith.constant 4 : i32
    %eq3A_228 = vector.broadcast %eq3A_227 : i32 to vector<16xi32>
    %eq3A_229 = arith.cmpi eq, %min3A_202, %eq3A_228 : vector<16xi32>
    %jit3A_230 = arith.constant 0xFF800000 : f32
    %broadcast_in_dim3A_231 = vector.broadcast %jit3A_230 : f32 to vector<16xf32>
    %select_n3A_232 = arith.select %eq3A_229, %broadcast_in_dim3A_231, %get3A_24 : vector<16xi1>, vector<16xf32>
    %eq3A_233 = arith.constant 5 : i32
    %eq3A_234 = vector.broadcast %eq3A_233 : i32 to vector<16xi32>
    %eq3A_235 = arith.cmpi eq, %min3A_202, %eq3A_234 : vector<16xi32>
    %jit3A_236 = arith.constant 0xFF800000 : f32
    %broadcast_in_dim3A_237 = vector.broadcast %jit3A_236 : f32 to vector<16xf32>
    %select_n3A_238 = arith.select %eq3A_235, %broadcast_in_dim3A_237, %get3A_29 : vector<16xi1>, vector<16xf32>
    %eq3A_239 = arith.constant 6 : i32
    %eq3A_240 = vector.broadcast %eq3A_239 : i32 to vector<16xi32>
    %eq3A_241 = arith.cmpi eq, %min3A_202, %eq3A_240 : vector<16xi32>
    %jit3A_242 = arith.constant 0xFF800000 : f32
    %broadcast_in_dim3A_243 = vector.broadcast %jit3A_242 : f32 to vector<16xf32>
    %select_n3A_244 = arith.select %eq3A_241, %broadcast_in_dim3A_243, %get3A_34 : vector<16xi1>, vector<16xf32>
    %eq3A_245 = arith.constant 7 : i32
    %eq3A_246 = vector.broadcast %eq3A_245 : i32 to vector<16xi32>
    %eq3A_247 = arith.cmpi eq, %min3A_202, %eq3A_246 : vector<16xi32>
    %jit3A_248 = arith.constant 0xFF800000 : f32
    %broadcast_in_dim3A_249 = vector.broadcast %jit3A_248 : f32 to vector<16xf32>
    %select_n3A_250 = arith.select %eq3A_247, %broadcast_in_dim3A_249, %get3A_39 : vector<16xi1>, vector<16xf32>
    %eq3A_251 = arith.constant 8 : i32
    %eq3A_252 = vector.broadcast %eq3A_251 : i32 to vector<16xi32>
    %eq3A_253 = arith.cmpi eq, %min3A_202, %eq3A_252 : vector<16xi32>
    %jit3A_254 = arith.constant 0xFF800000 : f32
    %broadcast_in_dim3A_255 = vector.broadcast %jit3A_254 : f32 to vector<16xf32>
    %select_n3A_256 = arith.select %eq3A_253, %broadcast_in_dim3A_255, %get3A_44 : vector<16xi1>, vector<16xf32>
    %eq3A_257 = arith.constant 9 : i32
    %eq3A_258 = vector.broadcast %eq3A_257 : i32 to vector<16xi32>
    %eq3A_259 = arith.cmpi eq, %min3A_202, %eq3A_258 : vector<16xi32>
    %jit3A_260 = arith.constant 0xFF800000 : f32
    %broadcast_in_dim3A_261 = vector.broadcast %jit3A_260 : f32 to vector<16xf32>
    %select_n3A_262 = arith.select %eq3A_259, %broadcast_in_dim3A_261, %get3A_49 : vector<16xi1>, vector<16xf32>
    %eq3A_263 = arith.constant 10 : i32
    %eq3A_264 = vector.broadcast %eq3A_263 : i32 to vector<16xi32>
    %eq3A_265 = arith.cmpi eq, %min3A_202, %eq3A_264 : vector<16xi32>
    %jit3A_266 = arith.constant 0xFF800000 : f32
    %broadcast_in_dim3A_267 = vector.broadcast %jit3A_266 : f32 to vector<16xf32>
    %select_n3A_268 = arith.select %eq3A_265, %broadcast_in_dim3A_267, %get3A_54 : vector<16xi1>, vector<16xf32>
    %eq3A_269 = arith.constant 11 : i32
    %eq3A_270 = vector.broadcast %eq3A_269 : i32 to vector<16xi32>
    %eq3A_271 = arith.cmpi eq, %min3A_202, %eq3A_270 : vector<16xi32>
    %jit3A_272 = arith.constant 0xFF800000 : f32
    %broadcast_in_dim3A_273 = vector.broadcast %jit3A_272 : f32 to vector<16xf32>
    %select_n3A_274 = arith.select %eq3A_271, %broadcast_in_dim3A_273, %get3A_59 : vector<16xi1>, vector<16xf32>
    %eq3A_275 = arith.constant 12 : i32
    %eq3A_276 = vector.broadcast %eq3A_275 : i32 to vector<16xi32>
    %eq3A_277 = arith.cmpi eq, %min3A_202, %eq3A_276 : vector<16xi32>
    %jit3A_278 = arith.constant 0xFF800000 : f32
    %broadcast_in_dim3A_279 = vector.broadcast %jit3A_278 : f32 to vector<16xf32>
    %select_n3A_280 = arith.select %eq3A_277, %broadcast_in_dim3A_279, %get3A_64 : vector<16xi1>, vector<16xf32>
    %eq3A_281 = arith.constant 13 : i32
    %eq3A_282 = vector.broadcast %eq3A_281 : i32 to vector<16xi32>
    %eq3A_283 = arith.cmpi eq, %min3A_202, %eq3A_282 : vector<16xi32>
    %jit3A_284 = arith.constant 0xFF800000 : f32
    %broadcast_in_dim3A_285 = vector.broadcast %jit3A_284 : f32 to vector<16xf32>
    %select_n3A_286 = arith.select %eq3A_283, %broadcast_in_dim3A_285, %get3A_69 : vector<16xi1>, vector<16xf32>
    %eq3A_287 = arith.constant 14 : i32
    %eq3A_288 = vector.broadcast %eq3A_287 : i32 to vector<16xi32>
    %eq3A_289 = arith.cmpi eq, %min3A_202, %eq3A_288 : vector<16xi32>
    %jit3A_290 = arith.constant 0xFF800000 : f32
    %broadcast_in_dim3A_291 = vector.broadcast %jit3A_290 : f32 to vector<16xf32>
    %select_n3A_292 = arith.select %eq3A_289, %broadcast_in_dim3A_291, %get3A_74 : vector<16xi1>, vector<16xf32>
    %eq3A_293 = arith.constant 15 : i32
    %eq3A_294 = vector.broadcast %eq3A_293 : i32 to vector<16xi32>
    %eq3A_295 = arith.cmpi eq, %min3A_202, %eq3A_294 : vector<16xi32>
    %jit3A_296 = arith.constant 0xFF800000 : f32
    %broadcast_in_dim3A_297 = vector.broadcast %jit3A_296 : f32 to vector<16xf32>
    %select_n3A_298 = arith.select %eq3A_295, %broadcast_in_dim3A_297, %get3A_79 : vector<16xi1>, vector<16xf32>
    %max3A_299 = arith.maximumf %select_n3A_208, %select_n3A_214 : vector<16xf32>
    %max3A_300 = arith.maximumf %max3A_299, %select_n3A_220 : vector<16xf32>
    %max3A_301 = arith.maximumf %max3A_300, %select_n3A_226 : vector<16xf32>
    %max3A_302 = arith.maximumf %max3A_301, %select_n3A_232 : vector<16xf32>
    %max3A_303 = arith.maximumf %max3A_302, %select_n3A_238 : vector<16xf32>
    %max3A_304 = arith.maximumf %max3A_303, %select_n3A_244 : vector<16xf32>
    %max3A_305 = arith.maximumf %max3A_304, %select_n3A_250 : vector<16xf32>
    %max3A_306 = arith.maximumf %max3A_305, %select_n3A_256 : vector<16xf32>
    %max3A_307 = arith.maximumf %max3A_306, %select_n3A_262 : vector<16xf32>
    %max3A_308 = arith.maximumf %max3A_307, %select_n3A_268 : vector<16xf32>
    %max3A_309 = arith.maximumf %max3A_308, %select_n3A_274 : vector<16xf32>
    %max3A_310 = arith.maximumf %max3A_309, %select_n3A_280 : vector<16xf32>
    %max3A_311 = arith.maximumf %max3A_310, %select_n3A_286 : vector<16xf32>
    %max3A_312 = arith.maximumf %max3A_311, %select_n3A_292 : vector<16xf32>
    %max3A_313 = arith.maximumf %max3A_312, %select_n3A_298 : vector<16xf32>
    %broadcast_in_dim3A_314 = arith.constant 16 : i32
    %broadcast_in_dim3A_315 = vector.broadcast %broadcast_in_dim3A_314 : i32 to vector<16xi32>
    %eq3A_316 = arith.cmpf oeq, %select_n3A_208, %max3A_313 : vector<16xf32>
    %jit3A_317 = arith.constant 0 : i32
    %jit3A_318 = arith.constant 16 : i32
    %broadcast_in_dim3A_319 = vector.broadcast %jit3A_317 : i32 to vector<16xi32>
    %broadcast_in_dim3A_320 = vector.broadcast %jit3A_318 : i32 to vector<16xi32>
    %select_n3A_321 = arith.select %eq3A_316, %broadcast_in_dim3A_319, %broadcast_in_dim3A_320 : vector<16xi1>, vector<16xi32>
    %min3A_322 = arith.minsi %broadcast_in_dim3A_315, %select_n3A_321 : vector<16xi32>
    %eq3A_323 = arith.cmpf oeq, %select_n3A_214, %max3A_313 : vector<16xf32>
    %jit3A_324 = arith.constant 1 : i32
    %jit3A_325 = arith.constant 16 : i32
    %broadcast_in_dim3A_326 = vector.broadcast %jit3A_324 : i32 to vector<16xi32>
    %broadcast_in_dim3A_327 = vector.broadcast %jit3A_325 : i32 to vector<16xi32>
    %select_n3A_328 = arith.select %eq3A_323, %broadcast_in_dim3A_326, %broadcast_in_dim3A_327 : vector<16xi1>, vector<16xi32>
    %min3A_329 = arith.minsi %min3A_322, %select_n3A_328 : vector<16xi32>
    %eq3A_330 = arith.cmpf oeq, %select_n3A_220, %max3A_313 : vector<16xf32>
    %jit3A_331 = arith.constant 2 : i32
    %jit3A_332 = arith.constant 16 : i32
    %broadcast_in_dim3A_333 = vector.broadcast %jit3A_331 : i32 to vector<16xi32>
    %broadcast_in_dim3A_334 = vector.broadcast %jit3A_332 : i32 to vector<16xi32>
    %select_n3A_335 = arith.select %eq3A_330, %broadcast_in_dim3A_333, %broadcast_in_dim3A_334 : vector<16xi1>, vector<16xi32>
    %min3A_336 = arith.minsi %min3A_329, %select_n3A_335 : vector<16xi32>
    %eq3A_337 = arith.cmpf oeq, %select_n3A_226, %max3A_313 : vector<16xf32>
    %jit3A_338 = arith.constant 3 : i32
    %jit3A_339 = arith.constant 16 : i32
    %broadcast_in_dim3A_340 = vector.broadcast %jit3A_338 : i32 to vector<16xi32>
    %broadcast_in_dim3A_341 = vector.broadcast %jit3A_339 : i32 to vector<16xi32>
    %select_n3A_342 = arith.select %eq3A_337, %broadcast_in_dim3A_340, %broadcast_in_dim3A_341 : vector<16xi1>, vector<16xi32>
    %min3A_343 = arith.minsi %min3A_336, %select_n3A_342 : vector<16xi32>
    %eq3A_344 = arith.cmpf oeq, %select_n3A_232, %max3A_313 : vector<16xf32>
    %jit3A_345 = arith.constant 4 : i32
    %jit3A_346 = arith.constant 16 : i32
    %broadcast_in_dim3A_347 = vector.broadcast %jit3A_345 : i32 to vector<16xi32>
    %broadcast_in_dim3A_348 = vector.broadcast %jit3A_346 : i32 to vector<16xi32>
    %select_n3A_349 = arith.select %eq3A_344, %broadcast_in_dim3A_347, %broadcast_in_dim3A_348 : vector<16xi1>, vector<16xi32>
    %min3A_350 = arith.minsi %min3A_343, %select_n3A_349 : vector<16xi32>
    %eq3A_351 = arith.cmpf oeq, %select_n3A_238, %max3A_313 : vector<16xf32>
    %jit3A_352 = arith.constant 5 : i32
    %jit3A_353 = arith.constant 16 : i32
    %broadcast_in_dim3A_354 = vector.broadcast %jit3A_352 : i32 to vector<16xi32>
    %broadcast_in_dim3A_355 = vector.broadcast %jit3A_353 : i32 to vector<16xi32>
    %select_n3A_356 = arith.select %eq3A_351, %broadcast_in_dim3A_354, %broadcast_in_dim3A_355 : vector<16xi1>, vector<16xi32>
    %min3A_357 = arith.minsi %min3A_350, %select_n3A_356 : vector<16xi32>
    %eq3A_358 = arith.cmpf oeq, %select_n3A_244, %max3A_313 : vector<16xf32>
    %jit3A_359 = arith.constant 6 : i32
    %jit3A_360 = arith.constant 16 : i32
    %broadcast_in_dim3A_361 = vector.broadcast %jit3A_359 : i32 to vector<16xi32>
    %broadcast_in_dim3A_362 = vector.broadcast %jit3A_360 : i32 to vector<16xi32>
    %select_n3A_363 = arith.select %eq3A_358, %broadcast_in_dim3A_361, %broadcast_in_dim3A_362 : vector<16xi1>, vector<16xi32>
    %min3A_364 = arith.minsi %min3A_357, %select_n3A_363 : vector<16xi32>
    %eq3A_365 = arith.cmpf oeq, %select_n3A_250, %max3A_313 : vector<16xf32>
    %jit3A_366 = arith.constant 7 : i32
    %jit3A_367 = arith.constant 16 : i32
    %broadcast_in_dim3A_368 = vector.broadcast %jit3A_366 : i32 to vector<16xi32>
    %broadcast_in_dim3A_369 = vector.broadcast %jit3A_367 : i32 to vector<16xi32>
    %select_n3A_370 = arith.select %eq3A_365, %broadcast_in_dim3A_368, %broadcast_in_dim3A_369 : vector<16xi1>, vector<16xi32>
    %min3A_371 = arith.minsi %min3A_364, %select_n3A_370 : vector<16xi32>
    %eq3A_372 = arith.cmpf oeq, %select_n3A_256, %max3A_313 : vector<16xf32>
    %jit3A_373 = arith.constant 8 : i32
    %jit3A_374 = arith.constant 16 : i32
    %broadcast_in_dim3A_375 = vector.broadcast %jit3A_373 : i32 to vector<16xi32>
    %broadcast_in_dim3A_376 = vector.broadcast %jit3A_374 : i32 to vector<16xi32>
    %select_n3A_377 = arith.select %eq3A_372, %broadcast_in_dim3A_375, %broadcast_in_dim3A_376 : vector<16xi1>, vector<16xi32>
    %min3A_378 = arith.minsi %min3A_371, %select_n3A_377 : vector<16xi32>
    %eq3A_379 = arith.cmpf oeq, %select_n3A_262, %max3A_313 : vector<16xf32>
    %jit3A_380 = arith.constant 9 : i32
    %jit3A_381 = arith.constant 16 : i32
    %broadcast_in_dim3A_382 = vector.broadcast %jit3A_380 : i32 to vector<16xi32>
    %broadcast_in_dim3A_383 = vector.broadcast %jit3A_381 : i32 to vector<16xi32>
    %select_n3A_384 = arith.select %eq3A_379, %broadcast_in_dim3A_382, %broadcast_in_dim3A_383 : vector<16xi1>, vector<16xi32>
    %min3A_385 = arith.minsi %min3A_378, %select_n3A_384 : vector<16xi32>
    %eq3A_386 = arith.cmpf oeq, %select_n3A_268, %max3A_313 : vector<16xf32>
    %jit3A_387 = arith.constant 10 : i32
    %jit3A_388 = arith.constant 16 : i32
    %broadcast_in_dim3A_389 = vector.broadcast %jit3A_387 : i32 to vector<16xi32>
    %broadcast_in_dim3A_390 = vector.broadcast %jit3A_388 : i32 to vector<16xi32>
    %select_n3A_391 = arith.select %eq3A_386, %broadcast_in_dim3A_389, %broadcast_in_dim3A_390 : vector<16xi1>, vector<16xi32>
    %min3A_392 = arith.minsi %min3A_385, %select_n3A_391 : vector<16xi32>
    %eq3A_393 = arith.cmpf oeq, %select_n3A_274, %max3A_313 : vector<16xf32>
    %jit3A_394 = arith.constant 11 : i32
    %jit3A_395 = arith.constant 16 : i32
    %broadcast_in_dim3A_396 = vector.broadcast %jit3A_394 : i32 to vector<16xi32>
    %broadcast_in_dim3A_397 = vector.broadcast %jit3A_395 : i32 to vector<16xi32>
    %select_n3A_398 = arith.select %eq3A_393, %broadcast_in_dim3A_396, %broadcast_in_dim3A_397 : vector<16xi1>, vector<16xi32>
    %min3A_399 = arith.minsi %min3A_392, %select_n3A_398 : vector<16xi32>
    %eq3A_400 = arith.cmpf oeq, %select_n3A_280, %max3A_313 : vector<16xf32>
    %jit3A_401 = arith.constant 12 : i32
    %jit3A_402 = arith.constant 16 : i32
    %broadcast_in_dim3A_403 = vector.broadcast %jit3A_401 : i32 to vector<16xi32>
    %broadcast_in_dim3A_404 = vector.broadcast %jit3A_402 : i32 to vector<16xi32>
    %select_n3A_405 = arith.select %eq3A_400, %broadcast_in_dim3A_403, %broadcast_in_dim3A_404 : vector<16xi1>, vector<16xi32>
    %min3A_406 = arith.minsi %min3A_399, %select_n3A_405 : vector<16xi32>
    %eq3A_407 = arith.cmpf oeq, %select_n3A_286, %max3A_313 : vector<16xf32>
    %jit3A_408 = arith.constant 13 : i32
    %jit3A_409 = arith.constant 16 : i32
    %broadcast_in_dim3A_410 = vector.broadcast %jit3A_408 : i32 to vector<16xi32>
    %broadcast_in_dim3A_411 = vector.broadcast %jit3A_409 : i32 to vector<16xi32>
    %select_n3A_412 = arith.select %eq3A_407, %broadcast_in_dim3A_410, %broadcast_in_dim3A_411 : vector<16xi1>, vector<16xi32>
    %min3A_413 = arith.minsi %min3A_406, %select_n3A_412 : vector<16xi32>
    %eq3A_414 = arith.cmpf oeq, %select_n3A_292, %max3A_313 : vector<16xf32>
    %jit3A_415 = arith.constant 14 : i32
    %jit3A_416 = arith.constant 16 : i32
    %broadcast_in_dim3A_417 = vector.broadcast %jit3A_415 : i32 to vector<16xi32>
    %broadcast_in_dim3A_418 = vector.broadcast %jit3A_416 : i32 to vector<16xi32>
    %select_n3A_419 = arith.select %eq3A_414, %broadcast_in_dim3A_417, %broadcast_in_dim3A_418 : vector<16xi1>, vector<16xi32>
    %min3A_420 = arith.minsi %min3A_413, %select_n3A_419 : vector<16xi32>
    %eq3A_421 = arith.cmpf oeq, %select_n3A_298, %max3A_313 : vector<16xf32>
    %jit3A_422 = arith.constant 15 : i32
    %jit3A_423 = arith.constant 16 : i32
    %broadcast_in_dim3A_424 = vector.broadcast %jit3A_422 : i32 to vector<16xi32>
    %broadcast_in_dim3A_425 = vector.broadcast %jit3A_423 : i32 to vector<16xi32>
    %select_n3A_426 = arith.select %eq3A_421, %broadcast_in_dim3A_424, %broadcast_in_dim3A_425 : vector<16xi1>, vector<16xi32>
    %min3A_427 = arith.minsi %min3A_420, %select_n3A_426 : vector<16xi32>
    %sub3A = arith.subf %max3A_313, %max3A_93 : vector<16xf32>
    %exp3A = math.exp %sub3A : vector<16xf32>
    %add3A_428 = arith.constant 1.000000e+00 : f32
    %add3A_429 = vector.broadcast %add3A_428 : f32 to vector<16xf32>
    %add3A_430 = arith.addf %add3A_429, %exp3A : vector<16xf32>
    %div3A = arith.constant 1.000000e+00 : f32
    %div3A_431 = vector.broadcast %div3A : f32 to vector<16xf32>
    %div3A_432 = arith.divf %div3A_431, %add3A_430 : vector<16xf32>
    %swap3A = arith.constant 0 : index
    %swap3A_433 = tpu.vector_load %arg8[%swap3A] {strides = array<i32>} : memref<64xi32, #tpu.memory_space<vmem>>, vector<16xi32>,
    %swap3A_434 = vector.shape_cast %swap3A_433 : vector<16xi32> to vector<16xi32>
    %swap3A_435 = vector.shape_cast %min3A_202 : vector<16xi32> to vector<16xi32>
    tpu.vector_store %arg8[%swap3A], %swap3A_435 {strides = array<i32>} : memref<64xi32, #tpu.memory_space<vmem>>, vector<16xi32>,
    %swap3A_436 = arith.constant 0 : index
    %swap3A_437 = tpu.vector_load %arg9[%swap3A_436] {strides = array<i32>} : memref<64xi32, #tpu.memory_space<vmem>>, vector<16xi32>,
    %swap3A_438 = vector.shape_cast %swap3A_437 : vector<16xi32> to vector<16xi32>
    %swap3A_439 = vector.shape_cast %min3A_427 : vector<16xi32> to vector<16xi32>
    tpu.vector_store %arg9[%swap3A_436], %swap3A_439 {strides = array<i32>} : memref<64xi32, #tpu.memory_space<vmem>>, vector<16xi32>,
    %swap3A_440 = arith.constant 0 : index
    %swap3A_441 = tpu.vector_load %arg10[%swap3A_440] {strides = array<i32>} : memref<64xf32, #tpu.memory_space<vmem>>, vector<16xf32>,
    %swap3A_442 = vector.shape_cast %swap3A_441 : vector<16xf32> to vector<16xf32>
    %swap3A_443 = vector.shape_cast %div3A_432 : vector<16xf32> to vector<16xf32>
    tpu.vector_store %arg10[%swap3A_440], %swap3A_443 {strides = array<i32>} : memref<64xf32, #tpu.memory_space<vmem>>, vector<16xf32>,
    %sub3A_444 = arith.constant 1.000000e+00 : f32
    %sub3A_445 = vector.broadcast %sub3A_444 : f32 to vector<16xf32>
    %sub3A_446 = arith.subf %sub3A_445, %div3A_432 : vector<16xf32>
    %swap3A_447 = arith.constant 0 : index
    %swap3A_448 = tpu.vector_load %arg11[%swap3A_447] {strides = array<i32>} : memref<64xf32, #tpu.memory_space<vmem>>, vector<16xf32>,
    %swap3A_449 = vector.shape_cast %swap3A_448 : vector<16xf32> to vector<16xf32>
    %swap3A_450 = vector.shape_cast %sub3A_446 : vector<16xf32> to vector<16xf32>
    tpu.vector_store %arg11[%swap3A_447], %swap3A_450 {strides = array<i32>} : memref<64xf32, #tpu.memory_space<vmem>>, vector<16xf32>,
    %get3A_451 = arith.constant 0 : i32
    %get3A_452 = arith.index_cast %get3A_451 : i32 to index
    %get3A_453 = arith.constant 16 : index
    %get3A_454 = tpu.vector_load %arg7[%get3A_452, %get3A_453] {strides = array<i32>} : memref<16x64xf32, #tpu.memory_space<vmem>>, vector<1x16xf32>,
    %get3A_455 = vector.shape_cast %get3A_454 : vector<1x16xf32> to vector<16xf32>
    %get3A_456 = arith.constant 1 : i32
    %get3A_457 = arith.index_cast %get3A_456 : i32 to index
    %get3A_458 = arith.constant 16 : index
    %get3A_459 = tpu.vector_load %arg7[%get3A_457, %get3A_458] {strides = array<i32>} : memref<16x64xf32, #tpu.memory_space<vmem>>, vector<1x16xf32>,
    %get3A_460 = vector.shape_cast %get3A_459 : vector<1x16xf32> to vector<16xf32>
    %get3A_461 = arith.constant 2 : i32
    %get3A_462 = arith.index_cast %get3A_461 : i32 to index
    %get3A_463 = arith.constant 16 : index
    %get3A_464 = tpu.vector_load %arg7[%get3A_462, %get3A_463] {strides = array<i32>} : memref<16x64xf32, #tpu.memory_space<vmem>>, vector<1x16xf32>,
    %get3A_465 = vector.shape_cast %get3A_464 : vector<1x16xf32> to vector<16xf32>
    %get3A_466 = arith.constant 3 : i32
    %get3A_467 = arith.index_cast %get3A_466 : i32 to index
    %get3A_468 = arith.constant 16 : index
    %get3A_469 = tpu.vector_load %arg7[%get3A_467, %get3A_468] {strides = array<i32>} : memref<16x64xf32, #tpu.memory_space<vmem>>, vector<1x16xf32>,
    %get3A_470 = vector.shape_cast %get3A_469 : vector<1x16xf32> to vector<16xf32>
    %get3A_471 = arith.constant 4 : i32
    %get3A_472 = arith.index_cast %get3A_471 : i32 to index
    %get3A_473 = arith.constant 16 : index
    %get3A_474 = tpu.vector_load %arg7[%get3A_472, %get3A_473] {strides = array<i32>} : memref<16x64xf32, #tpu.memory_space<vmem>>, vector<1x16xf32>,
    %get3A_475 = vector.shape_cast %get3A_474 : vector<1x16xf32> to vector<16xf32>
    %get3A_476 = arith.constant 5 : i32
    %get3A_477 = arith.index_cast %get3A_476 : i32 to index
    %get3A_478 = arith.constant 16 : index
    %get3A_479 = tpu.vector_load %arg7[%get3A_477, %get3A_478] {strides = array<i32>} : memref<16x64xf32, #tpu.memory_space<vmem>>, vector<1x16xf32>,
    %get3A_480 = vector.shape_cast %get3A_479 : vector<1x16xf32> to vector<16xf32>
    %get3A_481 = arith.constant 6 : i32
    %get3A_482 = arith.index_cast %get3A_481 : i32 to index
    %get3A_483 = arith.constant 16 : index
    %get3A_484 = tpu.vector_load %arg7[%get3A_482, %get3A_483] {strides = array<i32>} : memref<16x64xf32, #tpu.memory_space<vmem>>, vector<1x16xf32>,
    %get3A_485 = vector.shape_cast %get3A_484 : vector<1x16xf32> to vector<16xf32>
    %get3A_486 = arith.constant 7 : i32
    %get3A_487 = arith.index_cast %get3A_486 : i32 to index
    %get3A_488 = arith.constant 16 : index
    %get3A_489 = tpu.vector_load %arg7[%get3A_487, %get3A_488] {strides = array<i32>} : memref<16x64xf32, #tpu.memory_space<vmem>>, vector<1x16xf32>,
    %get3A_490 = vector.shape_cast %get3A_489 : vector<1x16xf32> to vector<16xf32>
    %get3A_491 = arith.constant 8 : i32
    %get3A_492 = arith.index_cast %get3A_491 : i32 to index
    %get3A_493 = arith.constant 16 : index
    %get3A_494 = tpu.vector_load %arg7[%get3A_492, %get3A_493] {strides = array<i32>} : memref<16x64xf32, #tpu.memory_space<vmem>>, vector<1x16xf32>,
    %get3A_495 = vector.shape_cast %get3A_494 : vector<1x16xf32> to vector<16xf32>
    %get3A_496 = arith.constant 9 : i32
    %get3A_497 = arith.index_cast %get3A_496 : i32 to index
    %get3A_498 = arith.constant 16 : index
    %get3A_499 = tpu.vector_load %arg7[%get3A_497, %get3A_498] {strides = array<i32>} : memref<16x64xf32, #tpu.memory_space<vmem>>, vector<1x16xf32>,
    %get3A_500 = vector.shape_cast %get3A_499 : vector<1x16xf32> to vector<16xf32>
    %get3A_501 = arith.constant 10 : i32
    %get3A_502 = arith.index_cast %get3A_501 : i32 to index
    %get3A_503 = arith.constant 16 : index
    %get3A_504 = tpu.vector_load %arg7[%get3A_502, %get3A_503] {strides = array<i32>} : memref<16x64xf32, #tpu.memory_space<vmem>>, vector<1x16xf32>,
    %get3A_505 = vector.shape_cast %get3A_504 : vector<1x16xf32> to vector<16xf32>
    %get3A_506 = arith.constant 11 : i32
    %get3A_507 = arith.index_cast %get3A_506 : i32 to index
    %get3A_508 = arith.constant 16 : index
    %get3A_509 = tpu.vector_load %arg7[%get3A_507, %get3A_508] {strides = array<i32>} : memref<16x64xf32, #tpu.memory_space<vmem>>, vector<1x16xf32>,
    %get3A_510 = vector.shape_cast %get3A_509 : vector<1x16xf32> to vector<16xf32>
    %get3A_511 = arith.constant 12 : i32
    %get3A_512 = arith.index_cast %get3A_511 : i32 to index
    %get3A_513 = arith.constant 16 : index
    %get3A_514 = tpu.vector_load %arg7[%get3A_512, %get3A_513] {strides = array<i32>} : memref<16x64xf32, #tpu.memory_space<vmem>>, vector<1x16xf32>,
    %get3A_515 = vector.shape_cast %get3A_514 : vector<1x16xf32> to vector<16xf32>
    %get3A_516 = arith.constant 13 : i32
    %get3A_517 = arith.index_cast %get3A_516 : i32 to index
    %get3A_518 = arith.constant 16 : index
    %get3A_519 = tpu.vector_load %arg7[%get3A_517, %get3A_518] {strides = array<i32>} : memref<16x64xf32, #tpu.memory_space<vmem>>, vector<1x16xf32>,
    %get3A_520 = vector.shape_cast %get3A_519 : vector<1x16xf32> to vector<16xf32>
    %get3A_521 = arith.constant 14 : i32
    %get3A_522 = arith.index_cast %get3A_521 : i32 to index
    %get3A_523 = arith.constant 16 : index
    %get3A_524 = tpu.vector_load %arg7[%get3A_522, %get3A_523] {strides = array<i32>} : memref<16x64xf32, #tpu.memory_space<vmem>>, vector<1x16xf32>,
    %get3A_525 = vector.shape_cast %get3A_524 : vector<1x16xf32> to vector<16xf32>
    %get3A_526 = arith.constant 15 : i32
    %get3A_527 = arith.index_cast %get3A_526 : i32 to index
    %get3A_528 = arith.constant 16 : index
    %get3A_529 = tpu.vector_load %arg7[%get3A_527, %get3A_528] {strides = array<i32>} : memref<16x64xf32, #tpu.memory_space<vmem>>, vector<1x16xf32>,
    %get3A_530 = vector.shape_cast %get3A_529 : vector<1x16xf32> to vector<16xf32>
    %max3A_531 = arith.maximumf %get3A_455, %get3A_460 : vector<16xf32>
    %max3A_532 = arith.maximumf %max3A_531, %get3A_465 : vector<16xf32>
    %max3A_533 = arith.maximumf %max3A_532, %get3A_470 : vector<16xf32>
    %max3A_534 = arith.maximumf %max3A_533, %get3A_475 : vector<16xf32>
    %max3A_535 = arith.maximumf %max3A_534, %get3A_480 : vector<16xf32>
    %max3A_536 = arith.maximumf %max3A_535, %get3A_485 : vector<16xf32>
    %max3A_537 = arith.maximumf %max3A_536, %get3A_490 : vector<16xf32>
    %max3A_538 = arith.maximumf %max3A_537, %get3A_495 : vector<16xf32>
    %max3A_539 = arith.maximumf %max3A_538, %get3A_500 : vector<16xf32>
    %max3A_540 = arith.maximumf %max3A_539, %get3A_505 : vector<16xf32>
    %max3A_541 = arith.maximumf %max3A_540, %get3A_510 : vector<16xf32>
    %max3A_542 = arith.maximumf %max3A_541, %get3A_515 : vector<16xf32>
    %max3A_543 = arith.maximumf %max3A_542, %get3A_520 : vector<16xf32>
    %max3A_544 = arith.maximumf %max3A_543, %get3A_525 : vector<16xf32>
    %max3A_545 = arith.maximumf %max3A_544, %get3A_530 : vector<16xf32>
    %broadcast_in_dim3A_546 = arith.constant 16 : i32
    %broadcast_in_dim3A_547 = vector.broadcast %broadcast_in_dim3A_546 : i32 to vector<16xi32>
    %eq3A_548 = arith.cmpf oeq, %get3A_455, %max3A_545 : vector<16xf32>
    %jit3A_549 = arith.constant 0 : i32
    %jit3A_550 = arith.constant 16 : i32
    %broadcast_in_dim3A_551 = vector.broadcast %jit3A_549 : i32 to vector<16xi32>
    %broadcast_in_dim3A_552 = vector.broadcast %jit3A_550 : i32 to vector<16xi32>
    %select_n3A_553 = arith.select %eq3A_548, %broadcast_in_dim3A_551, %broadcast_in_dim3A_552 : vector<16xi1>, vector<16xi32>
    %min3A_554 = arith.minsi %broadcast_in_dim3A_547, %select_n3A_553 : vector<16xi32>
    %eq3A_555 = arith.cmpf oeq, %get3A_460, %max3A_545 : vector<16xf32>
    %jit3A_556 = arith.constant 1 : i32
    %jit3A_557 = arith.constant 16 : i32
    %broadcast_in_dim3A_558 = vector.broadcast %jit3A_556 : i32 to vector<16xi32>
    %broadcast_in_dim3A_559 = vector.broadcast %jit3A_557 : i32 to vector<16xi32>
    %select_n3A_560 = arith.select %eq3A_555, %broadcast_in_dim3A_558, %broadcast_in_dim3A_559 : vector<16xi1>, vector<16xi32>
    %min3A_561 = arith.minsi %min3A_554, %select_n3A_560 : vector<16xi32>
    %eq3A_562 = arith.cmpf oeq, %get3A_465, %max3A_545 : vector<16xf32>
    %jit3A_563 = arith.constant 2 : i32
    %jit3A_564 = arith.constant 16 : i32
    %broadcast_in_dim3A_565 = vector.broadcast %jit3A_563 : i32 to vector<16xi32>
    %broadcast_in_dim3A_566 = vector.broadcast %jit3A_564 : i32 to vector<16xi32>
    %select_n3A_567 = arith.select %eq3A_562, %broadcast_in_dim3A_565, %broadcast_in_dim3A_566 : vector<16xi1>, vector<16xi32>
    %min3A_568 = arith.minsi %min3A_561, %select_n3A_567 : vector<16xi32>
    %eq3A_569 = arith.cmpf oeq, %get3A_470, %max3A_545 : vector<16xf32>
    %jit3A_570 = arith.constant 3 : i32
    %jit3A_571 = arith.constant 16 : i32
    %broadcast_in_dim3A_572 = vector.broadcast %jit3A_570 : i32 to vector<16xi32>
    %broadcast_in_dim3A_573 = vector.broadcast %jit3A_571 : i32 to vector<16xi32>
    %select_n3A_574 = arith.select %eq3A_569, %broadcast_in_dim3A_572, %broadcast_in_dim3A_573 : vector<16xi1>, vector<16xi32>
    %min3A_575 = arith.minsi %min3A_568, %select_n3A_574 : vector<16xi32>
    %eq3A_576 = arith.cmpf oeq, %get3A_475, %max3A_545 : vector<16xf32>
    %jit3A_577 = arith.constant 4 : i32
    %jit3A_578 = arith.constant 16 : i32
    %broadcast_in_dim3A_579 = vector.broadcast %jit3A_577 : i32 to vector<16xi32>
    %broadcast_in_dim3A_580 = vector.broadcast %jit3A_578 : i32 to vector<16xi32>
    %select_n3A_581 = arith.select %eq3A_576, %broadcast_in_dim3A_579, %broadcast_in_dim3A_580 : vector<16xi1>, vector<16xi32>
    %min3A_582 = arith.minsi %min3A_575, %select_n3A_581 : vector<16xi32>
    %eq3A_583 = arith.cmpf oeq, %get3A_480, %max3A_545 : vector<16xf32>
    %jit3A_584 = arith.constant 5 : i32
    %jit3A_585 = arith.constant 16 : i32
    %broadcast_in_dim3A_586 = vector.broadcast %jit3A_584 : i32 to vector<16xi32>
    %broadcast_in_dim3A_587 = vector.broadcast %jit3A_585 : i32 to vector<16xi32>
    %select_n3A_588 = arith.select %eq3A_583, %broadcast_in_dim3A_586, %broadcast_in_dim3A_587 : vector<16xi1>, vector<16xi32>
    %min3A_589 = arith.minsi %min3A_582, %select_n3A_588 : vector<16xi32>
    %eq3A_590 = arith.cmpf oeq, %get3A_485, %max3A_545 : vector<16xf32>
    %jit3A_591 = arith.constant 6 : i32
    %jit3A_592 = arith.constant 16 : i32
    %broadcast_in_dim3A_593 = vector.broadcast %jit3A_591 : i32 to vector<16xi32>
    %broadcast_in_dim3A_594 = vector.broadcast %jit3A_592 : i32 to vector<16xi32>
    %select_n3A_595 = arith.select %eq3A_590, %broadcast_in_dim3A_593, %broadcast_in_dim3A_594 : vector<16xi1>, vector<16xi32>
    %min3A_596 = arith.minsi %min3A_589, %select_n3A_595 : vector<16xi32>
    %eq3A_597 = arith.cmpf oeq, %get3A_490, %max3A_545 : vector<16xf32>
    %jit3A_598 = arith.constant 7 : i32
    %jit3A_599 = arith.constant 16 : i32
    %broadcast_in_dim3A_600 = vector.broadcast %jit3A_598 : i32 to vector<16xi32>
    %broadcast_in_dim3A_601 = vector.broadcast %jit3A_599 : i32 to vector<16xi32>
    %select_n3A_602 = arith.select %eq3A_597, %broadcast_in_dim3A_600, %broadcast_in_dim3A_601 : vector<16xi1>, vector<16xi32>
    %min3A_603 = arith.minsi %min3A_596, %select_n3A_602 : vector<16xi32>
    %eq3A_604 = arith.cmpf oeq, %get3A_495, %max3A_545 : vector<16xf32>
    %jit3A_605 = arith.constant 8 : i32
    %jit3A_606 = arith.constant 16 : i32
    %broadcast_in_dim3A_607 = vector.broadcast %jit3A_605 : i32 to vector<16xi32>
    %broadcast_in_dim3A_608 = vector.broadcast %jit3A_606 : i32 to vector<16xi32>
    %select_n3A_609 = arith.select %eq3A_604, %broadcast_in_dim3A_607, %broadcast_in_dim3A_608 : vector<16xi1>, vector<16xi32>
    %min3A_610 = arith.minsi %min3A_603, %select_n3A_609 : vector<16xi32>
    %eq3A_611 = arith.cmpf oeq, %get3A_500, %max3A_545 : vector<16xf32>
    %jit3A_612 = arith.constant 9 : i32
    %jit3A_613 = arith.constant 16 : i32
    %broadcast_in_dim3A_614 = vector.broadcast %jit3A_612 : i32 to vector<16xi32>
    %broadcast_in_dim3A_615 = vector.broadcast %jit3A_613 : i32 to vector<16xi32>
    %select_n3A_616 = arith.select %eq3A_611, %broadcast_in_dim3A_614, %broadcast_in_dim3A_615 : vector<16xi1>, vector<16xi32>
    %min3A_617 = arith.minsi %min3A_610, %select_n3A_616 : vector<16xi32>
    %eq3A_618 = arith.cmpf oeq, %get3A_505, %max3A_545 : vector<16xf32>
    %jit3A_619 = arith.constant 10 : i32
    %jit3A_620 = arith.constant 16 : i32
    %broadcast_in_dim3A_621 = vector.broadcast %jit3A_619 : i32 to vector<16xi32>
    %broadcast_in_dim3A_622 = vector.broadcast %jit3A_620 : i32 to vector<16xi32>
    %select_n3A_623 = arith.select %eq3A_618, %broadcast_in_dim3A_621, %broadcast_in_dim3A_622 : vector<16xi1>, vector<16xi32>
    %min3A_624 = arith.minsi %min3A_617, %select_n3A_623 : vector<16xi32>
    %eq3A_625 = arith.cmpf oeq, %get3A_510, %max3A_545 : vector<16xf32>
    %jit3A_626 = arith.constant 11 : i32
    %jit3A_627 = arith.constant 16 : i32
    %broadcast_in_dim3A_628 = vector.broadcast %jit3A_626 : i32 to vector<16xi32>
    %broadcast_in_dim3A_629 = vector.broadcast %jit3A_627 : i32 to vector<16xi32>
    %select_n3A_630 = arith.select %eq3A_625, %broadcast_in_dim3A_628, %broadcast_in_dim3A_629 : vector<16xi1>, vector<16xi32>
    %min3A_631 = arith.minsi %min3A_624, %select_n3A_630 : vector<16xi32>
    %eq3A_632 = arith.cmpf oeq, %get3A_515, %max3A_545 : vector<16xf32>
    %jit3A_633 = arith.constant 12 : i32
    %jit3A_634 = arith.constant 16 : i32
    %broadcast_in_dim3A_635 = vector.broadcast %jit3A_633 : i32 to vector<16xi32>
    %broadcast_in_dim3A_636 = vector.broadcast %jit3A_634 : i32 to vector<16xi32>
    %select_n3A_637 = arith.select %eq3A_632, %broadcast_in_dim3A_635, %broadcast_in_dim3A_636 : vector<16xi1>, vector<16xi32>
    %min3A_638 = arith.minsi %min3A_631, %select_n3A_637 : vector<16xi32>
    %eq3A_639 = arith.cmpf oeq, %get3A_520, %max3A_545 : vector<16xf32>
    %jit3A_640 = arith.constant 13 : i32
    %jit3A_641 = arith.constant 16 : i32
    %broadcast_in_dim3A_642 = vector.broadcast %jit3A_640 : i32 to vector<16xi32>
    %broadcast_in_dim3A_643 = vector.broadcast %jit3A_641 : i32 to vector<16xi32>
    %select_n3A_644 = arith.select %eq3A_639, %broadcast_in_dim3A_642, %broadcast_in_dim3A_643 : vector<16xi1>, vector<16xi32>
    %min3A_645 = arith.minsi %min3A_638, %select_n3A_644 : vector<16xi32>
    %eq3A_646 = arith.cmpf oeq, %get3A_525, %max3A_545 : vector<16xf32>
    %jit3A_647 = arith.constant 14 : i32
    %jit3A_648 = arith.constant 16 : i32
    %broadcast_in_dim3A_649 = vector.broadcast %jit3A_647 : i32 to vector<16xi32>
    %broadcast_in_dim3A_650 = vector.broadcast %jit3A_648 : i32 to vector<16xi32>
    %select_n3A_651 = arith.select %eq3A_646, %broadcast_in_dim3A_649, %broadcast_in_dim3A_650 : vector<16xi1>, vector<16xi32>
    %min3A_652 = arith.minsi %min3A_645, %select_n3A_651 : vector<16xi32>
    %eq3A_653 = arith.cmpf oeq, %get3A_530, %max3A_545 : vector<16xf32>
    %jit3A_654 = arith.constant 15 : i32
    %jit3A_655 = arith.constant 16 : i32
    %broadcast_in_dim3A_656 = vector.broadcast %jit3A_654 : i32 to vector<16xi32>
    %broadcast_in_dim3A_657 = vector.broadcast %jit3A_655 : i32 to vector<16xi32>
    %select_n3A_658 = arith.select %eq3A_653, %broadcast_in_dim3A_656, %broadcast_in_dim3A_657 : vector<16xi1>, vector<16xi32>
    %min3A_659 = arith.minsi %min3A_652, %select_n3A_658 : vector<16xi32>
    %eq3A_660 = arith.constant 0 : i32
    %eq3A_661 = vector.broadcast %eq3A_660 : i32 to vector<16xi32>
    %eq3A_662 = arith.cmpi eq, %min3A_659, %eq3A_661 : vector<16xi32>
    %jit3A_663 = arith.constant 0xFF800000 : f32
    %broadcast_in_dim3A_664 = vector.broadcast %jit3A_663 : f32 to vector<16xf32>
    %select_n3A_665 = arith.select %eq3A_662, %broadcast_in_dim3A_664, %get3A_455 : vector<16xi1>, vector<16xf32>
    %eq3A_666 = arith.constant 1 : i32
    %eq3A_667 = vector.broadcast %eq3A_666 : i32 to vector<16xi32>
    %eq3A_668 = arith.cmpi eq, %min3A_659, %eq3A_667 : vector<16xi32>
    %jit3A_669 = arith.constant 0xFF800000 : f32
    %broadcast_in_dim3A_670 = vector.broadcast %jit3A_669 : f32 to vector<16xf32>
    %select_n3A_671 = arith.select %eq3A_668, %broadcast_in_dim3A_670, %get3A_460 : vector<16xi1>, vector<16xf32>
    %eq3A_672 = arith.constant 2 : i32
    %eq3A_673 = vector.broadcast %eq3A_672 : i32 to vector<16xi32>
    %eq3A_674 = arith.cmpi eq, %min3A_659, %eq3A_673 : vector<16xi32>
    %jit3A_675 = arith.constant 0xFF800000 : f32
    %broadcast_in_dim3A_676 = vector.broadcast %jit3A_675 : f32 to vector<16xf32>
    %select_n3A_677 = arith.select %eq3A_674, %broadcast_in_dim3A_676, %get3A_465 : vector<16xi1>, vector<16xf32>
    %eq3A_678 = arith.constant 3 : i32
    %eq3A_679 = vector.broadcast %eq3A_678 : i32 to vector<16xi32>
    %eq3A_680 = arith.cmpi eq, %min3A_659, %eq3A_679 : vector<16xi32>
    %jit3A_681 = arith.constant 0xFF800000 : f32
    %broadcast_in_dim3A_682 = vector.broadcast %jit3A_681 : f32 to vector<16xf32>
    %select_n3A_683 = arith.select %eq3A_680, %broadcast_in_dim3A_682, %get3A_470 : vector<16xi1>, vector<16xf32>
    %eq3A_684 = arith.constant 4 : i32
    %eq3A_685 = vector.broadcast %eq3A_684 : i32 to vector<16xi32>
    %eq3A_686 = arith.cmpi eq, %min3A_659, %eq3A_685 : vector<16xi32>
    %jit3A_687 = arith.constant 0xFF800000 : f32
    %broadcast_in_dim3A_688 = vector.broadcast %jit3A_687 : f32 to vector<16xf32>
    %select_n3A_689 = arith.select %eq3A_686, %broadcast_in_dim3A_688, %get3A_475 : vector<16xi1>, vector<16xf32>
    %eq3A_690 = arith.constant 5 : i32
    %eq3A_691 = vector.broadcast %eq3A_690 : i32 to vector<16xi32>
    %eq3A_692 = arith.cmpi eq, %min3A_659, %eq3A_691 : vector<16xi32>
    %jit3A_693 = arith.constant 0xFF800000 : f32
    %broadcast_in_dim3A_694 = vector.broadcast %jit3A_693 : f32 to vector<16xf32>
    %select_n3A_695 = arith.select %eq3A_692, %broadcast_in_dim3A_694, %get3A_480 : vector<16xi1>, vector<16xf32>
    %eq3A_696 = arith.constant 6 : i32
    %eq3A_697 = vector.broadcast %eq3A_696 : i32 to vector<16xi32>
    %eq3A_698 = arith.cmpi eq, %min3A_659, %eq3A_697 : vector<16xi32>
    %jit3A_699 = arith.constant 0xFF800000 : f32
    %broadcast_in_dim3A_700 = vector.broadcast %jit3A_699 : f32 to vector<16xf32>
    %select_n3A_701 = arith.select %eq3A_698, %broadcast_in_dim3A_700, %get3A_485 : vector<16xi1>, vector<16xf32>
    %eq3A_702 = arith.constant 7 : i32
    %eq3A_703 = vector.broadcast %eq3A_702 : i32 to vector<16xi32>
    %eq3A_704 = arith.cmpi eq, %min3A_659, %eq3A_703 : vector<16xi32>
    %jit3A_705 = arith.constant 0xFF800000 : f32
    %broadcast_in_dim3A_706 = vector.broadcast %jit3A_705 : f32 to vector<16xf32>
    %select_n3A_707 = arith.select %eq3A_704, %broadcast_in_dim3A_706, %get3A_490 : vector<16xi1>, vector<16xf32>
    %eq3A_708 = arith.constant 8 : i32
    %eq3A_709 = vector.broadcast %eq3A_708 : i32 to vector<16xi32>
    %eq3A_710 = arith.cmpi eq, %min3A_659, %eq3A_709 : vector<16xi32>
    %jit3A_711 = arith.constant 0xFF800000 : f32
    %broadcast_in_dim3A_712 = vector.broadcast %jit3A_711 : f32 to vector<16xf32>
    %select_n3A_713 = arith.select %eq3A_710, %broadcast_in_dim3A_712, %get3A_495 : vector<16xi1>, vector<16xf32>
    %eq3A_714 = arith.constant 9 : i32
    %eq3A_715 = vector.broadcast %eq3A_714 : i32 to vector<16xi32>
    %eq3A_716 = arith.cmpi eq, %min3A_659, %eq3A_715 : vector<16xi32>
    %jit3A_717 = arith.constant 0xFF800000 : f32
    %broadcast_in_dim3A_718 = vector.broadcast %jit3A_717 : f32 to vector<16xf32>
    %select_n3A_719 = arith.select %eq3A_716, %broadcast_in_dim3A_718, %get3A_500 : vector<16xi1>, vector<16xf32>
    %eq3A_720 = arith.constant 10 : i32
    %eq3A_721 = vector.broadcast %eq3A_720 : i32 to vector<16xi32>
    %eq3A_722 = arith.cmpi eq, %min3A_659, %eq3A_721 : vector<16xi32>
    %jit3A_723 = arith.constant 0xFF800000 : f32
    %broadcast_in_dim3A_724 = vector.broadcast %jit3A_723 : f32 to vector<16xf32>
    %select_n3A_725 = arith.select %eq3A_722, %broadcast_in_dim3A_724, %get3A_505 : vector<16xi1>, vector<16xf32>
    %eq3A_726 = arith.constant 11 : i32
    %eq3A_727 = vector.broadcast %eq3A_726 : i32 to vector<16xi32>
    %eq3A_728 = arith.cmpi eq, %min3A_659, %eq3A_727 : vector<16xi32>
    %jit3A_729 = arith.constant 0xFF800000 : f32
    %broadcast_in_dim3A_730 = vector.broadcast %jit3A_729 : f32 to vector<16xf32>
    %select_n3A_731 = arith.select %eq3A_728, %broadcast_in_dim3A_730, %get3A_510 : vector<16xi1>, vector<16xf32>
    %eq3A_732 = arith.constant 12 : i32
    %eq3A_733 = vector.broadcast %eq3A_732 : i32 to vector<16xi32>
    %eq3A_734 = arith.cmpi eq, %min3A_659, %eq3A_733 : vector<16xi32>
    %jit3A_735 = arith.constant 0xFF800000 : f32
    %broadcast_in_dim3A_736 = vector.broadcast %jit3A_735 : f32 to vector<16xf32>
    %select_n3A_737 = arith.select %eq3A_734, %broadcast_in_dim3A_736, %get3A_515 : vector<16xi1>, vector<16xf32>
    %eq3A_738 = arith.constant 13 : i32
    %eq3A_739 = vector.broadcast %eq3A_738 : i32 to vector<16xi32>
    %eq3A_740 = arith.cmpi eq, %min3A_659, %eq3A_739 : vector<16xi32>
    %jit3A_741 = arith.constant 0xFF800000 : f32
    %broadcast_in_dim3A_742 = vector.broadcast %jit3A_741 : f32 to vector<16xf32>
    %select_n3A_743 = arith.select %eq3A_740, %broadcast_in_dim3A_742, %get3A_520 : vector<16xi1>, vector<16xf32>
    %eq3A_744 = arith.constant 14 : i32
    %eq3A_745 = vector.broadcast %eq3A_744 : i32 to vector<16xi32>
    %eq3A_746 = arith.cmpi eq, %min3A_659, %eq3A_745 : vector<16xi32>
    %jit3A_747 = arith.constant 0xFF800000 : f32
    %broadcast_in_dim3A_748 = vector.broadcast %jit3A_747 : f32 to vector<16xf32>
    %select_n3A_749 = arith.select %eq3A_746, %broadcast_in_dim3A_748, %get3A_525 : vector<16xi1>, vector<16xf32>
    %eq3A_750 = arith.constant 15 : i32
    %eq3A_751 = vector.broadcast %eq3A_750 : i32 to vector<16xi32>
    %eq3A_752 = arith.cmpi eq, %min3A_659, %eq3A_751 : vector<16xi32>
    %jit3A_753 = arith.constant 0xFF800000 : f32
    %broadcast_in_dim3A_754 = vector.broadcast %jit3A_753 : f32 to vector<16xf32>
    %select_n3A_755 = arith.select %eq3A_752, %broadcast_in_dim3A_754, %get3A_530 : vector<16xi1>, vector<16xf32>
    %max3A_756 = arith.maximumf %select_n3A_665, %select_n3A_671 : vector<16xf32>
    %max3A_757 = arith.maximumf %max3A_756, %select_n3A_677 : vector<16xf32>
    %max3A_758 = arith.maximumf %max3A_757, %select_n3A_683 : vector<16xf32>
    %max3A_759 = arith.maximumf %max3A_758, %select_n3A_689 : vector<16xf32>
    %max3A_760 = arith.maximumf %max3A_759, %select_n3A_695 : vector<16xf32>
    %max3A_761 = arith.maximumf %max3A_760, %select_n3A_701 : vector<16xf32>
    %max3A_762 = arith.maximumf %max3A_761, %select_n3A_707 : vector<16xf32>
    %max3A_763 = arith.maximumf %max3A_762, %select_n3A_713 : vector<16xf32>
    %max3A_764 = arith.maximumf %max3A_763, %select_n3A_719 : vector<16xf32>
    %max3A_765 = arith.maximumf %max3A_764, %select_n3A_725 : vector<16xf32>
    %max3A_766 = arith.maximumf %max3A_765, %select_n3A_731 : vector<16xf32>
    %max3A_767 = arith.maximumf %max3A_766, %select_n3A_737 : vector<16xf32>
    %max3A_768 = arith.maximumf %max3A_767, %select_n3A_743 : vector<16xf32>
    %max3A_769 = arith.maximumf %max3A_768, %select_n3A_749 : vector<16xf32>
    %max3A_770 = arith.maximumf %max3A_769, %select_n3A_755 : vector<16xf32>
    %broadcast_in_dim3A_771 = arith.constant 16 : i32
    %broadcast_in_dim3A_772 = vector.broadcast %broadcast_in_dim3A_771 : i32 to vector<16xi32>
    %eq3A_773 = arith.cmpf oeq, %select_n3A_665, %max3A_770 : vector<16xf32>
    %jit3A_774 = arith.constant 0 : i32
    %jit3A_775 = arith.constant 16 : i32
    %broadcast_in_dim3A_776 = vector.broadcast %jit3A_774 : i32 to vector<16xi32>
    %broadcast_in_dim3A_777 = vector.broadcast %jit3A_775 : i32 to vector<16xi32>
    %select_n3A_778 = arith.select %eq3A_773, %broadcast_in_dim3A_776, %broadcast_in_dim3A_777 : vector<16xi1>, vector<16xi32>
    %min3A_779 = arith.minsi %broadcast_in_dim3A_772, %select_n3A_778 : vector<16xi32>
    %eq3A_780 = arith.cmpf oeq, %select_n3A_671, %max3A_770 : vector<16xf32>
    %jit3A_781 = arith.constant 1 : i32
    %jit3A_782 = arith.constant 16 : i32
    %broadcast_in_dim3A_783 = vector.broadcast %jit3A_781 : i32 to vector<16xi32>
    %broadcast_in_dim3A_784 = vector.broadcast %jit3A_782 : i32 to vector<16xi32>
    %select_n3A_785 = arith.select %eq3A_780, %broadcast_in_dim3A_783, %broadcast_in_dim3A_784 : vector<16xi1>, vector<16xi32>
    %min3A_786 = arith.minsi %min3A_779, %select_n3A_785 : vector<16xi32>
    %eq3A_787 = arith.cmpf oeq, %select_n3A_677, %max3A_770 : vector<16xf32>
    %jit3A_788 = arith.constant 2 : i32
    %jit3A_789 = arith.constant 16 : i32
    %broadcast_in_dim3A_790 = vector.broadcast %jit3A_788 : i32 to vector<16xi32>
    %broadcast_in_dim3A_791 = vector.broadcast %jit3A_789 : i32 to vector<16xi32>
    %select_n3A_792 = arith.select %eq3A_787, %broadcast_in_dim3A_790, %broadcast_in_dim3A_791 : vector<16xi1>, vector<16xi32>
    %min3A_793 = arith.minsi %min3A_786, %select_n3A_792 : vector<16xi32>
    %eq3A_794 = arith.cmpf oeq, %select_n3A_683, %max3A_770 : vector<16xf32>
    %jit3A_795 = arith.constant 3 : i32
    %jit3A_796 = arith.constant 16 : i32
    %broadcast_in_dim3A_797 = vector.broadcast %jit3A_795 : i32 to vector<16xi32>
    %broadcast_in_dim3A_798 = vector.broadcast %jit3A_796 : i32 to vector<16xi32>
    %select_n3A_799 = arith.select %eq3A_794, %broadcast_in_dim3A_797, %broadcast_in_dim3A_798 : vector<16xi1>, vector<16xi32>
    %min3A_800 = arith.minsi %min3A_793, %select_n3A_799 : vector<16xi32>
    %eq3A_801 = arith.cmpf oeq, %select_n3A_689, %max3A_770 : vector<16xf32>
    %jit3A_802 = arith.constant 4 : i32
    %jit3A_803 = arith.constant 16 : i32
    %broadcast_in_dim3A_804 = vector.broadcast %jit3A_802 : i32 to vector<16xi32>
    %broadcast_in_dim3A_805 = vector.broadcast %jit3A_803 : i32 to vector<16xi32>
    %select_n3A_806 = arith.select %eq3A_801, %broadcast_in_dim3A_804, %broadcast_in_dim3A_805 : vector<16xi1>, vector<16xi32>
    %min3A_807 = arith.minsi %min3A_800, %select_n3A_806 : vector<16xi32>
    %eq3A_808 = arith.cmpf oeq, %select_n3A_695, %max3A_770 : vector<16xf32>
    %jit3A_809 = arith.constant 5 : i32
    %jit3A_810 = arith.constant 16 : i32
    %broadcast_in_dim3A_811 = vector.broadcast %jit3A_809 : i32 to vector<16xi32>
    %broadcast_in_dim3A_812 = vector.broadcast %jit3A_810 : i32 to vector<16xi32>
    %select_n3A_813 = arith.select %eq3A_808, %broadcast_in_dim3A_811, %broadcast_in_dim3A_812 : vector<16xi1>, vector<16xi32>
    %min3A_814 = arith.minsi %min3A_807, %select_n3A_813 : vector<16xi32>
    %eq3A_815 = arith.cmpf oeq, %select_n3A_701, %max3A_770 : vector<16xf32>
    %jit3A_816 = arith.constant 6 : i32
    %jit3A_817 = arith.constant 16 : i32
    %broadcast_in_dim3A_818 = vector.broadcast %jit3A_816 : i32 to vector<16xi32>
    %broadcast_in_dim3A_819 = vector.broadcast %jit3A_817 : i32 to vector<16xi32>
    %select_n3A_820 = arith.select %eq3A_815, %broadcast_in_dim3A_818, %broadcast_in_dim3A_819 : vector<16xi1>, vector<16xi32>
    %min3A_821 = arith.minsi %min3A_814, %select_n3A_820 : vector<16xi32>
    %eq3A_822 = arith.cmpf oeq, %select_n3A_707, %max3A_770 : vector<16xf32>
    %jit3A_823 = arith.constant 7 : i32
    %jit3A_824 = arith.constant 16 : i32
    %broadcast_in_dim3A_825 = vector.broadcast %jit3A_823 : i32 to vector<16xi32>
    %broadcast_in_dim3A_826 = vector.broadcast %jit3A_824 : i32 to vector<16xi32>
    %select_n3A_827 = arith.select %eq3A_822, %broadcast_in_dim3A_825, %broadcast_in_dim3A_826 : vector<16xi1>, vector<16xi32>
    %min3A_828 = arith.minsi %min3A_821, %select_n3A_827 : vector<16xi32>
    %eq3A_829 = arith.cmpf oeq, %select_n3A_713, %max3A_770 : vector<16xf32>
    %jit3A_830 = arith.constant 8 : i32
    %jit3A_831 = arith.constant 16 : i32
    %broadcast_in_dim3A_832 = vector.broadcast %jit3A_830 : i32 to vector<16xi32>
    %broadcast_in_dim3A_833 = vector.broadcast %jit3A_831 : i32 to vector<16xi32>
    %select_n3A_834 = arith.select %eq3A_829, %broadcast_in_dim3A_832, %broadcast_in_dim3A_833 : vector<16xi1>, vector<16xi32>
    %min3A_835 = arith.minsi %min3A_828, %select_n3A_834 : vector<16xi32>
    %eq3A_836 = arith.cmpf oeq, %select_n3A_719, %max3A_770 : vector<16xf32>
    %jit3A_837 = arith.constant 9 : i32
    %jit3A_838 = arith.constant 16 : i32
    %broadcast_in_dim3A_839 = vector.broadcast %jit3A_837 : i32 to vector<16xi32>
    %broadcast_in_dim3A_840 = vector.broadcast %jit3A_838 : i32 to vector<16xi32>
    %select_n3A_841 = arith.select %eq3A_836, %broadcast_in_dim3A_839, %broadcast_in_dim3A_840 : vector<16xi1>, vector<16xi32>
    %min3A_842 = arith.minsi %min3A_835, %select_n3A_841 : vector<16xi32>
    %eq3A_843 = arith.cmpf oeq, %select_n3A_725, %max3A_770 : vector<16xf32>
    %jit3A_844 = arith.constant 10 : i32
    %jit3A_845 = arith.constant 16 : i32
    %broadcast_in_dim3A_846 = vector.broadcast %jit3A_844 : i32 to vector<16xi32>
    %broadcast_in_dim3A_847 = vector.broadcast %jit3A_845 : i32 to vector<16xi32>
    %select_n3A_848 = arith.select %eq3A_843, %broadcast_in_dim3A_846, %broadcast_in_dim3A_847 : vector<16xi1>, vector<16xi32>
    %min3A_849 = arith.minsi %min3A_842, %select_n3A_848 : vector<16xi32>
    %eq3A_850 = arith.cmpf oeq, %select_n3A_731, %max3A_770 : vector<16xf32>
    %jit3A_851 = arith.constant 11 : i32
    %jit3A_852 = arith.constant 16 : i32
    %broadcast_in_dim3A_853 = vector.broadcast %jit3A_851 : i32 to vector<16xi32>
    %broadcast_in_dim3A_854 = vector.broadcast %jit3A_852 : i32 to vector<16xi32>
    %select_n3A_855 = arith.select %eq3A_850, %broadcast_in_dim3A_853, %broadcast_in_dim3A_854 : vector<16xi1>, vector<16xi32>
    %min3A_856 = arith.minsi %min3A_849, %select_n3A_855 : vector<16xi32>
    %eq3A_857 = arith.cmpf oeq, %select_n3A_737, %max3A_770 : vector<16xf32>
    %jit3A_858 = arith.constant 12 : i32
    %jit3A_859 = arith.constant 16 : i32
    %broadcast_in_dim3A_860 = vector.broadcast %jit3A_858 : i32 to vector<16xi32>
    %broadcast_in_dim3A_861 = vector.broadcast %jit3A_859 : i32 to vector<16xi32>
    %select_n3A_862 = arith.select %eq3A_857, %broadcast_in_dim3A_860, %broadcast_in_dim3A_861 : vector<16xi1>, vector<16xi32>
    %min3A_863 = arith.minsi %min3A_856, %select_n3A_862 : vector<16xi32>
    %eq3A_864 = arith.cmpf oeq, %select_n3A_743, %max3A_770 : vector<16xf32>
    %jit3A_865 = arith.constant 13 : i32
    %jit3A_866 = arith.constant 16 : i32
    %broadcast_in_dim3A_867 = vector.broadcast %jit3A_865 : i32 to vector<16xi32>
    %broadcast_in_dim3A_868 = vector.broadcast %jit3A_866 : i32 to vector<16xi32>
    %select_n3A_869 = arith.select %eq3A_864, %broadcast_in_dim3A_867, %broadcast_in_dim3A_868 : vector<16xi1>, vector<16xi32>
    %min3A_870 = arith.minsi %min3A_863, %select_n3A_869 : vector<16xi32>
    %eq3A_871 = arith.cmpf oeq, %select_n3A_749, %max3A_770 : vector<16xf32>
    %jit3A_872 = arith.constant 14 : i32
    %jit3A_873 = arith.constant 16 : i32
    %broadcast_in_dim3A_874 = vector.broadcast %jit3A_872 : i32 to vector<16xi32>
    %broadcast_in_dim3A_875 = vector.broadcast %jit3A_873 : i32 to vector<16xi32>
    %select_n3A_876 = arith.select %eq3A_871, %broadcast_in_dim3A_874, %broadcast_in_dim3A_875 : vector<16xi1>, vector<16xi32>
    %min3A_877 = arith.minsi %min3A_870, %select_n3A_876 : vector<16xi32>
    %eq3A_878 = arith.cmpf oeq, %select_n3A_755, %max3A_770 : vector<16xf32>
    %jit3A_879 = arith.constant 15 : i32
    %jit3A_880 = arith.constant 16 : i32
    %broadcast_in_dim3A_881 = vector.broadcast %jit3A_879 : i32 to vector<16xi32>
    %broadcast_in_dim3A_882 = vector.broadcast %jit3A_880 : i32 to vector<16xi32>
    %select_n3A_883 = arith.select %eq3A_878, %broadcast_in_dim3A_881, %broadcast_in_dim3A_882 : vector<16xi1>, vector<16xi32>
    %min3A_884 = arith.minsi %min3A_877, %select_n3A_883 : vector<16xi32>
    %sub3A_885 = arith.subf %max3A_770, %max3A_545 : vector<16xf32>
    %exp3A_886 = math.exp %sub3A_885 : vector<16xf32>
    %add3A_887 = arith.constant 1.000000e+00 : f32
    %add3A_888 = vector.broadcast %add3A_887 : f32 to vector<16xf32>
    %add3A_889 = arith.addf %add3A_888, %exp3A_886 : vector<16xf32>
    %div3A_890 = arith.constant 1.000000e+00 : f32
    %div3A_891 = vector.broadcast %div3A_890 : f32 to vector<16xf32>
    %div3A_892 = arith.divf %div3A_891, %add3A_889 : vector<16xf32>
    %swap3A_893 = arith.constant 16 : index
    %swap3A_894 = tpu.vector_load %arg8[%swap3A_893] {strides = array<i32>} : memref<64xi32, #tpu.memory_space<vmem>>, vector<16xi32>,
    %swap3A_895 = vector.shape_cast %swap3A_894 : vector<16xi32> to vector<16xi32>
    %swap3A_896 = vector.shape_cast %min3A_659 : vector<16xi32> to vector<16xi32>
    tpu.vector_store %arg8[%swap3A_893], %swap3A_896 {strides = array<i32>} : memref<64xi32, #tpu.memory_space<vmem>>, vector<16xi32>,
    %swap3A_897 = arith.constant 16 : index
    %swap3A_898 = tpu.vector_load %arg9[%swap3A_897] {strides = array<i32>} : memref<64xi32, #tpu.memory_space<vmem>>, vector<16xi32>,
    %swap3A_899 = vector.shape_cast %swap3A_898 : vector<16xi32> to vector<16xi32>
    %swap3A_900 = vector.shape_cast %min3A_884 : vector<16xi32> to vector<16xi32>
    tpu.vector_store %arg9[%swap3A_897], %swap3A_900 {strides = array<i32>} : memref<64xi32, #tpu.memory_space<vmem>>, vector<16xi32>,
    %swap3A_901 = arith.constant 16 : index
    %swap3A_902 = tpu.vector_load %arg10[%swap3A_901] {strides = array<i32>} : memref<64xf32, #tpu.memory_space<vmem>>, vector<16xf32>,
    %swap3A_903 = vector.shape_cast %swap3A_902 : vector<16xf32> to vector<16xf32>
    %swap3A_904 = vector.shape_cast %div3A_892 : vector<16xf32> to vector<16xf32>
    tpu.vector_store %arg10[%swap3A_901], %swap3A_904 {strides = array<i32>} : memref<64xf32, #tpu.memory_space<vmem>>, vector<16xf32>,
    %sub3A_905 = arith.constant 1.000000e+00 : f32
    %sub3A_906 = vector.broadcast %sub3A_905 : f32 to vector<16xf32>
    %sub3A_907 = arith.subf %sub3A_906, %div3A_892 : vector<16xf32>
    %swap3A_908 = arith.constant 16 : index
    %swap3A_909 = tpu.vector_load %arg11[%swap3A_908] {strides = array<i32>} : memref<64xf32, #tpu.memory_space<vmem>>, vector<16xf32>,
    %swap3A_910 = vector.shape_cast %swap3A_909 : vector<16xf32> to vector<16xf32>
    %swap3A_911 = vector.shape_cast %sub3A_907 : vector<16xf32> to vector<16xf32>
    tpu.vector_store %arg11[%swap3A_908], %swap3A_911 {strides = array<i32>} : memref<64xf32, #tpu.memory_space<vmem>>, vector<16xf32>,
    %get3A_912 = arith.constant 0 : i32
    %get3A_913 = arith.index_cast %get3A_912 : i32 to index
    %get3A_914 = arith.constant 32 : index
    %get3A_915 = tpu.vector_load %arg7[%get3A_913, %get3A_914] {strides = array<i32>} : memref<16x64xf32, #tpu.memory_space<vmem>>, vector<1x16xf32>,
    %get3A_916 = vector.shape_cast %get3A_915 : vector<1x16xf32> to vector<16xf32>
    %get3A_917 = arith.constant 1 : i32
    %get3A_918 = arith.index_cast %get3A_917 : i32 to index
    %get3A_919 = arith.constant 32 : index
    %get3A_920 = tpu.vector_load %arg7[%get3A_918, %get3A_919] {strides = array<i32>} : memref<16x64xf32, #tpu.memory_space<vmem>>, vector<1x16xf32>,
    %get3A_921 = vector.shape_cast %get3A_920 : vector<1x16xf32> to vector<16xf32>
    %get3A_922 = arith.constant 2 : i32
    %get3A_923 = arith.index_cast %get3A_922 : i32 to index
    %get3A_924 = arith.constant 32 : index
    %get3A_925 = tpu.vector_load %arg7[%get3A_923, %get3A_924] {strides = array<i32>} : memref<16x64xf32, #tpu.memory_space<vmem>>, vector<1x16xf32>,
    %get3A_926 = vector.shape_cast %get3A_925 : vector<1x16xf32> to vector<16xf32>
    %get3A_927 = arith.constant 3 : i32
    %get3A_928 = arith.index_cast %get3A_927 : i32 to index
    %get3A_929 = arith.constant 32 : index
    %get3A_930 = tpu.vector_load %arg7[%get3A_928, %get3A_929] {strides = array<i32>} : memref<16x64xf32, #tpu.memory_space<vmem>>, vector<1x16xf32>,
    %get3A_931 = vector.shape_cast %get3A_930 : vector<1x16xf32> to vector<16xf32>
    %get3A_932 = arith.constant 4 : i32
    %get3A_933 = arith.index_cast %get3A_932 : i32 to index
    %get3A_934 = arith.constant 32 : index
    %get3A_935 = tpu.vector_load %arg7[%get3A_933, %get3A_934] {strides = array<i32>} : memref<16x64xf32, #tpu.memory_space<vmem>>, vector<1x16xf32>,
    %get3A_936 = vector.shape_cast %get3A_935 : vector<1x16xf32> to vector<16xf32>
    %get3A_937 = arith.constant 5 : i32
    %get3A_938 = arith.index_cast %get3A_937 : i32 to index
    %get3A_939 = arith.constant 32 : index
    %get3A_940 = tpu.vector_load %arg7[%get3A_938, %get3A_939] {strides = array<i32>} : memref<16x64xf32, #tpu.memory_space<vmem>>, vector<1x16xf32>,
    %get3A_941 = vector.shape_cast %get3A_940 : vector<1x16xf32> to vector<16xf32>
    %get3A_942 = arith.constant 6 : i32
    %get3A_943 = arith.index_cast %get3A_942 : i32 to index
    %get3A_944 = arith.constant 32 : index
    %get3A_945 = tpu.vector_load %arg7[%get3A_943, %get3A_944] {strides = array<i32>} : memref<16x64xf32, #tpu.memory_space<vmem>>, vector<1x16xf32>,
    %get3A_946 = vector.shape_cast %get3A_945 : vector<1x16xf32> to vector<16xf32>
    %get3A_947 = arith.constant 7 : i32
    %get3A_948 = arith.index_cast %get3A_947 : i32 to index
    %get3A_949 = arith.constant 32 : index
    %get3A_950 = tpu.vector_load %arg7[%get3A_948, %get3A_949] {strides = array<i32>} : memref<16x64xf32, #tpu.memory_space<vmem>>, vector<1x16xf32>,
    %get3A_951 = vector.shape_cast %get3A_950 : vector<1x16xf32> to vector<16xf32>
    %get3A_952 = arith.constant 8 : i32
    %get3A_953 = arith.index_cast %get3A_952 : i32 to index
    %get3A_954 = arith.constant 32 : index
    %get3A_955 = tpu.vector_load %arg7[%get3A_953, %get3A_954] {strides = array<i32>} : memref<16x64xf32, #tpu.memory_space<vmem>>, vector<1x16xf32>,
    %get3A_956 = vector.shape_cast %get3A_955 : vector<1x16xf32> to vector<16xf32>
    %get3A_957 = arith.constant 9 : i32
    %get3A_958 = arith.index_cast %get3A_957 : i32 to index
    %get3A_959 = arith.constant 32 : index
    %get3A_960 = tpu.vector_load %arg7[%get3A_958, %get3A_959] {strides = array<i32>} : memref<16x64xf32, #tpu.memory_space<vmem>>, vector<1x16xf32>,
    %get3A_961 = vector.shape_cast %get3A_960 : vector<1x16xf32> to vector<16xf32>
    %get3A_962 = arith.constant 10 : i32
    %get3A_963 = arith.index_cast %get3A_962 : i32 to index
    %get3A_964 = arith.constant 32 : index
    %get3A_965 = tpu.vector_load %arg7[%get3A_963, %get3A_964] {strides = array<i32>} : memref<16x64xf32, #tpu.memory_space<vmem>>, vector<1x16xf32>,
    %get3A_966 = vector.shape_cast %get3A_965 : vector<1x16xf32> to vector<16xf32>
    %get3A_967 = arith.constant 11 : i32
    %get3A_968 = arith.index_cast %get3A_967 : i32 to index
    %get3A_969 = arith.constant 32 : index
    %get3A_970 = tpu.vector_load %arg7[%get3A_968, %get3A_969] {strides = array<i32>} : memref<16x64xf32, #tpu.memory_space<vmem>>, vector<1x16xf32>,
    %get3A_971 = vector.shape_cast %get3A_970 : vector<1x16xf32> to vector<16xf32>
    %get3A_972 = arith.constant 12 : i32
    %get3A_973 = arith.index_cast %get3A_972 : i32 to index
    %get3A_974 = arith.constant 32 : index
    %get3A_975 = tpu.vector_load %arg7[%get3A_973, %get3A_974] {strides = array<i32>} : memref<16x64xf32, #tpu.memory_space<vmem>>, vector<1x16xf32>,
    %get3A_976 = vector.shape_cast %get3A_975 : vector<1x16xf32> to vector<16xf32>
    %get3A_977 = arith.constant 13 : i32
    %get3A_978 = arith.index_cast %get3A_977 : i32 to index
    %get3A_979 = arith.constant 32 : index
    %get3A_980 = tpu.vector_load %arg7[%get3A_978, %get3A_979] {strides = array<i32>} : memref<16x64xf32, #tpu.memory_space<vmem>>, vector<1x16xf32>,
    %get3A_981 = vector.shape_cast %get3A_980 : vector<1x16xf32> to vector<16xf32>
    %get3A_982 = arith.constant 14 : i32
    %get3A_983 = arith.index_cast %get3A_982 : i32 to index
    %get3A_984 = arith.constant 32 : index
    %get3A_985 = tpu.vector_load %arg7[%get3A_983, %get3A_984] {strides = array<i32>} : memref<16x64xf32, #tpu.memory_space<vmem>>, vector<1x16xf32>,
    %get3A_986 = vector.shape_cast %get3A_985 : vector<1x16xf32> to vector<16xf32>
    %get3A_987 = arith.constant 15 : i32
    %get3A_988 = arith.index_cast %get3A_987 : i32 to index
    %get3A_989 = arith.constant 32 : index
    %get3A_990 = tpu.vector_load %arg7[%get3A_988, %get3A_989] {strides = array<i32>} : memref<16x64xf32, #tpu.memory_space<vmem>>, vector<1x16xf32>,
    %get3A_991 = vector.shape_cast %get3A_990 : vector<1x16xf32> to vector<16xf32>
    %max3A_992 = arith.maximumf %get3A_916, %get3A_921 : vector<16xf32>
    %max3A_993 = arith.maximumf %max3A_992, %get3A_926 : vector<16xf32>
    %max3A_994 = arith.maximumf %max3A_993, %get3A_931 : vector<16xf32>
    %max3A_995 = arith.maximumf %max3A_994, %get3A_936 : vector<16xf32>
    %max3A_996 = arith.maximumf %max3A_995, %get3A_941 : vector<16xf32>
    %max3A_997 = arith.maximumf %max3A_996, %get3A_946 : vector<16xf32>
    %max3A_998 = arith.maximumf %max3A_997, %get3A_951 : vector<16xf32>
    %max3A_999 = arith.maximumf %max3A_998, %get3A_956 : vector<16xf32>
    %max3A_1000 = arith.maximumf %max3A_999, %get3A_961 : vector<16xf32>
    %max3A_1001 = arith.maximumf %max3A_1000, %get3A_966 : vector<16xf32>
    %max3A_1002 = arith.maximumf %max3A_1001, %get3A_971 : vector<16xf32>
    %max3A_1003 = arith.maximumf %max3A_1002, %get3A_976 : vector<16xf32>
    %max3A_1004 = arith.maximumf %max3A_1003, %get3A_981 : vector<16xf32>
    %max3A_1005 = arith.maximumf %max3A_1004, %get3A_986 : vector<16xf32>
    %max3A_1006 = arith.maximumf %max3A_1005, %get3A_991 : vector<16xf32>
    %broadcast_in_dim3A_1007 = arith.constant 16 : i32
    %broadcast_in_dim3A_1008 = vector.broadcast %broadcast_in_dim3A_1007 : i32 to vector<16xi32>
    %eq3A_1009 = arith.cmpf oeq, %get3A_916, %max3A_1006 : vector<16xf32>
    %jit3A_1010 = arith.constant 0 : i32
    %jit3A_1011 = arith.constant 16 : i32
    %broadcast_in_dim3A_1012 = vector.broadcast %jit3A_1010 : i32 to vector<16xi32>
    %broadcast_in_dim3A_1013 = vector.broadcast %jit3A_1011 : i32 to vector<16xi32>
    %select_n3A_1014 = arith.select %eq3A_1009, %broadcast_in_dim3A_1012, %broadcast_in_dim3A_1013 : vector<16xi1>, vector<16xi32>
    %min3A_1015 = arith.minsi %broadcast_in_dim3A_1008, %select_n3A_1014 : vector<16xi32>
    %eq3A_1016 = arith.cmpf oeq, %get3A_921, %max3A_1006 : vector<16xf32>
    %jit3A_1017 = arith.constant 1 : i32
    %jit3A_1018 = arith.constant 16 : i32
    %broadcast_in_dim3A_1019 = vector.broadcast %jit3A_1017 : i32 to vector<16xi32>
    %broadcast_in_dim3A_1020 = vector.broadcast %jit3A_1018 : i32 to vector<16xi32>
    %select_n3A_1021 = arith.select %eq3A_1016, %broadcast_in_dim3A_1019, %broadcast_in_dim3A_1020 : vector<16xi1>, vector<16xi32>
    %min3A_1022 = arith.minsi %min3A_1015, %select_n3A_1021 : vector<16xi32>
    %eq3A_1023 = arith.cmpf oeq, %get3A_926, %max3A_1006 : vector<16xf32>
    %jit3A_1024 = arith.constant 2 : i32
    %jit3A_1025 = arith.constant 16 : i32
    %broadcast_in_dim3A_1026 = vector.broadcast %jit3A_1024 : i32 to vector<16xi32>
    %broadcast_in_dim3A_1027 = vector.broadcast %jit3A_1025 : i32 to vector<16xi32>
    %select_n3A_1028 = arith.select %eq3A_1023, %broadcast_in_dim3A_1026, %broadcast_in_dim3A_1027 : vector<16xi1>, vector<16xi32>
    %min3A_1029 = arith.minsi %min3A_1022, %select_n3A_1028 : vector<16xi32>
    %eq3A_1030 = arith.cmpf oeq, %get3A_931, %max3A_1006 : vector<16xf32>
    %jit3A_1031 = arith.constant 3 : i32
    %jit3A_1032 = arith.constant 16 : i32
    %broadcast_in_dim3A_1033 = vector.broadcast %jit3A_1031 : i32 to vector<16xi32>
    %broadcast_in_dim3A_1034 = vector.broadcast %jit3A_1032 : i32 to vector<16xi32>
    %select_n3A_1035 = arith.select %eq3A_1030, %broadcast_in_dim3A_1033, %broadcast_in_dim3A_1034 : vector<16xi1>, vector<16xi32>
    %min3A_1036 = arith.minsi %min3A_1029, %select_n3A_1035 : vector<16xi32>
    %eq3A_1037 = arith.cmpf oeq, %get3A_936, %max3A_1006 : vector<16xf32>
    %jit3A_1038 = arith.constant 4 : i32
    %jit3A_1039 = arith.constant 16 : i32
    %broadcast_in_dim3A_1040 = vector.broadcast %jit3A_1038 : i32 to vector<16xi32>
    %broadcast_in_dim3A_1041 = vector.broadcast %jit3A_1039 : i32 to vector<16xi32>
    %select_n3A_1042 = arith.select %eq3A_1037, %broadcast_in_dim3A_1040, %broadcast_in_dim3A_1041 : vector<16xi1>, vector<16xi32>
    %min3A_1043 = arith.minsi %min3A_1036, %select_n3A_1042 : vector<16xi32>
    %eq3A_1044 = arith.cmpf oeq, %get3A_941, %max3A_1006 : vector<16xf32>
    %jit3A_1045 = arith.constant 5 : i32
    %jit3A_1046 = arith.constant 16 : i32
    %broadcast_in_dim3A_1047 = vector.broadcast %jit3A_1045 : i32 to vector<16xi32>
    %broadcast_in_dim3A_1048 = vector.broadcast %jit3A_1046 : i32 to vector<16xi32>
    %select_n3A_1049 = arith.select %eq3A_1044, %broadcast_in_dim3A_1047, %broadcast_in_dim3A_1048 : vector<16xi1>, vector<16xi32>
    %min3A_1050 = arith.minsi %min3A_1043, %select_n3A_1049 : vector<16xi32>
    %eq3A_1051 = arith.cmpf oeq, %get3A_946, %max3A_1006 : vector<16xf32>
    %jit3A_1052 = arith.constant 6 : i32
    %jit3A_1053 = arith.constant 16 : i32
    %broadcast_in_dim3A_1054 = vector.broadcast %jit3A_1052 : i32 to vector<16xi32>
    %broadcast_in_dim3A_1055 = vector.broadcast %jit3A_1053 : i32 to vector<16xi32>
    %select_n3A_1056 = arith.select %eq3A_1051, %broadcast_in_dim3A_1054, %broadcast_in_dim3A_1055 : vector<16xi1>, vector<16xi32>
    %min3A_1057 = arith.minsi %min3A_1050, %select_n3A_1056 : vector<16xi32>
    %eq3A_1058 = arith.cmpf oeq, %get3A_951, %max3A_1006 : vector<16xf32>
    %jit3A_1059 = arith.constant 7 : i32
    %jit3A_1060 = arith.constant 16 : i32
    %broadcast_in_dim3A_1061 = vector.broadcast %jit3A_1059 : i32 to vector<16xi32>
    %broadcast_in_dim3A_1062 = vector.broadcast %jit3A_1060 : i32 to vector<16xi32>
    %select_n3A_1063 = arith.select %eq3A_1058, %broadcast_in_dim3A_1061, %broadcast_in_dim3A_1062 : vector<16xi1>, vector<16xi32>
    %min3A_1064 = arith.minsi %min3A_1057, %select_n3A_1063 : vector<16xi32>
    %eq3A_1065 = arith.cmpf oeq, %get3A_956, %max3A_1006 : vector<16xf32>
    %jit3A_1066 = arith.constant 8 : i32
    %jit3A_1067 = arith.constant 16 : i32
    %broadcast_in_dim3A_1068 = vector.broadcast %jit3A_1066 : i32 to vector<16xi32>
    %broadcast_in_dim3A_1069 = vector.broadcast %jit3A_1067 : i32 to vector<16xi32>
    %select_n3A_1070 = arith.select %eq3A_1065, %broadcast_in_dim3A_1068, %broadcast_in_dim3A_1069 : vector<16xi1>, vector<16xi32>
    %min3A_1071 = arith.minsi %min3A_1064, %select_n3A_1070 : vector<16xi32>
    %eq3A_1072 = arith.cmpf oeq, %get3A_961, %max3A_1006 : vector<16xf32>
    %jit3A_1073 = arith.constant 9 : i32
    %jit3A_1074 = arith.constant 16 : i32
    %broadcast_in_dim3A_1075 = vector.broadcast %jit3A_1073 : i32 to vector<16xi32>
    %broadcast_in_dim3A_1076 = vector.broadcast %jit3A_1074 : i32 to vector<16xi32>
    %select_n3A_1077 = arith.select %eq3A_1072, %broadcast_in_dim3A_1075, %broadcast_in_dim3A_1076 : vector<16xi1>, vector<16xi32>
    %min3A_1078 = arith.minsi %min3A_1071, %select_n3A_1077 : vector<16xi32>
    %eq3A_1079 = arith.cmpf oeq, %get3A_966, %max3A_1006 : vector<16xf32>
    %jit3A_1080 = arith.constant 10 : i32
    %jit3A_1081 = arith.constant 16 : i32
    %broadcast_in_dim3A_1082 = vector.broadcast %jit3A_1080 : i32 to vector<16xi32>
    %broadcast_in_dim3A_1083 = vector.broadcast %jit3A_1081 : i32 to vector<16xi32>
    %select_n3A_1084 = arith.select %eq3A_1079, %broadcast_in_dim3A_1082, %broadcast_in_dim3A_1083 : vector<16xi1>, vector<16xi32>
    %min3A_1085 = arith.minsi %min3A_1078, %select_n3A_1084 : vector<16xi32>
    %eq3A_1086 = arith.cmpf oeq, %get3A_971, %max3A_1006 : vector<16xf32>
    %jit3A_1087 = arith.constant 11 : i32
    %jit3A_1088 = arith.constant 16 : i32
    %broadcast_in_dim3A_1089 = vector.broadcast %jit3A_1087 : i32 to vector<16xi32>
    %broadcast_in_dim3A_1090 = vector.broadcast %jit3A_1088 : i32 to vector<16xi32>
    %select_n3A_1091 = arith.select %eq3A_1086, %broadcast_in_dim3A_1089, %broadcast_in_dim3A_1090 : vector<16xi1>, vector<16xi32>
    %min3A_1092 = arith.minsi %min3A_1085, %select_n3A_1091 : vector<16xi32>
    %eq3A_1093 = arith.cmpf oeq, %get3A_976, %max3A_1006 : vector<16xf32>
    %jit3A_1094 = arith.constant 12 : i32
    %jit3A_1095 = arith.constant 16 : i32
    %broadcast_in_dim3A_1096 = vector.broadcast %jit3A_1094 : i32 to vector<16xi32>
    %broadcast_in_dim3A_1097 = vector.broadcast %jit3A_1095 : i32 to vector<16xi32>
    %select_n3A_1098 = arith.select %eq3A_1093, %broadcast_in_dim3A_1096, %broadcast_in_dim3A_1097 : vector<16xi1>, vector<16xi32>
    %min3A_1099 = arith.minsi %min3A_1092, %select_n3A_1098 : vector<16xi32>
    %eq3A_1100 = arith.cmpf oeq, %get3A_981, %max3A_1006 : vector<16xf32>
    %jit3A_1101 = arith.constant 13 : i32
    %jit3A_1102 = arith.constant 16 : i32
    %broadcast_in_dim3A_1103 = vector.broadcast %jit3A_1101 : i32 to vector<16xi32>
    %broadcast_in_dim3A_1104 = vector.broadcast %jit3A_1102 : i32 to vector<16xi32>
    %select_n3A_1105 = arith.select %eq3A_1100, %broadcast_in_dim3A_1103, %broadcast_in_dim3A_1104 : vector<16xi1>, vector<16xi32>
    %min3A_1106 = arith.minsi %min3A_1099, %select_n3A_1105 : vector<16xi32>
    %eq3A_1107 = arith.cmpf oeq, %get3A_986, %max3A_1006 : vector<16xf32>
    %jit3A_1108 = arith.constant 14 : i32
    %jit3A_1109 = arith.constant 16 : i32
    %broadcast_in_dim3A_1110 = vector.broadcast %jit3A_1108 : i32 to vector<16xi32>
    %broadcast_in_dim3A_1111 = vector.broadcast %jit3A_1109 : i32 to vector<16xi32>
    %select_n3A_1112 = arith.select %eq3A_1107, %broadcast_in_dim3A_1110, %broadcast_in_dim3A_1111 : vector<16xi1>, vector<16xi32>
    %min3A_1113 = arith.minsi %min3A_1106, %select_n3A_1112 : vector<16xi32>
    %eq3A_1114 = arith.cmpf oeq, %get3A_991, %max3A_1006 : vector<16xf32>
    %jit3A_1115 = arith.constant 15 : i32
    %jit3A_1116 = arith.constant 16 : i32
    %broadcast_in_dim3A_1117 = vector.broadcast %jit3A_1115 : i32 to vector<16xi32>
    %broadcast_in_dim3A_1118 = vector.broadcast %jit3A_1116 : i32 to vector<16xi32>
    %select_n3A_1119 = arith.select %eq3A_1114, %broadcast_in_dim3A_1117, %broadcast_in_dim3A_1118 : vector<16xi1>, vector<16xi32>
    %min3A_1120 = arith.minsi %min3A_1113, %select_n3A_1119 : vector<16xi32>
    %eq3A_1121 = arith.constant 0 : i32
    %eq3A_1122 = vector.broadcast %eq3A_1121 : i32 to vector<16xi32>
    %eq3A_1123 = arith.cmpi eq, %min3A_1120, %eq3A_1122 : vector<16xi32>
    %jit3A_1124 = arith.constant 0xFF800000 : f32
    %broadcast_in_dim3A_1125 = vector.broadcast %jit3A_1124 : f32 to vector<16xf32>
    %select_n3A_1126 = arith.select %eq3A_1123, %broadcast_in_dim3A_1125, %get3A_916 : vector<16xi1>, vector<16xf32>
    %eq3A_1127 = arith.constant 1 : i32
    %eq3A_1128 = vector.broadcast %eq3A_1127 : i32 to vector<16xi32>
    %eq3A_1129 = arith.cmpi eq, %min3A_1120, %eq3A_1128 : vector<16xi32>
    %jit3A_1130 = arith.constant 0xFF800000 : f32
    %broadcast_in_dim3A_1131 = vector.broadcast %jit3A_1130 : f32 to vector<16xf32>
    %select_n3A_1132 = arith.select %eq3A_1129, %broadcast_in_dim3A_1131, %get3A_921 : vector<16xi1>, vector<16xf32>
    %eq3A_1133 = arith.constant 2 : i32
    %eq3A_1134 = vector.broadcast %eq3A_1133 : i32 to vector<16xi32>
    %eq3A_1135 = arith.cmpi eq, %min3A_1120, %eq3A_1134 : vector<16xi32>
    %jit3A_1136 = arith.constant 0xFF800000 : f32
    %broadcast_in_dim3A_1137 = vector.broadcast %jit3A_1136 : f32 to vector<16xf32>
    %select_n3A_1138 = arith.select %eq3A_1135, %broadcast_in_dim3A_1137, %get3A_926 : vector<16xi1>, vector<16xf32>
    %eq3A_1139 = arith.constant 3 : i32
    %eq3A_1140 = vector.broadcast %eq3A_1139 : i32 to vector<16xi32>
    %eq3A_1141 = arith.cmpi eq, %min3A_1120, %eq3A_1140 : vector<16xi32>
    %jit3A_1142 = arith.constant 0xFF800000 : f32
    %broadcast_in_dim3A_1143 = vector.broadcast %jit3A_1142 : f32 to vector<16xf32>
    %select_n3A_1144 = arith.select %eq3A_1141, %broadcast_in_dim3A_1143, %get3A_931 : vector<16xi1>, vector<16xf32>
    %eq3A_1145 = arith.constant 4 : i32
    %eq3A_1146 = vector.broadcast %eq3A_1145 : i32 to vector<16xi32>
    %eq3A_1147 = arith.cmpi eq, %min3A_1120, %eq3A_1146 : vector<16xi32>
    %jit3A_1148 = arith.constant 0xFF800000 : f32
    %broadcast_in_dim3A_1149 = vector.broadcast %jit3A_1148 : f32 to vector<16xf32>
    %select_n3A_1150 = arith.select %eq3A_1147, %broadcast_in_dim3A_1149, %get3A_936 : vector<16xi1>, vector<16xf32>
    %eq3A_1151 = arith.constant 5 : i32
    %eq3A_1152 = vector.broadcast %eq3A_1151 : i32 to vector<16xi32>
    %eq3A_1153 = arith.cmpi eq, %min3A_1120, %eq3A_1152 : vector<16xi32>
    %jit3A_1154 = arith.constant 0xFF800000 : f32
    %broadcast_in_dim3A_1155 = vector.broadcast %jit3A_1154 : f32 to vector<16xf32>
    %select_n3A_1156 = arith.select %eq3A_1153, %broadcast_in_dim3A_1155, %get3A_941 : vector<16xi1>, vector<16xf32>
    %eq3A_1157 = arith.constant 6 : i32
    %eq3A_1158 = vector.broadcast %eq3A_1157 : i32 to vector<16xi32>
    %eq3A_1159 = arith.cmpi eq, %min3A_1120, %eq3A_1158 : vector<16xi32>
    %jit3A_1160 = arith.constant 0xFF800000 : f32
    %broadcast_in_dim3A_1161 = vector.broadcast %jit3A_1160 : f32 to vector<16xf32>
    %select_n3A_1162 = arith.select %eq3A_1159, %broadcast_in_dim3A_1161, %get3A_946 : vector<16xi1>, vector<16xf32>
    %eq3A_1163 = arith.constant 7 : i32
    %eq3A_1164 = vector.broadcast %eq3A_1163 : i32 to vector<16xi32>
    %eq3A_1165 = arith.cmpi eq, %min3A_1120, %eq3A_1164 : vector<16xi32>
    %jit3A_1166 = arith.constant 0xFF800000 : f32
    %broadcast_in_dim3A_1167 = vector.broadcast %jit3A_1166 : f32 to vector<16xf32>
    %select_n3A_1168 = arith.select %eq3A_1165, %broadcast_in_dim3A_1167, %get3A_951 : vector<16xi1>, vector<16xf32>
    %eq3A_1169 = arith.constant 8 : i32
    %eq3A_1170 = vector.broadcast %eq3A_1169 : i32 to vector<16xi32>
    %eq3A_1171 = arith.cmpi eq, %min3A_1120, %eq3A_1170 : vector<16xi32>
    %jit3A_1172 = arith.constant 0xFF800000 : f32
    %broadcast_in_dim3A_1173 = vector.broadcast %jit3A_1172 : f32 to vector<16xf32>
    %select_n3A_1174 = arith.select %eq3A_1171, %broadcast_in_dim3A_1173, %get3A_956 : vector<16xi1>, vector<16xf32>
    %eq3A_1175 = arith.constant 9 : i32
    %eq3A_1176 = vector.broadcast %eq3A_1175 : i32 to vector<16xi32>
    %eq3A_1177 = arith.cmpi eq, %min3A_1120, %eq3A_1176 : vector<16xi32>
    %jit3A_1178 = arith.constant 0xFF800000 : f32
    %broadcast_in_dim3A_1179 = vector.broadcast %jit3A_1178 : f32 to vector<16xf32>
    %select_n3A_1180 = arith.select %eq3A_1177, %broadcast_in_dim3A_1179, %get3A_961 : vector<16xi1>, vector<16xf32>
    %eq3A_1181 = arith.constant 10 : i32
    %eq3A_1182 = vector.broadcast %eq3A_1181 : i32 to vector<16xi32>
    %eq3A_1183 = arith.cmpi eq, %min3A_1120, %eq3A_1182 : vector<16xi32>
    %jit3A_1184 = arith.constant 0xFF800000 : f32
    %broadcast_in_dim3A_1185 = vector.broadcast %jit3A_1184 : f32 to vector<16xf32>
    %select_n3A_1186 = arith.select %eq3A_1183, %broadcast_in_dim3A_1185, %get3A_966 : vector<16xi1>, vector<16xf32>
    %eq3A_1187 = arith.constant 11 : i32
    %eq3A_1188 = vector.broadcast %eq3A_1187 : i32 to vector<16xi32>
    %eq3A_1189 = arith.cmpi eq, %min3A_1120, %eq3A_1188 : vector<16xi32>
    %jit3A_1190 = arith.constant 0xFF800000 : f32
    %broadcast_in_dim3A_1191 = vector.broadcast %jit3A_1190 : f32 to vector<16xf32>
    %select_n3A_1192 = arith.select %eq3A_1189, %broadcast_in_dim3A_1191, %get3A_971 : vector<16xi1>, vector<16xf32>
    %eq3A_1193 = arith.constant 12 : i32
    %eq3A_1194 = vector.broadcast %eq3A_1193 : i32 to vector<16xi32>
    %eq3A_1195 = arith.cmpi eq, %min3A_1120, %eq3A_1194 : vector<16xi32>
    %jit3A_1196 = arith.constant 0xFF800000 : f32
    %broadcast_in_dim3A_1197 = vector.broadcast %jit3A_1196 : f32 to vector<16xf32>
    %select_n3A_1198 = arith.select %eq3A_1195, %broadcast_in_dim3A_1197, %get3A_976 : vector<16xi1>, vector<16xf32>
    %eq3A_1199 = arith.constant 13 : i32
    %eq3A_1200 = vector.broadcast %eq3A_1199 : i32 to vector<16xi32>
    %eq3A_1201 = arith.cmpi eq, %min3A_1120, %eq3A_1200 : vector<16xi32>
    %jit3A_1202 = arith.constant 0xFF800000 : f32
    %broadcast_in_dim3A_1203 = vector.broadcast %jit3A_1202 : f32 to vector<16xf32>
    %select_n3A_1204 = arith.select %eq3A_1201, %broadcast_in_dim3A_1203, %get3A_981 : vector<16xi1>, vector<16xf32>
    %eq3A_1205 = arith.constant 14 : i32
    %eq3A_1206 = vector.broadcast %eq3A_1205 : i32 to vector<16xi32>
    %eq3A_1207 = arith.cmpi eq, %min3A_1120, %eq3A_1206 : vector<16xi32>
    %jit3A_1208 = arith.constant 0xFF800000 : f32
    %broadcast_in_dim3A_1209 = vector.broadcast %jit3A_1208 : f32 to vector<16xf32>
    %select_n3A_1210 = arith.select %eq3A_1207, %broadcast_in_dim3A_1209, %get3A_986 : vector<16xi1>, vector<16xf32>
    %eq3A_1211 = arith.constant 15 : i32
    %eq3A_1212 = vector.broadcast %eq3A_1211 : i32 to vector<16xi32>
    %eq3A_1213 = arith.cmpi eq, %min3A_1120, %eq3A_1212 : vector<16xi32>
    %jit3A_1214 = arith.constant 0xFF800000 : f32
    %broadcast_in_dim3A_1215 = vector.broadcast %jit3A_1214 : f32 to vector<16xf32>
    %select_n3A_1216 = arith.select %eq3A_1213, %broadcast_in_dim3A_1215, %get3A_991 : vector<16xi1>, vector<16xf32>
    %max3A_1217 = arith.maximumf %select_n3A_1126, %select_n3A_1132 : vector<16xf32>
    %max3A_1218 = arith.maximumf %max3A_1217, %select_n3A_1138 : vector<16xf32>
    %max3A_1219 = arith.maximumf %max3A_1218, %select_n3A_1144 : vector<16xf32>
    %max3A_1220 = arith.maximumf %max3A_1219, %select_n3A_1150 : vector<16xf32>
    %max3A_1221 = arith.maximumf %max3A_1220, %select_n3A_1156 : vector<16xf32>
    %max3A_1222 = arith.maximumf %max3A_1221, %select_n3A_1162 : vector<16xf32>
    %max3A_1223 = arith.maximumf %max3A_1222, %select_n3A_1168 : vector<16xf32>
    %max3A_1224 = arith.maximumf %max3A_1223, %select_n3A_1174 : vector<16xf32>
    %max3A_1225 = arith.maximumf %max3A_1224, %select_n3A_1180 : vector<16xf32>
    %max3A_1226 = arith.maximumf %max3A_1225, %select_n3A_1186 : vector<16xf32>
    %max3A_1227 = arith.maximumf %max3A_1226, %select_n3A_1192 : vector<16xf32>
    %max3A_1228 = arith.maximumf %max3A_1227, %select_n3A_1198 : vector<16xf32>
    %max3A_1229 = arith.maximumf %max3A_1228, %select_n3A_1204 : vector<16xf32>
    %max3A_1230 = arith.maximumf %max3A_1229, %select_n3A_1210 : vector<16xf32>
    %max3A_1231 = arith.maximumf %max3A_1230, %select_n3A_1216 : vector<16xf32>
    %broadcast_in_dim3A_1232 = arith.constant 16 : i32
    %broadcast_in_dim3A_1233 = vector.broadcast %broadcast_in_dim3A_1232 : i32 to vector<16xi32>
    %eq3A_1234 = arith.cmpf oeq, %select_n3A_1126, %max3A_1231 : vector<16xf32>
    %jit3A_1235 = arith.constant 0 : i32
    %jit3A_1236 = arith.constant 16 : i32
    %broadcast_in_dim3A_1237 = vector.broadcast %jit3A_1235 : i32 to vector<16xi32>
    %broadcast_in_dim3A_1238 = vector.broadcast %jit3A_1236 : i32 to vector<16xi32>
    %select_n3A_1239 = arith.select %eq3A_1234, %broadcast_in_dim3A_1237, %broadcast_in_dim3A_1238 : vector<16xi1>, vector<16xi32>
    %min3A_1240 = arith.minsi %broadcast_in_dim3A_1233, %select_n3A_1239 : vector<16xi32>
    %eq3A_1241 = arith.cmpf oeq, %select_n3A_1132, %max3A_1231 : vector<16xf32>
    %jit3A_1242 = arith.constant 1 : i32
    %jit3A_1243 = arith.constant 16 : i32
    %broadcast_in_dim3A_1244 = vector.broadcast %jit3A_1242 : i32 to vector<16xi32>
    %broadcast_in_dim3A_1245 = vector.broadcast %jit3A_1243 : i32 to vector<16xi32>
    %select_n3A_1246 = arith.select %eq3A_1241, %broadcast_in_dim3A_1244, %broadcast_in_dim3A_1245 : vector<16xi1>, vector<16xi32>
    %min3A_1247 = arith.minsi %min3A_1240, %select_n3A_1246 : vector<16xi32>
    %eq3A_1248 = arith.cmpf oeq, %select_n3A_1138, %max3A_1231 : vector<16xf32>
    %jit3A_1249 = arith.constant 2 : i32
    %jit3A_1250 = arith.constant 16 : i32
    %broadcast_in_dim3A_1251 = vector.broadcast %jit3A_1249 : i32 to vector<16xi32>
    %broadcast_in_dim3A_1252 = vector.broadcast %jit3A_1250 : i32 to vector<16xi32>
    %select_n3A_1253 = arith.select %eq3A_1248, %broadcast_in_dim3A_1251, %broadcast_in_dim3A_1252 : vector<16xi1>, vector<16xi32>
    %min3A_1254 = arith.minsi %min3A_1247, %select_n3A_1253 : vector<16xi32>
    %eq3A_1255 = arith.cmpf oeq, %select_n3A_1144, %max3A_1231 : vector<16xf32>
    %jit3A_1256 = arith.constant 3 : i32
    %jit3A_1257 = arith.constant 16 : i32
    %broadcast_in_dim3A_1258 = vector.broadcast %jit3A_1256 : i32 to vector<16xi32>
    %broadcast_in_dim3A_1259 = vector.broadcast %jit3A_1257 : i32 to vector<16xi32>
    %select_n3A_1260 = arith.select %eq3A_1255, %broadcast_in_dim3A_1258, %broadcast_in_dim3A_1259 : vector<16xi1>, vector<16xi32>
    %min3A_1261 = arith.minsi %min3A_1254, %select_n3A_1260 : vector<16xi32>
    %eq3A_1262 = arith.cmpf oeq, %select_n3A_1150, %max3A_1231 : vector<16xf32>
    %jit3A_1263 = arith.constant 4 : i32
    %jit3A_1264 = arith.constant 16 : i32
    %broadcast_in_dim3A_1265 = vector.broadcast %jit3A_1263 : i32 to vector<16xi32>
    %broadcast_in_dim3A_1266 = vector.broadcast %jit3A_1264 : i32 to vector<16xi32>
    %select_n3A_1267 = arith.select %eq3A_1262, %broadcast_in_dim3A_1265, %broadcast_in_dim3A_1266 : vector<16xi1>, vector<16xi32>
    %min3A_1268 = arith.minsi %min3A_1261, %select_n3A_1267 : vector<16xi32>
    %eq3A_1269 = arith.cmpf oeq, %select_n3A_1156, %max3A_1231 : vector<16xf32>
    %jit3A_1270 = arith.constant 5 : i32
    %jit3A_1271 = arith.constant 16 : i32
    %broadcast_in_dim3A_1272 = vector.broadcast %jit3A_1270 : i32 to vector<16xi32>
    %broadcast_in_dim3A_1273 = vector.broadcast %jit3A_1271 : i32 to vector<16xi32>
    %select_n3A_1274 = arith.select %eq3A_1269, %broadcast_in_dim3A_1272, %broadcast_in_dim3A_1273 : vector<16xi1>, vector<16xi32>
    %min3A_1275 = arith.minsi %min3A_1268, %select_n3A_1274 : vector<16xi32>
    %eq3A_1276 = arith.cmpf oeq, %select_n3A_1162, %max3A_1231 : vector<16xf32>
    %jit3A_1277 = arith.constant 6 : i32
    %jit3A_1278 = arith.constant 16 : i32
    %broadcast_in_dim3A_1279 = vector.broadcast %jit3A_1277 : i32 to vector<16xi32>
    %broadcast_in_dim3A_1280 = vector.broadcast %jit3A_1278 : i32 to vector<16xi32>
    %select_n3A_1281 = arith.select %eq3A_1276, %broadcast_in_dim3A_1279, %broadcast_in_dim3A_1280 : vector<16xi1>, vector<16xi32>
    %min3A_1282 = arith.minsi %min3A_1275, %select_n3A_1281 : vector<16xi32>
    %eq3A_1283 = arith.cmpf oeq, %select_n3A_1168, %max3A_1231 : vector<16xf32>
    %jit3A_1284 = arith.constant 7 : i32
    %jit3A_1285 = arith.constant 16 : i32
    %broadcast_in_dim3A_1286 = vector.broadcast %jit3A_1284 : i32 to vector<16xi32>
    %broadcast_in_dim3A_1287 = vector.broadcast %jit3A_1285 : i32 to vector<16xi32>
    %select_n3A_1288 = arith.select %eq3A_1283, %broadcast_in_dim3A_1286, %broadcast_in_dim3A_1287 : vector<16xi1>, vector<16xi32>
    %min3A_1289 = arith.minsi %min3A_1282, %select_n3A_1288 : vector<16xi32>
    %eq3A_1290 = arith.cmpf oeq, %select_n3A_1174, %max3A_1231 : vector<16xf32>
    %jit3A_1291 = arith.constant 8 : i32
    %jit3A_1292 = arith.constant 16 : i32
    %broadcast_in_dim3A_1293 = vector.broadcast %jit3A_1291 : i32 to vector<16xi32>
    %broadcast_in_dim3A_1294 = vector.broadcast %jit3A_1292 : i32 to vector<16xi32>
    %select_n3A_1295 = arith.select %eq3A_1290, %broadcast_in_dim3A_1293, %broadcast_in_dim3A_1294 : vector<16xi1>, vector<16xi32>
    %min3A_1296 = arith.minsi %min3A_1289, %select_n3A_1295 : vector<16xi32>
    %eq3A_1297 = arith.cmpf oeq, %select_n3A_1180, %max3A_1231 : vector<16xf32>
    %jit3A_1298 = arith.constant 9 : i32
    %jit3A_1299 = arith.constant 16 : i32
    %broadcast_in_dim3A_1300 = vector.broadcast %jit3A_1298 : i32 to vector<16xi32>
    %broadcast_in_dim3A_1301 = vector.broadcast %jit3A_1299 : i32 to vector<16xi32>
    %select_n3A_1302 = arith.select %eq3A_1297, %broadcast_in_dim3A_1300, %broadcast_in_dim3A_1301 : vector<16xi1>, vector<16xi32>
    %min3A_1303 = arith.minsi %min3A_1296, %select_n3A_1302 : vector<16xi32>
    %eq3A_1304 = arith.cmpf oeq, %select_n3A_1186, %max3A_1231 : vector<16xf32>
    %jit3A_1305 = arith.constant 10 : i32
    %jit3A_1306 = arith.constant 16 : i32
    %broadcast_in_dim3A_1307 = vector.broadcast %jit3A_1305 : i32 to vector<16xi32>
    %broadcast_in_dim3A_1308 = vector.broadcast %jit3A_1306 : i32 to vector<16xi32>
    %select_n3A_1309 = arith.select %eq3A_1304, %broadcast_in_dim3A_1307, %broadcast_in_dim3A_1308 : vector<16xi1>, vector<16xi32>
    %min3A_1310 = arith.minsi %min3A_1303, %select_n3A_1309 : vector<16xi32>
    %eq3A_1311 = arith.cmpf oeq, %select_n3A_1192, %max3A_1231 : vector<16xf32>
    %jit3A_1312 = arith.constant 11 : i32
    %jit3A_1313 = arith.constant 16 : i32
    %broadcast_in_dim3A_1314 = vector.broadcast %jit3A_1312 : i32 to vector<16xi32>
    %broadcast_in_dim3A_1315 = vector.broadcast %jit3A_1313 : i32 to vector<16xi32>
    %select_n3A_1316 = arith.select %eq3A_1311, %broadcast_in_dim3A_1314, %broadcast_in_dim3A_1315 : vector<16xi1>, vector<16xi32>
    %min3A_1317 = arith.minsi %min3A_1310, %select_n3A_1316 : vector<16xi32>
    %eq3A_1318 = arith.cmpf oeq, %select_n3A_1198, %max3A_1231 : vector<16xf32>
    %jit3A_1319 = arith.constant 12 : i32
    %jit3A_1320 = arith.constant 16 : i32
    %broadcast_in_dim3A_1321 = vector.broadcast %jit3A_1319 : i32 to vector<16xi32>
    %broadcast_in_dim3A_1322 = vector.broadcast %jit3A_1320 : i32 to vector<16xi32>
    %select_n3A_1323 = arith.select %eq3A_1318, %broadcast_in_dim3A_1321, %broadcast_in_dim3A_1322 : vector<16xi1>, vector<16xi32>
    %min3A_1324 = arith.minsi %min3A_1317, %select_n3A_1323 : vector<16xi32>
    %eq3A_1325 = arith.cmpf oeq, %select_n3A_1204, %max3A_1231 : vector<16xf32>
    %jit3A_1326 = arith.constant 13 : i32
    %jit3A_1327 = arith.constant 16 : i32
    %broadcast_in_dim3A_1328 = vector.broadcast %jit3A_1326 : i32 to vector<16xi32>
    %broadcast_in_dim3A_1329 = vector.broadcast %jit3A_1327 : i32 to vector<16xi32>
    %select_n3A_1330 = arith.select %eq3A_1325, %broadcast_in_dim3A_1328, %broadcast_in_dim3A_1329 : vector<16xi1>, vector<16xi32>
    %min3A_1331 = arith.minsi %min3A_1324, %select_n3A_1330 : vector<16xi32>
    %eq3A_1332 = arith.cmpf oeq, %select_n3A_1210, %max3A_1231 : vector<16xf32>
    %jit3A_1333 = arith.constant 14 : i32
    %jit3A_1334 = arith.constant 16 : i32
    %broadcast_in_dim3A_1335 = vector.broadcast %jit3A_1333 : i32 to vector<16xi32>
    %broadcast_in_dim3A_1336 = vector.broadcast %jit3A_1334 : i32 to vector<16xi32>
    %select_n3A_1337 = arith.select %eq3A_1332, %broadcast_in_dim3A_1335, %broadcast_in_dim3A_1336 : vector<16xi1>, vector<16xi32>
    %min3A_1338 = arith.minsi %min3A_1331, %select_n3A_1337 : vector<16xi32>
    %eq3A_1339 = arith.cmpf oeq, %select_n3A_1216, %max3A_1231 : vector<16xf32>
    %jit3A_1340 = arith.constant 15 : i32
    %jit3A_1341 = arith.constant 16 : i32
    %broadcast_in_dim3A_1342 = vector.broadcast %jit3A_1340 : i32 to vector<16xi32>
    %broadcast_in_dim3A_1343 = vector.broadcast %jit3A_1341 : i32 to vector<16xi32>
    %select_n3A_1344 = arith.select %eq3A_1339, %broadcast_in_dim3A_1342, %broadcast_in_dim3A_1343 : vector<16xi1>, vector<16xi32>
    %min3A_1345 = arith.minsi %min3A_1338, %select_n3A_1344 : vector<16xi32>
    %sub3A_1346 = arith.subf %max3A_1231, %max3A_1006 : vector<16xf32>
    %exp3A_1347 = math.exp %sub3A_1346 : vector<16xf32>
    %add3A_1348 = arith.constant 1.000000e+00 : f32
    %add3A_1349 = vector.broadcast %add3A_1348 : f32 to vector<16xf32>
    %add3A_1350 = arith.addf %add3A_1349, %exp3A_1347 : vector<16xf32>
    %div3A_1351 = arith.constant 1.000000e+00 : f32
    %div3A_1352 = vector.broadcast %div3A_1351 : f32 to vector<16xf32>
    %div3A_1353 = arith.divf %div3A_1352, %add3A_1350 : vector<16xf32>
    %swap3A_1354 = arith.constant 32 : index
    %swap3A_1355 = tpu.vector_load %arg8[%swap3A_1354] {strides = array<i32>} : memref<64xi32, #tpu.memory_space<vmem>>, vector<16xi32>,
    %swap3A_1356 = vector.shape_cast %swap3A_1355 : vector<16xi32> to vector<16xi32>
    %swap3A_1357 = vector.shape_cast %min3A_1120 : vector<16xi32> to vector<16xi32>
    tpu.vector_store %arg8[%swap3A_1354], %swap3A_1357 {strides = array<i32>} : memref<64xi32, #tpu.memory_space<vmem>>, vector<16xi32>,
    %swap3A_1358 = arith.constant 32 : index
    %swap3A_1359 = tpu.vector_load %arg9[%swap3A_1358] {strides = array<i32>} : memref<64xi32, #tpu.memory_space<vmem>>, vector<16xi32>,
    %swap3A_1360 = vector.shape_cast %swap3A_1359 : vector<16xi32> to vector<16xi32>
    %swap3A_1361 = vector.shape_cast %min3A_1345 : vector<16xi32> to vector<16xi32>
    tpu.vector_store %arg9[%swap3A_1358], %swap3A_1361 {strides = array<i32>} : memref<64xi32, #tpu.memory_space<vmem>>, vector<16xi32>,
    %swap3A_1362 = arith.constant 32 : index
    %swap3A_1363 = tpu.vector_load %arg10[%swap3A_1362] {strides = array<i32>} : memref<64xf32, #tpu.memory_space<vmem>>, vector<16xf32>,
    %swap3A_1364 = vector.shape_cast %swap3A_1363 : vector<16xf32> to vector<16xf32>
    %swap3A_1365 = vector.shape_cast %div3A_1353 : vector<16xf32> to vector<16xf32>
    tpu.vector_store %arg10[%swap3A_1362], %swap3A_1365 {strides = array<i32>} : memref<64xf32, #tpu.memory_space<vmem>>, vector<16xf32>,
    %sub3A_1366 = arith.constant 1.000000e+00 : f32
    %sub3A_1367 = vector.broadcast %sub3A_1366 : f32 to vector<16xf32>
    %sub3A_1368 = arith.subf %sub3A_1367, %div3A_1353 : vector<16xf32>
    %swap3A_1369 = arith.constant 32 : index
    %swap3A_1370 = tpu.vector_load %arg11[%swap3A_1369] {strides = array<i32>} : memref<64xf32, #tpu.memory_space<vmem>>, vector<16xf32>,
    %swap3A_1371 = vector.shape_cast %swap3A_1370 : vector<16xf32> to vector<16xf32>
    %swap3A_1372 = vector.shape_cast %sub3A_1368 : vector<16xf32> to vector<16xf32>
    tpu.vector_store %arg11[%swap3A_1369], %swap3A_1372 {strides = array<i32>} : memref<64xf32, #tpu.memory_space<vmem>>, vector<16xf32>,
    %get3A_1373 = arith.constant 0 : i32
    %get3A_1374 = arith.index_cast %get3A_1373 : i32 to index
    %get3A_1375 = arith.constant 48 : index
    %get3A_1376 = tpu.vector_load %arg7[%get3A_1374, %get3A_1375] {strides = array<i32>} : memref<16x64xf32, #tpu.memory_space<vmem>>, vector<1x16xf32>,
    %get3A_1377 = vector.shape_cast %get3A_1376 : vector<1x16xf32> to vector<16xf32>
    %get3A_1378 = arith.constant 1 : i32
    %get3A_1379 = arith.index_cast %get3A_1378 : i32 to index
    %get3A_1380 = arith.constant 48 : index
    %get3A_1381 = tpu.vector_load %arg7[%get3A_1379, %get3A_1380] {strides = array<i32>} : memref<16x64xf32, #tpu.memory_space<vmem>>, vector<1x16xf32>,
    %get3A_1382 = vector.shape_cast %get3A_1381 : vector<1x16xf32> to vector<16xf32>
    %get3A_1383 = arith.constant 2 : i32
    %get3A_1384 = arith.index_cast %get3A_1383 : i32 to index
    %get3A_1385 = arith.constant 48 : index
    %get3A_1386 = tpu.vector_load %arg7[%get3A_1384, %get3A_1385] {strides = array<i32>} : memref<16x64xf32, #tpu.memory_space<vmem>>, vector<1x16xf32>,
    %get3A_1387 = vector.shape_cast %get3A_1386 : vector<1x16xf32> to vector<16xf32>
    %get3A_1388 = arith.constant 3 : i32
    %get3A_1389 = arith.index_cast %get3A_1388 : i32 to index
    %get3A_1390 = arith.constant 48 : index
    %get3A_1391 = tpu.vector_load %arg7[%get3A_1389, %get3A_1390] {strides = array<i32>} : memref<16x64xf32, #tpu.memory_space<vmem>>, vector<1x16xf32>,
    %get3A_1392 = vector.shape_cast %get3A_1391 : vector<1x16xf32> to vector<16xf32>
    %get3A_1393 = arith.constant 4 : i32
    %get3A_1394 = arith.index_cast %get3A_1393 : i32 to index
    %get3A_1395 = arith.constant 48 : index
    %get3A_1396 = tpu.vector_load %arg7[%get3A_1394, %get3A_1395] {strides = array<i32>} : memref<16x64xf32, #tpu.memory_space<vmem>>, vector<1x16xf32>,
    %get3A_1397 = vector.shape_cast %get3A_1396 : vector<1x16xf32> to vector<16xf32>
    %get3A_1398 = arith.constant 5 : i32
    %get3A_1399 = arith.index_cast %get3A_1398 : i32 to index
    %get3A_1400 = arith.constant 48 : index
    %get3A_1401 = tpu.vector_load %arg7[%get3A_1399, %get3A_1400] {strides = array<i32>} : memref<16x64xf32, #tpu.memory_space<vmem>>, vector<1x16xf32>,
    %get3A_1402 = vector.shape_cast %get3A_1401 : vector<1x16xf32> to vector<16xf32>
    %get3A_1403 = arith.constant 6 : i32
    %get3A_1404 = arith.index_cast %get3A_1403 : i32 to index
    %get3A_1405 = arith.constant 48 : index
    %get3A_1406 = tpu.vector_load %arg7[%get3A_1404, %get3A_1405] {strides = array<i32>} : memref<16x64xf32, #tpu.memory_space<vmem>>, vector<1x16xf32>,
    %get3A_1407 = vector.shape_cast %get3A_1406 : vector<1x16xf32> to vector<16xf32>
    %get3A_1408 = arith.constant 7 : i32
    %get3A_1409 = arith.index_cast %get3A_1408 : i32 to index
    %get3A_1410 = arith.constant 48 : index
    %get3A_1411 = tpu.vector_load %arg7[%get3A_1409, %get3A_1410] {strides = array<i32>} : memref<16x64xf32, #tpu.memory_space<vmem>>, vector<1x16xf32>,
    %get3A_1412 = vector.shape_cast %get3A_1411 : vector<1x16xf32> to vector<16xf32>
    %get3A_1413 = arith.constant 8 : i32
    %get3A_1414 = arith.index_cast %get3A_1413 : i32 to index
    %get3A_1415 = arith.constant 48 : index
    %get3A_1416 = tpu.vector_load %arg7[%get3A_1414, %get3A_1415] {strides = array<i32>} : memref<16x64xf32, #tpu.memory_space<vmem>>, vector<1x16xf32>,
    %get3A_1417 = vector.shape_cast %get3A_1416 : vector<1x16xf32> to vector<16xf32>
    %get3A_1418 = arith.constant 9 : i32
    %get3A_1419 = arith.index_cast %get3A_1418 : i32 to index
    %get3A_1420 = arith.constant 48 : index
    %get3A_1421 = tpu.vector_load %arg7[%get3A_1419, %get3A_1420] {strides = array<i32>} : memref<16x64xf32, #tpu.memory_space<vmem>>, vector<1x16xf32>,
    %get3A_1422 = vector.shape_cast %get3A_1421 : vector<1x16xf32> to vector<16xf32>
    %get3A_1423 = arith.constant 10 : i32
    %get3A_1424 = arith.index_cast %get3A_1423 : i32 to index
    %get3A_1425 = arith.constant 48 : index
    %get3A_1426 = tpu.vector_load %arg7[%get3A_1424, %get3A_1425] {strides = array<i32>} : memref<16x64xf32, #tpu.memory_space<vmem>>, vector<1x16xf32>,
    %get3A_1427 = vector.shape_cast %get3A_1426 : vector<1x16xf32> to vector<16xf32>
    %get3A_1428 = arith.constant 11 : i32
    %get3A_1429 = arith.index_cast %get3A_1428 : i32 to index
    %get3A_1430 = arith.constant 48 : index
    %get3A_1431 = tpu.vector_load %arg7[%get3A_1429, %get3A_1430] {strides = array<i32>} : memref<16x64xf32, #tpu.memory_space<vmem>>, vector<1x16xf32>,
    %get3A_1432 = vector.shape_cast %get3A_1431 : vector<1x16xf32> to vector<16xf32>
    %get3A_1433 = arith.constant 12 : i32
    %get3A_1434 = arith.index_cast %get3A_1433 : i32 to index
    %get3A_1435 = arith.constant 48 : index
    %get3A_1436 = tpu.vector_load %arg7[%get3A_1434, %get3A_1435] {strides = array<i32>} : memref<16x64xf32, #tpu.memory_space<vmem>>, vector<1x16xf32>,
    %get3A_1437 = vector.shape_cast %get3A_1436 : vector<1x16xf32> to vector<16xf32>
    %get3A_1438 = arith.constant 13 : i32
    %get3A_1439 = arith.index_cast %get3A_1438 : i32 to index
    %get3A_1440 = arith.constant 48 : index
    %get3A_1441 = tpu.vector_load %arg7[%get3A_1439, %get3A_1440] {strides = array<i32>} : memref<16x64xf32, #tpu.memory_space<vmem>>, vector<1x16xf32>,
    %get3A_1442 = vector.shape_cast %get3A_1441 : vector<1x16xf32> to vector<16xf32>
    %get3A_1443 = arith.constant 14 : i32
    %get3A_1444 = arith.index_cast %get3A_1443 : i32 to index
    %get3A_1445 = arith.constant 48 : index
    %get3A_1446 = tpu.vector_load %arg7[%get3A_1444, %get3A_1445] {strides = array<i32>} : memref<16x64xf32, #tpu.memory_space<vmem>>, vector<1x16xf32>,
    %get3A_1447 = vector.shape_cast %get3A_1446 : vector<1x16xf32> to vector<16xf32>
    %get3A_1448 = arith.constant 15 : i32
    %get3A_1449 = arith.index_cast %get3A_1448 : i32 to index
    %get3A_1450 = arith.constant 48 : index
    %get3A_1451 = tpu.vector_load %arg7[%get3A_1449, %get3A_1450] {strides = array<i32>} : memref<16x64xf32, #tpu.memory_space<vmem>>, vector<1x16xf32>,
    %get3A_1452 = vector.shape_cast %get3A_1451 : vector<1x16xf32> to vector<16xf32>
    %max3A_1453 = arith.maximumf %get3A_1377, %get3A_1382 : vector<16xf32>
    %max3A_1454 = arith.maximumf %max3A_1453, %get3A_1387 : vector<16xf32>
    %max3A_1455 = arith.maximumf %max3A_1454, %get3A_1392 : vector<16xf32>
    %max3A_1456 = arith.maximumf %max3A_1455, %get3A_1397 : vector<16xf32>
    %max3A_1457 = arith.maximumf %max3A_1456, %get3A_1402 : vector<16xf32>
    %max3A_1458 = arith.maximumf %max3A_1457, %get3A_1407 : vector<16xf32>
    %max3A_1459 = arith.maximumf %max3A_1458, %get3A_1412 : vector<16xf32>
    %max3A_1460 = arith.maximumf %max3A_1459, %get3A_1417 : vector<16xf32>
    %max3A_1461 = arith.maximumf %max3A_1460, %get3A_1422 : vector<16xf32>
    %max3A_1462 = arith.maximumf %max3A_1461, %get3A_1427 : vector<16xf32>
    %max3A_1463 = arith.maximumf %max3A_1462, %get3A_1432 : vector<16xf32>
    %max3A_1464 = arith.maximumf %max3A_1463, %get3A_1437 : vector<16xf32>
    %max3A_1465 = arith.maximumf %max3A_1464, %get3A_1442 : vector<16xf32>
    %max3A_1466 = arith.maximumf %max3A_1465, %get3A_1447 : vector<16xf32>
    %max3A_1467 = arith.maximumf %max3A_1466, %get3A_1452 : vector<16xf32>
    %broadcast_in_dim3A_1468 = arith.constant 16 : i32
    %broadcast_in_dim3A_1469 = vector.broadcast %broadcast_in_dim3A_1468 : i32 to vector<16xi32>
    %eq3A_1470 = arith.cmpf oeq, %get3A_1377, %max3A_1467 : vector<16xf32>
    %jit3A_1471 = arith.constant 0 : i32
    %jit3A_1472 = arith.constant 16 : i32
    %broadcast_in_dim3A_1473 = vector.broadcast %jit3A_1471 : i32 to vector<16xi32>
    %broadcast_in_dim3A_1474 = vector.broadcast %jit3A_1472 : i32 to vector<16xi32>
    %select_n3A_1475 = arith.select %eq3A_1470, %broadcast_in_dim3A_1473, %broadcast_in_dim3A_1474 : vector<16xi1>, vector<16xi32>
    %min3A_1476 = arith.minsi %broadcast_in_dim3A_1469, %select_n3A_1475 : vector<16xi32>
    %eq3A_1477 = arith.cmpf oeq, %get3A_1382, %max3A_1467 : vector<16xf32>
    %jit3A_1478 = arith.constant 1 : i32
    %jit3A_1479 = arith.constant 16 : i32
    %broadcast_in_dim3A_1480 = vector.broadcast %jit3A_1478 : i32 to vector<16xi32>
    %broadcast_in_dim3A_1481 = vector.broadcast %jit3A_1479 : i32 to vector<16xi32>
    %select_n3A_1482 = arith.select %eq3A_1477, %broadcast_in_dim3A_1480, %broadcast_in_dim3A_1481 : vector<16xi1>, vector<16xi32>
    %min3A_1483 = arith.minsi %min3A_1476, %select_n3A_1482 : vector<16xi32>
    %eq3A_1484 = arith.cmpf oeq, %get3A_1387, %max3A_1467 : vector<16xf32>
    %jit3A_1485 = arith.constant 2 : i32
    %jit3A_1486 = arith.constant 16 : i32
    %broadcast_in_dim3A_1487 = vector.broadcast %jit3A_1485 : i32 to vector<16xi32>
    %broadcast_in_dim3A_1488 = vector.broadcast %jit3A_1486 : i32 to vector<16xi32>
    %select_n3A_1489 = arith.select %eq3A_1484, %broadcast_in_dim3A_1487, %broadcast_in_dim3A_1488 : vector<16xi1>, vector<16xi32>
    %min3A_1490 = arith.minsi %min3A_1483, %select_n3A_1489 : vector<16xi32>
    %eq3A_1491 = arith.cmpf oeq, %get3A_1392, %max3A_1467 : vector<16xf32>
    %jit3A_1492 = arith.constant 3 : i32
    %jit3A_1493 = arith.constant 16 : i32
    %broadcast_in_dim3A_1494 = vector.broadcast %jit3A_1492 : i32 to vector<16xi32>
    %broadcast_in_dim3A_1495 = vector.broadcast %jit3A_1493 : i32 to vector<16xi32>
    %select_n3A_1496 = arith.select %eq3A_1491, %broadcast_in_dim3A_1494, %broadcast_in_dim3A_1495 : vector<16xi1>, vector<16xi32>
    %min3A_1497 = arith.minsi %min3A_1490, %select_n3A_1496 : vector<16xi32>
    %eq3A_1498 = arith.cmpf oeq, %get3A_1397, %max3A_1467 : vector<16xf32>
    %jit3A_1499 = arith.constant 4 : i32
    %jit3A_1500 = arith.constant 16 : i32
    %broadcast_in_dim3A_1501 = vector.broadcast %jit3A_1499 : i32 to vector<16xi32>
    %broadcast_in_dim3A_1502 = vector.broadcast %jit3A_1500 : i32 to vector<16xi32>
    %select_n3A_1503 = arith.select %eq3A_1498, %broadcast_in_dim3A_1501, %broadcast_in_dim3A_1502 : vector<16xi1>, vector<16xi32>
    %min3A_1504 = arith.minsi %min3A_1497, %select_n3A_1503 : vector<16xi32>
    %eq3A_1505 = arith.cmpf oeq, %get3A_1402, %max3A_1467 : vector<16xf32>
    %jit3A_1506 = arith.constant 5 : i32
    %jit3A_1507 = arith.constant 16 : i32
    %broadcast_in_dim3A_1508 = vector.broadcast %jit3A_1506 : i32 to vector<16xi32>
    %broadcast_in_dim3A_1509 = vector.broadcast %jit3A_1507 : i32 to vector<16xi32>
    %select_n3A_1510 = arith.select %eq3A_1505, %broadcast_in_dim3A_1508, %broadcast_in_dim3A_1509 : vector<16xi1>, vector<16xi32>
    %min3A_1511 = arith.minsi %min3A_1504, %select_n3A_1510 : vector<16xi32>
    %eq3A_1512 = arith.cmpf oeq, %get3A_1407, %max3A_1467 : vector<16xf32>
    %jit3A_1513 = arith.constant 6 : i32
    %jit3A_1514 = arith.constant 16 : i32
    %broadcast_in_dim3A_1515 = vector.broadcast %jit3A_1513 : i32 to vector<16xi32>
    %broadcast_in_dim3A_1516 = vector.broadcast %jit3A_1514 : i32 to vector<16xi32>
    %select_n3A_1517 = arith.select %eq3A_1512, %broadcast_in_dim3A_1515, %broadcast_in_dim3A_1516 : vector<16xi1>, vector<16xi32>
    %min3A_1518 = arith.minsi %min3A_1511, %select_n3A_1517 : vector<16xi32>
    %eq3A_1519 = arith.cmpf oeq, %get3A_1412, %max3A_1467 : vector<16xf32>
    %jit3A_1520 = arith.constant 7 : i32
    %jit3A_1521 = arith.constant 16 : i32
    %broadcast_in_dim3A_1522 = vector.broadcast %jit3A_1520 : i32 to vector<16xi32>
    %broadcast_in_dim3A_1523 = vector.broadcast %jit3A_1521 : i32 to vector<16xi32>
    %select_n3A_1524 = arith.select %eq3A_1519, %broadcast_in_dim3A_1522, %broadcast_in_dim3A_1523 : vector<16xi1>, vector<16xi32>
    %min3A_1525 = arith.minsi %min3A_1518, %select_n3A_1524 : vector<16xi32>
    %eq3A_1526 = arith.cmpf oeq, %get3A_1417, %max3A_1467 : vector<16xf32>
    %jit3A_1527 = arith.constant 8 : i32
    %jit3A_1528 = arith.constant 16 : i32
    %broadcast_in_dim3A_1529 = vector.broadcast %jit3A_1527 : i32 to vector<16xi32>
    %broadcast_in_dim3A_1530 = vector.broadcast %jit3A_1528 : i32 to vector<16xi32>
    %select_n3A_1531 = arith.select %eq3A_1526, %broadcast_in_dim3A_1529, %broadcast_in_dim3A_1530 : vector<16xi1>, vector<16xi32>
    %min3A_1532 = arith.minsi %min3A_1525, %select_n3A_1531 : vector<16xi32>
    %eq3A_1533 = arith.cmpf oeq, %get3A_1422, %max3A_1467 : vector<16xf32>
    %jit3A_1534 = arith.constant 9 : i32
    %jit3A_1535 = arith.constant 16 : i32
    %broadcast_in_dim3A_1536 = vector.broadcast %jit3A_1534 : i32 to vector<16xi32>
    %broadcast_in_dim3A_1537 = vector.broadcast %jit3A_1535 : i32 to vector<16xi32>
    %select_n3A_1538 = arith.select %eq3A_1533, %broadcast_in_dim3A_1536, %broadcast_in_dim3A_1537 : vector<16xi1>, vector<16xi32>
    %min3A_1539 = arith.minsi %min3A_1532, %select_n3A_1538 : vector<16xi32>
    %eq3A_1540 = arith.cmpf oeq, %get3A_1427, %max3A_1467 : vector<16xf32>
    %jit3A_1541 = arith.constant 10 : i32
    %jit3A_1542 = arith.constant 16 : i32
    %broadcast_in_dim3A_1543 = vector.broadcast %jit3A_1541 : i32 to vector<16xi32>
    %broadcast_in_dim3A_1544 = vector.broadcast %jit3A_1542 : i32 to vector<16xi32>
    %select_n3A_1545 = arith.select %eq3A_1540, %broadcast_in_dim3A_1543, %broadcast_in_dim3A_1544 : vector<16xi1>, vector<16xi32>
    %min3A_1546 = arith.minsi %min3A_1539, %select_n3A_1545 : vector<16xi32>
    %eq3A_1547 = arith.cmpf oeq, %get3A_1432, %max3A_1467 : vector<16xf32>
    %jit3A_1548 = arith.constant 11 : i32
    %jit3A_1549 = arith.constant 16 : i32
    %broadcast_in_dim3A_1550 = vector.broadcast %jit3A_1548 : i32 to vector<16xi32>
    %broadcast_in_dim3A_1551 = vector.broadcast %jit3A_1549 : i32 to vector<16xi32>
    %select_n3A_1552 = arith.select %eq3A_1547, %broadcast_in_dim3A_1550, %broadcast_in_dim3A_1551 : vector<16xi1>, vector<16xi32>
    %min3A_1553 = arith.minsi %min3A_1546, %select_n3A_1552 : vector<16xi32>
    %eq3A_1554 = arith.cmpf oeq, %get3A_1437, %max3A_1467 : vector<16xf32>
    %jit3A_1555 = arith.constant 12 : i32
    %jit3A_1556 = arith.constant 16 : i32
    %broadcast_in_dim3A_1557 = vector.broadcast %jit3A_1555 : i32 to vector<16xi32>
    %broadcast_in_dim3A_1558 = vector.broadcast %jit3A_1556 : i32 to vector<16xi32>
    %select_n3A_1559 = arith.select %eq3A_1554, %broadcast_in_dim3A_1557, %broadcast_in_dim3A_1558 : vector<16xi1>, vector<16xi32>
    %min3A_1560 = arith.minsi %min3A_1553, %select_n3A_1559 : vector<16xi32>
    %eq3A_1561 = arith.cmpf oeq, %get3A_1442, %max3A_1467 : vector<16xf32>
    %jit3A_1562 = arith.constant 13 : i32
    %jit3A_1563 = arith.constant 16 : i32
    %broadcast_in_dim3A_1564 = vector.broadcast %jit3A_1562 : i32 to vector<16xi32>
    %broadcast_in_dim3A_1565 = vector.broadcast %jit3A_1563 : i32 to vector<16xi32>
    %select_n3A_1566 = arith.select %eq3A_1561, %broadcast_in_dim3A_1564, %broadcast_in_dim3A_1565 : vector<16xi1>, vector<16xi32>
    %min3A_1567 = arith.minsi %min3A_1560, %select_n3A_1566 : vector<16xi32>
    %eq3A_1568 = arith.cmpf oeq, %get3A_1447, %max3A_1467 : vector<16xf32>
    %jit3A_1569 = arith.constant 14 : i32
    %jit3A_1570 = arith.constant 16 : i32
    %broadcast_in_dim3A_1571 = vector.broadcast %jit3A_1569 : i32 to vector<16xi32>
    %broadcast_in_dim3A_1572 = vector.broadcast %jit3A_1570 : i32 to vector<16xi32>
    %select_n3A_1573 = arith.select %eq3A_1568, %broadcast_in_dim3A_1571, %broadcast_in_dim3A_1572 : vector<16xi1>, vector<16xi32>
    %min3A_1574 = arith.minsi %min3A_1567, %select_n3A_1573 : vector<16xi32>
    %eq3A_1575 = arith.cmpf oeq, %get3A_1452, %max3A_1467 : vector<16xf32>
    %jit3A_1576 = arith.constant 15 : i32
    %jit3A_1577 = arith.constant 16 : i32
    %broadcast_in_dim3A_1578 = vector.broadcast %jit3A_1576 : i32 to vector<16xi32>
    %broadcast_in_dim3A_1579 = vector.broadcast %jit3A_1577 : i32 to vector<16xi32>
    %select_n3A_1580 = arith.select %eq3A_1575, %broadcast_in_dim3A_1578, %broadcast_in_dim3A_1579 : vector<16xi1>, vector<16xi32>
    %min3A_1581 = arith.minsi %min3A_1574, %select_n3A_1580 : vector<16xi32>
    %eq3A_1582 = arith.constant 0 : i32
    %eq3A_1583 = vector.broadcast %eq3A_1582 : i32 to vector<16xi32>
    %eq3A_1584 = arith.cmpi eq, %min3A_1581, %eq3A_1583 : vector<16xi32>
    %jit3A_1585 = arith.constant 0xFF800000 : f32
    %broadcast_in_dim3A_1586 = vector.broadcast %jit3A_1585 : f32 to vector<16xf32>
    %select_n3A_1587 = arith.select %eq3A_1584, %broadcast_in_dim3A_1586, %get3A_1377 : vector<16xi1>, vector<16xf32>
    %eq3A_1588 = arith.constant 1 : i32
    %eq3A_1589 = vector.broadcast %eq3A_1588 : i32 to vector<16xi32>
    %eq3A_1590 = arith.cmpi eq, %min3A_1581, %eq3A_1589 : vector<16xi32>
    %jit3A_1591 = arith.constant 0xFF800000 : f32
    %broadcast_in_dim3A_1592 = vector.broadcast %jit3A_1591 : f32 to vector<16xf32>
    %select_n3A_1593 = arith.select %eq3A_1590, %broadcast_in_dim3A_1592, %get3A_1382 : vector<16xi1>, vector<16xf32>
    %eq3A_1594 = arith.constant 2 : i32
    %eq3A_1595 = vector.broadcast %eq3A_1594 : i32 to vector<16xi32>
    %eq3A_1596 = arith.cmpi eq, %min3A_1581, %eq3A_1595 : vector<16xi32>
    %jit3A_1597 = arith.constant 0xFF800000 : f32
    %broadcast_in_dim3A_1598 = vector.broadcast %jit3A_1597 : f32 to vector<16xf32>
    %select_n3A_1599 = arith.select %eq3A_1596, %broadcast_in_dim3A_1598, %get3A_1387 : vector<16xi1>, vector<16xf32>
    %eq3A_1600 = arith.constant 3 : i32
    %eq3A_1601 = vector.broadcast %eq3A_1600 : i32 to vector<16xi32>
    %eq3A_1602 = arith.cmpi eq, %min3A_1581, %eq3A_1601 : vector<16xi32>
    %jit3A_1603 = arith.constant 0xFF800000 : f32
    %broadcast_in_dim3A_1604 = vector.broadcast %jit3A_1603 : f32 to vector<16xf32>
    %select_n3A_1605 = arith.select %eq3A_1602, %broadcast_in_dim3A_1604, %get3A_1392 : vector<16xi1>, vector<16xf32>
    %eq3A_1606 = arith.constant 4 : i32
    %eq3A_1607 = vector.broadcast %eq3A_1606 : i32 to vector<16xi32>
    %eq3A_1608 = arith.cmpi eq, %min3A_1581, %eq3A_1607 : vector<16xi32>
    %jit3A_1609 = arith.constant 0xFF800000 : f32
    %broadcast_in_dim3A_1610 = vector.broadcast %jit3A_1609 : f32 to vector<16xf32>
    %select_n3A_1611 = arith.select %eq3A_1608, %broadcast_in_dim3A_1610, %get3A_1397 : vector<16xi1>, vector<16xf32>
    %eq3A_1612 = arith.constant 5 : i32
    %eq3A_1613 = vector.broadcast %eq3A_1612 : i32 to vector<16xi32>
    %eq3A_1614 = arith.cmpi eq, %min3A_1581, %eq3A_1613 : vector<16xi32>
    %jit3A_1615 = arith.constant 0xFF800000 : f32
    %broadcast_in_dim3A_1616 = vector.broadcast %jit3A_1615 : f32 to vector<16xf32>
    %select_n3A_1617 = arith.select %eq3A_1614, %broadcast_in_dim3A_1616, %get3A_1402 : vector<16xi1>, vector<16xf32>
    %eq3A_1618 = arith.constant 6 : i32
    %eq3A_1619 = vector.broadcast %eq3A_1618 : i32 to vector<16xi32>
    %eq3A_1620 = arith.cmpi eq, %min3A_1581, %eq3A_1619 : vector<16xi32>
    %jit3A_1621 = arith.constant 0xFF800000 : f32
    %broadcast_in_dim3A_1622 = vector.broadcast %jit3A_1621 : f32 to vector<16xf32>
    %select_n3A_1623 = arith.select %eq3A_1620, %broadcast_in_dim3A_1622, %get3A_1407 : vector<16xi1>, vector<16xf32>
    %eq3A_1624 = arith.constant 7 : i32
    %eq3A_1625 = vector.broadcast %eq3A_1624 : i32 to vector<16xi32>
    %eq3A_1626 = arith.cmpi eq, %min3A_1581, %eq3A_1625 : vector<16xi32>
    %jit3A_1627 = arith.constant 0xFF800000 : f32
    %broadcast_in_dim3A_1628 = vector.broadcast %jit3A_1627 : f32 to vector<16xf32>
    %select_n3A_1629 = arith.select %eq3A_1626, %broadcast_in_dim3A_1628, %get3A_1412 : vector<16xi1>, vector<16xf32>
    %eq3A_1630 = arith.constant 8 : i32
    %eq3A_1631 = vector.broadcast %eq3A_1630 : i32 to vector<16xi32>
    %eq3A_1632 = arith.cmpi eq, %min3A_1581, %eq3A_1631 : vector<16xi32>
    %jit3A_1633 = arith.constant 0xFF800000 : f32
    %broadcast_in_dim3A_1634 = vector.broadcast %jit3A_1633 : f32 to vector<16xf32>
    %select_n3A_1635 = arith.select %eq3A_1632, %broadcast_in_dim3A_1634, %get3A_1417 : vector<16xi1>, vector<16xf32>
    %eq3A_1636 = arith.constant 9 : i32
    %eq3A_1637 = vector.broadcast %eq3A_1636 : i32 to vector<16xi32>
    %eq3A_1638 = arith.cmpi eq, %min3A_1581, %eq3A_1637 : vector<16xi32>
    %jit3A_1639 = arith.constant 0xFF800000 : f32
    %broadcast_in_dim3A_1640 = vector.broadcast %jit3A_1639 : f32 to vector<16xf32>
    %select_n3A_1641 = arith.select %eq3A_1638, %broadcast_in_dim3A_1640, %get3A_1422 : vector<16xi1>, vector<16xf32>
    %eq3A_1642 = arith.constant 10 : i32
    %eq3A_1643 = vector.broadcast %eq3A_1642 : i32 to vector<16xi32>
    %eq3A_1644 = arith.cmpi eq, %min3A_1581, %eq3A_1643 : vector<16xi32>
    %jit3A_1645 = arith.constant 0xFF800000 : f32
    %broadcast_in_dim3A_1646 = vector.broadcast %jit3A_1645 : f32 to vector<16xf32>
    %select_n3A_1647 = arith.select %eq3A_1644, %broadcast_in_dim3A_1646, %get3A_1427 : vector<16xi1>, vector<16xf32>
    %eq3A_1648 = arith.constant 11 : i32
    %eq3A_1649 = vector.broadcast %eq3A_1648 : i32 to vector<16xi32>
    %eq3A_1650 = arith.cmpi eq, %min3A_1581, %eq3A_1649 : vector<16xi32>
    %jit3A_1651 = arith.constant 0xFF800000 : f32
    %broadcast_in_dim3A_1652 = vector.broadcast %jit3A_1651 : f32 to vector<16xf32>
    %select_n3A_1653 = arith.select %eq3A_1650, %broadcast_in_dim3A_1652, %get3A_1432 : vector<16xi1>, vector<16xf32>
    %eq3A_1654 = arith.constant 12 : i32
    %eq3A_1655 = vector.broadcast %eq3A_1654 : i32 to vector<16xi32>
    %eq3A_1656 = arith.cmpi eq, %min3A_1581, %eq3A_1655 : vector<16xi32>
    %jit3A_1657 = arith.constant 0xFF800000 : f32
    %broadcast_in_dim3A_1658 = vector.broadcast %jit3A_1657 : f32 to vector<16xf32>
    %select_n3A_1659 = arith.select %eq3A_1656, %broadcast_in_dim3A_1658, %get3A_1437 : vector<16xi1>, vector<16xf32>
    %eq3A_1660 = arith.constant 13 : i32
    %eq3A_1661 = vector.broadcast %eq3A_1660 : i32 to vector<16xi32>
    %eq3A_1662 = arith.cmpi eq, %min3A_1581, %eq3A_1661 : vector<16xi32>
    %jit3A_1663 = arith.constant 0xFF800000 : f32
    %broadcast_in_dim3A_1664 = vector.broadcast %jit3A_1663 : f32 to vector<16xf32>
    %select_n3A_1665 = arith.select %eq3A_1662, %broadcast_in_dim3A_1664, %get3A_1442 : vector<16xi1>, vector<16xf32>
    %eq3A_1666 = arith.constant 14 : i32
    %eq3A_1667 = vector.broadcast %eq3A_1666 : i32 to vector<16xi32>
    %eq3A_1668 = arith.cmpi eq, %min3A_1581, %eq3A_1667 : vector<16xi32>
    %jit3A_1669 = arith.constant 0xFF800000 : f32
    %broadcast_in_dim3A_1670 = vector.broadcast %jit3A_1669 : f32 to vector<16xf32>
    %select_n3A_1671 = arith.select %eq3A_1668, %broadcast_in_dim3A_1670, %get3A_1447 : vector<16xi1>, vector<16xf32>
    %eq3A_1672 = arith.constant 15 : i32
    %eq3A_1673 = vector.broadcast %eq3A_1672 : i32 to vector<16xi32>
    %eq3A_1674 = arith.cmpi eq, %min3A_1581, %eq3A_1673 : vector<16xi32>
    %jit3A_1675 = arith.constant 0xFF800000 : f32
    %broadcast_in_dim3A_1676 = vector.broadcast %jit3A_1675 : f32 to vector<16xf32>
    %select_n3A_1677 = arith.select %eq3A_1674, %broadcast_in_dim3A_1676, %get3A_1452 : vector<16xi1>, vector<16xf32>
    %max3A_1678 = arith.maximumf %select_n3A_1587, %select_n3A_1593 : vector<16xf32>
    %max3A_1679 = arith.maximumf %max3A_1678, %select_n3A_1599 : vector<16xf32>
    %max3A_1680 = arith.maximumf %max3A_1679, %select_n3A_1605 : vector<16xf32>
    %max3A_1681 = arith.maximumf %max3A_1680, %select_n3A_1611 : vector<16xf32>
    %max3A_1682 = arith.maximumf %max3A_1681, %select_n3A_1617 : vector<16xf32>
    %max3A_1683 = arith.maximumf %max3A_1682, %select_n3A_1623 : vector<16xf32>
    %max3A_1684 = arith.maximumf %max3A_1683, %select_n3A_1629 : vector<16xf32>
    %max3A_1685 = arith.maximumf %max3A_1684, %select_n3A_1635 : vector<16xf32>
    %max3A_1686 = arith.maximumf %max3A_1685, %select_n3A_1641 : vector<16xf32>
    %max3A_1687 = arith.maximumf %max3A_1686, %select_n3A_1647 : vector<16xf32>
    %max3A_1688 = arith.maximumf %max3A_1687, %select_n3A_1653 : vector<16xf32>
    %max3A_1689 = arith.maximumf %max3A_1688, %select_n3A_1659 : vector<16xf32>
    %max3A_1690 = arith.maximumf %max3A_1689, %select_n3A_1665 : vector<16xf32>
    %max3A_1691 = arith.maximumf %max3A_1690, %select_n3A_1671 : vector<16xf32>
    %max3A_1692 = arith.maximumf %max3A_1691, %select_n3A_1677 : vector<16xf32>
    %broadcast_in_dim3A_1693 = arith.constant 16 : i32
    %broadcast_in_dim3A_1694 = vector.broadcast %broadcast_in_dim3A_1693 : i32 to vector<16xi32>
    %eq3A_1695 = arith.cmpf oeq, %select_n3A_1587, %max3A_1692 : vector<16xf32>
    %jit3A_1696 = arith.constant 0 : i32
    %jit3A_1697 = arith.constant 16 : i32
    %broadcast_in_dim3A_1698 = vector.broadcast %jit3A_1696 : i32 to vector<16xi32>
    %broadcast_in_dim3A_1699 = vector.broadcast %jit3A_1697 : i32 to vector<16xi32>
    %select_n3A_1700 = arith.select %eq3A_1695, %broadcast_in_dim3A_1698, %broadcast_in_dim3A_1699 : vector<16xi1>, vector<16xi32>
    %min3A_1701 = arith.minsi %broadcast_in_dim3A_1694, %select_n3A_1700 : vector<16xi32>
    %eq3A_1702 = arith.cmpf oeq, %select_n3A_1593, %max3A_1692 : vector<16xf32>
    %jit3A_1703 = arith.constant 1 : i32
    %jit3A_1704 = arith.constant 16 : i32
    %broadcast_in_dim3A_1705 = vector.broadcast %jit3A_1703 : i32 to vector<16xi32>
    %broadcast_in_dim3A_1706 = vector.broadcast %jit3A_1704 : i32 to vector<16xi32>
    %select_n3A_1707 = arith.select %eq3A_1702, %broadcast_in_dim3A_1705, %broadcast_in_dim3A_1706 : vector<16xi1>, vector<16xi32>
    %min3A_1708 = arith.minsi %min3A_1701, %select_n3A_1707 : vector<16xi32>
    %eq3A_1709 = arith.cmpf oeq, %select_n3A_1599, %max3A_1692 : vector<16xf32>
    %jit3A_1710 = arith.constant 2 : i32
    %jit3A_1711 = arith.constant 16 : i32
    %broadcast_in_dim3A_1712 = vector.broadcast %jit3A_1710 : i32 to vector<16xi32>
    %broadcast_in_dim3A_1713 = vector.broadcast %jit3A_1711 : i32 to vector<16xi32>
    %select_n3A_1714 = arith.select %eq3A_1709, %broadcast_in_dim3A_1712, %broadcast_in_dim3A_1713 : vector<16xi1>, vector<16xi32>
    %min3A_1715 = arith.minsi %min3A_1708, %select_n3A_1714 : vector<16xi32>
    %eq3A_1716 = arith.cmpf oeq, %select_n3A_1605, %max3A_1692 : vector<16xf32>
    %jit3A_1717 = arith.constant 3 : i32
    %jit3A_1718 = arith.constant 16 : i32
    %broadcast_in_dim3A_1719 = vector.broadcast %jit3A_1717 : i32 to vector<16xi32>
    %broadcast_in_dim3A_1720 = vector.broadcast %jit3A_1718 : i32 to vector<16xi32>
    %select_n3A_1721 = arith.select %eq3A_1716, %broadcast_in_dim3A_1719, %broadcast_in_dim3A_1720 : vector<16xi1>, vector<16xi32>
    %min3A_1722 = arith.minsi %min3A_1715, %select_n3A_1721 : vector<16xi32>
    %eq3A_1723 = arith.cmpf oeq, %select_n3A_1611, %max3A_1692 : vector<16xf32>
    %jit3A_1724 = arith.constant 4 : i32
    %jit3A_1725 = arith.constant 16 : i32
    %broadcast_in_dim3A_1726 = vector.broadcast %jit3A_1724 : i32 to vector<16xi32>
    %broadcast_in_dim3A_1727 = vector.broadcast %jit3A_1725 : i32 to vector<16xi32>
    %select_n3A_1728 = arith.select %eq3A_1723, %broadcast_in_dim3A_1726, %broadcast_in_dim3A_1727 : vector<16xi1>, vector<16xi32>
    %min3A_1729 = arith.minsi %min3A_1722, %select_n3A_1728 : vector<16xi32>
    %eq3A_1730 = arith.cmpf oeq, %select_n3A_1617, %max3A_1692 : vector<16xf32>
    %jit3A_1731 = arith.constant 5 : i32
    %jit3A_1732 = arith.constant 16 : i32
    %broadcast_in_dim3A_1733 = vector.broadcast %jit3A_1731 : i32 to vector<16xi32>
    %broadcast_in_dim3A_1734 = vector.broadcast %jit3A_1732 : i32 to vector<16xi32>
    %select_n3A_1735 = arith.select %eq3A_1730, %broadcast_in_dim3A_1733, %broadcast_in_dim3A_1734 : vector<16xi1>, vector<16xi32>
    %min3A_1736 = arith.minsi %min3A_1729, %select_n3A_1735 : vector<16xi32>
    %eq3A_1737 = arith.cmpf oeq, %select_n3A_1623, %max3A_1692 : vector<16xf32>
    %jit3A_1738 = arith.constant 6 : i32
    %jit3A_1739 = arith.constant 16 : i32
    %broadcast_in_dim3A_1740 = vector.broadcast %jit3A_1738 : i32 to vector<16xi32>
    %broadcast_in_dim3A_1741 = vector.broadcast %jit3A_1739 : i32 to vector<16xi32>
    %select_n3A_1742 = arith.select %eq3A_1737, %broadcast_in_dim3A_1740, %broadcast_in_dim3A_1741 : vector<16xi1>, vector<16xi32>
    %min3A_1743 = arith.minsi %min3A_1736, %select_n3A_1742 : vector<16xi32>
    %eq3A_1744 = arith.cmpf oeq, %select_n3A_1629, %max3A_1692 : vector<16xf32>
    %jit3A_1745 = arith.constant 7 : i32
    %jit3A_1746 = arith.constant 16 : i32
    %broadcast_in_dim3A_1747 = vector.broadcast %jit3A_1745 : i32 to vector<16xi32>
    %broadcast_in_dim3A_1748 = vector.broadcast %jit3A_1746 : i32 to vector<16xi32>
    %select_n3A_1749 = arith.select %eq3A_1744, %broadcast_in_dim3A_1747, %broadcast_in_dim3A_1748 : vector<16xi1>, vector<16xi32>
    %min3A_1750 = arith.minsi %min3A_1743, %select_n3A_1749 : vector<16xi32>
    %eq3A_1751 = arith.cmpf oeq, %select_n3A_1635, %max3A_1692 : vector<16xf32>
    %jit3A_1752 = arith.constant 8 : i32
    %jit3A_1753 = arith.constant 16 : i32
    %broadcast_in_dim3A_1754 = vector.broadcast %jit3A_1752 : i32 to vector<16xi32>
    %broadcast_in_dim3A_1755 = vector.broadcast %jit3A_1753 : i32 to vector<16xi32>
    %select_n3A_1756 = arith.select %eq3A_1751, %broadcast_in_dim3A_1754, %broadcast_in_dim3A_1755 : vector<16xi1>, vector<16xi32>
    %min3A_1757 = arith.minsi %min3A_1750, %select_n3A_1756 : vector<16xi32>
    %eq3A_1758 = arith.cmpf oeq, %select_n3A_1641, %max3A_1692 : vector<16xf32>
    %jit3A_1759 = arith.constant 9 : i32
    %jit3A_1760 = arith.constant 16 : i32
    %broadcast_in_dim3A_1761 = vector.broadcast %jit3A_1759 : i32 to vector<16xi32>
    %broadcast_in_dim3A_1762 = vector.broadcast %jit3A_1760 : i32 to vector<16xi32>
    %select_n3A_1763 = arith.select %eq3A_1758, %broadcast_in_dim3A_1761, %broadcast_in_dim3A_1762 : vector<16xi1>, vector<16xi32>
    %min3A_1764 = arith.minsi %min3A_1757, %select_n3A_1763 : vector<16xi32>
    %eq3A_1765 = arith.cmpf oeq, %select_n3A_1647, %max3A_1692 : vector<16xf32>
    %jit3A_1766 = arith.constant 10 : i32
    %jit3A_1767 = arith.constant 16 : i32
    %broadcast_in_dim3A_1768 = vector.broadcast %jit3A_1766 : i32 to vector<16xi32>
    %broadcast_in_dim3A_1769 = vector.broadcast %jit3A_1767 : i32 to vector<16xi32>
    %select_n3A_1770 = arith.select %eq3A_1765, %broadcast_in_dim3A_1768, %broadcast_in_dim3A_1769 : vector<16xi1>, vector<16xi32>
    %min3A_1771 = arith.minsi %min3A_1764, %select_n3A_1770 : vector<16xi32>
    %eq3A_1772 = arith.cmpf oeq, %select_n3A_1653, %max3A_1692 : vector<16xf32>
    %jit3A_1773 = arith.constant 11 : i32
    %jit3A_1774 = arith.constant 16 : i32
    %broadcast_in_dim3A_1775 = vector.broadcast %jit3A_1773 : i32 to vector<16xi32>
    %broadcast_in_dim3A_1776 = vector.broadcast %jit3A_1774 : i32 to vector<16xi32>
    %select_n3A_1777 = arith.select %eq3A_1772, %broadcast_in_dim3A_1775, %broadcast_in_dim3A_1776 : vector<16xi1>, vector<16xi32>
    %min3A_1778 = arith.minsi %min3A_1771, %select_n3A_1777 : vector<16xi32>
    %eq3A_1779 = arith.cmpf oeq, %select_n3A_1659, %max3A_1692 : vector<16xf32>
    %jit3A_1780 = arith.constant 12 : i32
    %jit3A_1781 = arith.constant 16 : i32
    %broadcast_in_dim3A_1782 = vector.broadcast %jit3A_1780 : i32 to vector<16xi32>
    %broadcast_in_dim3A_1783 = vector.broadcast %jit3A_1781 : i32 to vector<16xi32>
    %select_n3A_1784 = arith.select %eq3A_1779, %broadcast_in_dim3A_1782, %broadcast_in_dim3A_1783 : vector<16xi1>, vector<16xi32>
    %min3A_1785 = arith.minsi %min3A_1778, %select_n3A_1784 : vector<16xi32>
    %eq3A_1786 = arith.cmpf oeq, %select_n3A_1665, %max3A_1692 : vector<16xf32>
    %jit3A_1787 = arith.constant 13 : i32
    %jit3A_1788 = arith.constant 16 : i32
    %broadcast_in_dim3A_1789 = vector.broadcast %jit3A_1787 : i32 to vector<16xi32>
    %broadcast_in_dim3A_1790 = vector.broadcast %jit3A_1788 : i32 to vector<16xi32>
    %select_n3A_1791 = arith.select %eq3A_1786, %broadcast_in_dim3A_1789, %broadcast_in_dim3A_1790 : vector<16xi1>, vector<16xi32>
    %min3A_1792 = arith.minsi %min3A_1785, %select_n3A_1791 : vector<16xi32>
    %eq3A_1793 = arith.cmpf oeq, %select_n3A_1671, %max3A_1692 : vector<16xf32>
    %jit3A_1794 = arith.constant 14 : i32
    %jit3A_1795 = arith.constant 16 : i32
    %broadcast_in_dim3A_1796 = vector.broadcast %jit3A_1794 : i32 to vector<16xi32>
    %broadcast_in_dim3A_1797 = vector.broadcast %jit3A_1795 : i32 to vector<16xi32>
    %select_n3A_1798 = arith.select %eq3A_1793, %broadcast_in_dim3A_1796, %broadcast_in_dim3A_1797 : vector<16xi1>, vector<16xi32>
    %min3A_1799 = arith.minsi %min3A_1792, %select_n3A_1798 : vector<16xi32>
    %eq3A_1800 = arith.cmpf oeq, %select_n3A_1677, %max3A_1692 : vector<16xf32>
    %jit3A_1801 = arith.constant 15 : i32
    %jit3A_1802 = arith.constant 16 : i32
    %broadcast_in_dim3A_1803 = vector.broadcast %jit3A_1801 : i32 to vector<16xi32>
    %broadcast_in_dim3A_1804 = vector.broadcast %jit3A_1802 : i32 to vector<16xi32>
    %select_n3A_1805 = arith.select %eq3A_1800, %broadcast_in_dim3A_1803, %broadcast_in_dim3A_1804 : vector<16xi1>, vector<16xi32>
    %min3A_1806 = arith.minsi %min3A_1799, %select_n3A_1805 : vector<16xi32>
    %sub3A_1807 = arith.subf %max3A_1692, %max3A_1467 : vector<16xf32>
    %exp3A_1808 = math.exp %sub3A_1807 : vector<16xf32>
    %add3A_1809 = arith.constant 1.000000e+00 : f32
    %add3A_1810 = vector.broadcast %add3A_1809 : f32 to vector<16xf32>
    %add3A_1811 = arith.addf %add3A_1810, %exp3A_1808 : vector<16xf32>
    %div3A_1812 = arith.constant 1.000000e+00 : f32
    %div3A_1813 = vector.broadcast %div3A_1812 : f32 to vector<16xf32>
    %div3A_1814 = arith.divf %div3A_1813, %add3A_1811 : vector<16xf32>
    %swap3A_1815 = arith.constant 48 : index
    %swap3A_1816 = tpu.vector_load %arg8[%swap3A_1815] {strides = array<i32>} : memref<64xi32, #tpu.memory_space<vmem>>, vector<16xi32>,
    %swap3A_1817 = vector.shape_cast %swap3A_1816 : vector<16xi32> to vector<16xi32>
    %swap3A_1818 = vector.shape_cast %min3A_1581 : vector<16xi32> to vector<16xi32>
    tpu.vector_store %arg8[%swap3A_1815], %swap3A_1818 {strides = array<i32>} : memref<64xi32, #tpu.memory_space<vmem>>, vector<16xi32>,
    %swap3A_1819 = arith.constant 48 : index
    %swap3A_1820 = tpu.vector_load %arg9[%swap3A_1819] {strides = array<i32>} : memref<64xi32, #tpu.memory_space<vmem>>, vector<16xi32>,
    %swap3A_1821 = vector.shape_cast %swap3A_1820 : vector<16xi32> to vector<16xi32>
    %swap3A_1822 = vector.shape_cast %min3A_1806 : vector<16xi32> to vector<16xi32>
    tpu.vector_store %arg9[%swap3A_1819], %swap3A_1822 {strides = array<i32>} : memref<64xi32, #tpu.memory_space<vmem>>, vector<16xi32>,
    %swap3A_1823 = arith.constant 48 : index
    %swap3A_1824 = tpu.vector_load %arg10[%swap3A_1823] {strides = array<i32>} : memref<64xf32, #tpu.memory_space<vmem>>, vector<16xf32>,
    %swap3A_1825 = vector.shape_cast %swap3A_1824 : vector<16xf32> to vector<16xf32>
    %swap3A_1826 = vector.shape_cast %div3A_1814 : vector<16xf32> to vector<16xf32>
    tpu.vector_store %arg10[%swap3A_1823], %swap3A_1826 {strides = array<i32>} : memref<64xf32, #tpu.memory_space<vmem>>, vector<16xf32>,
    %sub3A_1827 = arith.constant 1.000000e+00 : f32
    %sub3A_1828 = vector.broadcast %sub3A_1827 : f32 to vector<16xf32>
    %sub3A_1829 = arith.subf %sub3A_1828, %div3A_1814 : vector<16xf32>
    %swap3A_1830 = arith.constant 48 : index
    %swap3A_1831 = tpu.vector_load %arg11[%swap3A_1830] {strides = array<i32>} : memref<64xf32, #tpu.memory_space<vmem>>, vector<16xf32>,
    %swap3A_1832 = vector.shape_cast %swap3A_1831 : vector<16xf32> to vector<16xf32>
    %swap3A_1833 = vector.shape_cast %sub3A_1829 : vector<16xf32> to vector<16xf32>
    tpu.vector_store %arg11[%swap3A_1830], %swap3A_1833 {strides = array<i32>} : memref<64xf32, #tpu.memory_space<vmem>>, vector<16xf32>,
    %mul3A_1834 = arith.constant 64 : i32
    %mul3A_1835 = arith.muli %add3A, %mul3A_1834 : i32
    "tpu.region"() ({
      %run_scoped3A = tpu.sem_alloc : memref<!tpu.dma_semaphore, #tpu.memory_space<semaphore_mem>>
      %dma_start3A = tpu.memref_slice %arg3[%mul3A_1835] : memref<2048xi32, #tpu.memory_space<hbm>> -> memref<64xi32, #tpu.memory_space<hbm>>
      %dma_start3A_1836 = tpu.memref_slice %arg3[%mul3A_1835] : memref<2048xi32, #tpu.memory_space<hbm>> -> memref<64xi32, #tpu.memory_space<hbm>>
      tpu.enqueue_dma source(%arg8 : memref<64xi32, #tpu.memory_space<vmem>>) target(%dma_start3A_1836 : memref<64xi32, #tpu.memory_space<hbm>>) target_semaphore(%run_scoped3A : memref<!tpu.dma_semaphore, #tpu.memory_space<semaphore_mem>>)
      %dma_wait3A = tpu.memref_slice %arg3[%mul3A_1835] : memref<2048xi32, #tpu.memory_space<hbm>> -> memref<64xi32, #tpu.memory_space<hbm>>
      %dma_wait3A_1837 = tpu.memref_slice %arg3[%mul3A_1835] : memref<2048xi32, #tpu.memory_space<hbm>> -> memref<64xi32, #tpu.memory_space<hbm>>
      tpu.wait_dma2 semaphore(%run_scoped3A : memref<!tpu.dma_semaphore, #tpu.memory_space<semaphore_mem>>) src(%arg8 : memref<64xi32, #tpu.memory_space<vmem>>) dst(%dma_wait3A_1837 : memref<64xi32, #tpu.memory_space<hbm>>)
      tpu.yield
    }) : () -> ()
    "tpu.region"() ({
      %run_scoped3A = tpu.sem_alloc : memref<!tpu.dma_semaphore, #tpu.memory_space<semaphore_mem>>
      %dma_start3A = tpu.memref_slice %arg4[%mul3A_1835] : memref<2048xi32, #tpu.memory_space<hbm>> -> memref<64xi32, #tpu.memory_space<hbm>>
      %dma_start3A_1836 = tpu.memref_slice %arg4[%mul3A_1835] : memref<2048xi32, #tpu.memory_space<hbm>> -> memref<64xi32, #tpu.memory_space<hbm>>
      tpu.enqueue_dma source(%arg9 : memref<64xi32, #tpu.memory_space<vmem>>) target(%dma_start3A_1836 : memref<64xi32, #tpu.memory_space<hbm>>) target_semaphore(%run_scoped3A : memref<!tpu.dma_semaphore, #tpu.memory_space<semaphore_mem>>)
      %dma_wait3A = tpu.memref_slice %arg4[%mul3A_1835] : memref<2048xi32, #tpu.memory_space<hbm>> -> memref<64xi32, #tpu.memory_space<hbm>>
      %dma_wait3A_1837 = tpu.memref_slice %arg4[%mul3A_1835] : memref<2048xi32, #tpu.memory_space<hbm>> -> memref<64xi32, #tpu.memory_space<hbm>>
      tpu.wait_dma2 semaphore(%run_scoped3A : memref<!tpu.dma_semaphore, #tpu.memory_space<semaphore_mem>>) src(%arg9 : memref<64xi32, #tpu.memory_space<vmem>>) dst(%dma_wait3A_1837 : memref<64xi32, #tpu.memory_space<hbm>>)
      tpu.yield
    }) : () -> ()
    "tpu.region"() ({
      %run_scoped3A = tpu.sem_alloc : memref<!tpu.dma_semaphore, #tpu.memory_space<semaphore_mem>>
      %dma_start3A = tpu.memref_slice %arg5[%mul3A_1835] : memref<2048xf32, #tpu.memory_space<hbm>> -> memref<64xf32, #tpu.memory_space<hbm>>
      %dma_start3A_1836 = tpu.memref_slice %arg5[%mul3A_1835] : memref<2048xf32, #tpu.memory_space<hbm>> -> memref<64xf32, #tpu.memory_space<hbm>>
      tpu.enqueue_dma source(%arg10 : memref<64xf32, #tpu.memory_space<vmem>>) target(%dma_start3A_1836 : memref<64xf32, #tpu.memory_space<hbm>>) target_semaphore(%run_scoped3A : memref<!tpu.dma_semaphore, #tpu.memory_space<semaphore_mem>>)
      %dma_wait3A = tpu.memref_slice %arg5[%mul3A_1835] : memref<2048xf32, #tpu.memory_space<hbm>> -> memref<64xf32, #tpu.memory_space<hbm>>
      %dma_wait3A_1837 = tpu.memref_slice %arg5[%mul3A_1835] : memref<2048xf32, #tpu.memory_space<hbm>> -> memref<64xf32, #tpu.memory_space<hbm>>
      tpu.wait_dma2 semaphore(%run_scoped3A : memref<!tpu.dma_semaphore, #tpu.memory_space<semaphore_mem>>) src(%arg10 : memref<64xf32, #tpu.memory_space<vmem>>) dst(%dma_wait3A_1837 : memref<64xf32, #tpu.memory_space<hbm>>)
      tpu.yield
    }) : () -> ()
    "tpu.region"() ({
      %run_scoped3A = tpu.sem_alloc : memref<!tpu.dma_semaphore, #tpu.memory_space<semaphore_mem>>
      %dma_start3A = tpu.memref_slice %arg6[%mul3A_1835] : memref<2048xf32, #tpu.memory_space<hbm>> -> memref<64xf32, #tpu.memory_space<hbm>>
      %dma_start3A_1836 = tpu.memref_slice %arg6[%mul3A_1835] : memref<2048xf32, #tpu.memory_space<hbm>> -> memref<64xf32, #tpu.memory_space<hbm>>
      tpu.enqueue_dma source(%arg11 : memref<64xf32, #tpu.memory_space<vmem>>) target(%dma_start3A_1836 : memref<64xf32, #tpu.memory_space<hbm>>) target_semaphore(%run_scoped3A : memref<!tpu.dma_semaphore, #tpu.memory_space<semaphore_mem>>)
      %dma_wait3A = tpu.memref_slice %arg6[%mul3A_1835] : memref<2048xf32, #tpu.memory_space<hbm>> -> memref<64xf32, #tpu.memory_space<hbm>>
      %dma_wait3A_1837 = tpu.memref_slice %arg6[%mul3A_1835] : memref<2048xf32, #tpu.memory_space<hbm>> -> memref<64xf32, #tpu.memory_space<hbm>>
      tpu.wait_dma2 semaphore(%run_scoped3A : memref<!tpu.dma_semaphore, #tpu.memory_space<semaphore_mem>>) src(%arg11 : memref<64xf32, #tpu.memory_space<vmem>>) dst(%dma_wait3A_1837 : memref<64xf32, #tpu.memory_space<hbm>>)
      tpu.yield
    }) : () -> ()
    return
  }
}

module attributes {stable_mosaic.version = 14 : i64} {
  func.func @_gate_logits_kernel(%arg0: i32, %arg1: memref<512x1024xf32, #tpu.memory_space<vmem>>, %arg2: memref<1024x16xf32, #tpu.memory_space<vmem>>, %arg3: memref<8x16x64xf32, #tpu.memory_space<vmem>>) attributes {dimension_semantics = [#tpu.dimension_semantics<arbitrary>], iteration_bounds = array<i64: 4>, scalar_prefetch = 0 : i64, scratch_operands = 0 : i64, tpu.core_type = #tpu.core_type<tc>, window_params = [{transform_indices = @transform_0, window_bounds = array<i64: 512, 1024>}, {pipeline_mode = #tpu.pipeline_mode<synchronous>, transform_indices = @transform_1, window_bounds = array<i64: 1024, 16>}, {transform_indices = @transform_2, window_bounds = array<i64: 8, 16, 64>}]} {
    %get3A = arith.constant 0 : index
    %get3A_0 = arith.constant 0 : index
    %get3A_1 = vector.load %arg1[%get3A, %get3A_0] : memref<512x1024xf32, #tpu.memory_space<vmem>>, vector<512x1024xf32>
    %get3A_2 = arith.constant 0 : index
    %get3A_3 = arith.constant 0 : index
    %get3A_4 = vector.load %arg2[%get3A_2, %get3A_3] : memref<1024x16xf32, #tpu.memory_space<vmem>>, vector<1024x16xf32>
    %dot_general3A = arith.constant dense<0.000000e+00> : vector<512x16xf32>
    %dot_general3A_5 = tpu.matmul %get3A_1, %get3A_4, %dot_general3A {dimension_numbers = #tpu.dot_dimension_numbers<[1], [0], [0], [1], [0, 0, 1, 1], [], []>, transpose_lhs_hint = false} : vector<512x1024xf32>, vector<1024x16xf32>, vector<512x16xf32> -> vector<512x16xf32>
    %transpose3A = tpu.transpose %dot_general3A_5, [1, 0] : vector<512x16xf32> -> vector<16x512xf32>
    %slice3A = vector.extract_strided_slice %transpose3A {offsets = [0, 0], sizes = [16, 64], strides = [1, 1]} : vector<16x512xf32> to vector<16x64xf32>
    %swap3A = arith.constant 0 : index
    %swap3A_6 = arith.constant 0 : index
    %swap3A_7 = arith.constant 0 : index
    %swap3A_8 = vector.load %arg3[%swap3A, %swap3A_6, %swap3A_7] : memref<8x16x64xf32, #tpu.memory_space<vmem>>, vector<1x16x64xf32>
    %swap3A_9 = vector.shape_cast %swap3A_8 : vector<1x16x64xf32> to vector<16x64xf32>
    %swap3A_10 = vector.shape_cast %slice3A : vector<16x64xf32> to vector<1x16x64xf32>
    tpu.vector_store %arg3[%swap3A, %swap3A_6, %swap3A_7], %swap3A_10 {strides = array<i32>} : memref<8x16x64xf32, #tpu.memory_space<vmem>>, vector<1x16x64xf32>,
    %slice3A_11 = vector.extract_strided_slice %transpose3A {offsets = [0, 64], sizes = [16, 64], strides = [1, 1]} : vector<16x512xf32> to vector<16x64xf32>
    %swap3A_12 = arith.constant 1 : index
    %swap3A_13 = arith.constant 0 : index
    %swap3A_14 = arith.constant 0 : index
    %swap3A_15 = vector.load %arg3[%swap3A_12, %swap3A_13, %swap3A_14] : memref<8x16x64xf32, #tpu.memory_space<vmem>>, vector<1x16x64xf32>
    %swap3A_16 = vector.shape_cast %swap3A_15 : vector<1x16x64xf32> to vector<16x64xf32>
    %swap3A_17 = vector.shape_cast %slice3A_11 : vector<16x64xf32> to vector<1x16x64xf32>
    tpu.vector_store %arg3[%swap3A_12, %swap3A_13, %swap3A_14], %swap3A_17 {strides = array<i32>} : memref<8x16x64xf32, #tpu.memory_space<vmem>>, vector<1x16x64xf32>,
    %slice3A_18 = vector.extract_strided_slice %transpose3A {offsets = [0, 128], sizes = [16, 64], strides = [1, 1]} : vector<16x512xf32> to vector<16x64xf32>
    %swap3A_19 = arith.constant 2 : index
    %swap3A_20 = arith.constant 0 : index
    %swap3A_21 = arith.constant 0 : index
    %swap3A_22 = vector.load %arg3[%swap3A_19, %swap3A_20, %swap3A_21] : memref<8x16x64xf32, #tpu.memory_space<vmem>>, vector<1x16x64xf32>
    %swap3A_23 = vector.shape_cast %swap3A_22 : vector<1x16x64xf32> to vector<16x64xf32>
    %swap3A_24 = vector.shape_cast %slice3A_18 : vector<16x64xf32> to vector<1x16x64xf32>
    tpu.vector_store %arg3[%swap3A_19, %swap3A_20, %swap3A_21], %swap3A_24 {strides = array<i32>} : memref<8x16x64xf32, #tpu.memory_space<vmem>>, vector<1x16x64xf32>,
    %slice3A_25 = vector.extract_strided_slice %transpose3A {offsets = [0, 192], sizes = [16, 64], strides = [1, 1]} : vector<16x512xf32> to vector<16x64xf32>
    %swap3A_26 = arith.constant 3 : index
    %swap3A_27 = arith.constant 0 : index
    %swap3A_28 = arith.constant 0 : index
    %swap3A_29 = vector.load %arg3[%swap3A_26, %swap3A_27, %swap3A_28] : memref<8x16x64xf32, #tpu.memory_space<vmem>>, vector<1x16x64xf32>
    %swap3A_30 = vector.shape_cast %swap3A_29 : vector<1x16x64xf32> to vector<16x64xf32>
    %swap3A_31 = vector.shape_cast %slice3A_25 : vector<16x64xf32> to vector<1x16x64xf32>
    tpu.vector_store %arg3[%swap3A_26, %swap3A_27, %swap3A_28], %swap3A_31 {strides = array<i32>} : memref<8x16x64xf32, #tpu.memory_space<vmem>>, vector<1x16x64xf32>,
    %slice3A_32 = vector.extract_strided_slice %transpose3A {offsets = [0, 256], sizes = [16, 64], strides = [1, 1]} : vector<16x512xf32> to vector<16x64xf32>
    %swap3A_33 = arith.constant 4 : index
    %swap3A_34 = arith.constant 0 : index
    %swap3A_35 = arith.constant 0 : index
    %swap3A_36 = vector.load %arg3[%swap3A_33, %swap3A_34, %swap3A_35] : memref<8x16x64xf32, #tpu.memory_space<vmem>>, vector<1x16x64xf32>
    %swap3A_37 = vector.shape_cast %swap3A_36 : vector<1x16x64xf32> to vector<16x64xf32>
    %swap3A_38 = vector.shape_cast %slice3A_32 : vector<16x64xf32> to vector<1x16x64xf32>
    tpu.vector_store %arg3[%swap3A_33, %swap3A_34, %swap3A_35], %swap3A_38 {strides = array<i32>} : memref<8x16x64xf32, #tpu.memory_space<vmem>>, vector<1x16x64xf32>,
    %slice3A_39 = vector.extract_strided_slice %transpose3A {offsets = [0, 320], sizes = [16, 64], strides = [1, 1]} : vector<16x512xf32> to vector<16x64xf32>
    %swap3A_40 = arith.constant 5 : index
    %swap3A_41 = arith.constant 0 : index
    %swap3A_42 = arith.constant 0 : index
    %swap3A_43 = vector.load %arg3[%swap3A_40, %swap3A_41, %swap3A_42] : memref<8x16x64xf32, #tpu.memory_space<vmem>>, vector<1x16x64xf32>
    %swap3A_44 = vector.shape_cast %swap3A_43 : vector<1x16x64xf32> to vector<16x64xf32>
    %swap3A_45 = vector.shape_cast %slice3A_39 : vector<16x64xf32> to vector<1x16x64xf32>
    tpu.vector_store %arg3[%swap3A_40, %swap3A_41, %swap3A_42], %swap3A_45 {strides = array<i32>} : memref<8x16x64xf32, #tpu.memory_space<vmem>>, vector<1x16x64xf32>,
    %slice3A_46 = vector.extract_strided_slice %transpose3A {offsets = [0, 384], sizes = [16, 64], strides = [1, 1]} : vector<16x512xf32> to vector<16x64xf32>
    %swap3A_47 = arith.constant 6 : index
    %swap3A_48 = arith.constant 0 : index
    %swap3A_49 = arith.constant 0 : index
    %swap3A_50 = vector.load %arg3[%swap3A_47, %swap3A_48, %swap3A_49] : memref<8x16x64xf32, #tpu.memory_space<vmem>>, vector<1x16x64xf32>
    %swap3A_51 = vector.shape_cast %swap3A_50 : vector<1x16x64xf32> to vector<16x64xf32>
    %swap3A_52 = vector.shape_cast %slice3A_46 : vector<16x64xf32> to vector<1x16x64xf32>
    tpu.vector_store %arg3[%swap3A_47, %swap3A_48, %swap3A_49], %swap3A_52 {strides = array<i32>} : memref<8x16x64xf32, #tpu.memory_space<vmem>>, vector<1x16x64xf32>,
    %slice3A_53 = vector.extract_strided_slice %transpose3A {offsets = [0, 448], sizes = [16, 64], strides = [1, 1]} : vector<16x512xf32> to vector<16x64xf32>
    %swap3A_54 = arith.constant 7 : index
    %swap3A_55 = arith.constant 0 : index
    %swap3A_56 = arith.constant 0 : index
    %swap3A_57 = vector.load %arg3[%swap3A_54, %swap3A_55, %swap3A_56] : memref<8x16x64xf32, #tpu.memory_space<vmem>>, vector<1x16x64xf32>
    %swap3A_58 = vector.shape_cast %swap3A_57 : vector<1x16x64xf32> to vector<16x64xf32>
    %swap3A_59 = vector.shape_cast %slice3A_53 : vector<16x64xf32> to vector<1x16x64xf32>
    tpu.vector_store %arg3[%swap3A_54, %swap3A_55, %swap3A_56], %swap3A_59 {strides = array<i32>} : memref<8x16x64xf32, #tpu.memory_space<vmem>>, vector<1x16x64xf32>,
    return
  }
  func.func @transform_0(%arg0: i32) -> (i32, i32) {
    %c0_i32 = arith.constant 0 : i32
    %c0_i32_0 = arith.constant 0 : i32
    return %arg0, %c0_i32 : i32, i32
  }
  func.func @transform_1(%arg0: i32) -> (i32, i32) {
    %c0_i32 = arith.constant 0 : i32
    %c0_i32_0 = arith.constant 0 : i32
    %c0_i32_1 = arith.constant 0 : i32
    return %c0_i32, %c0_i32_0 : i32, i32
  }
  func.func @transform_2(%arg0: i32) -> (i32, i32, i32) {
    %c0_i32 = arith.constant 0 : i32
    %c0_i32_0 = arith.constant 0 : i32
    %c0_i32_1 = arith.constant 0 : i32
    return %arg0, %c0_i32, %c0_i32_0 : i32, i32, i32
  }
}

module attributes {stable_mosaic.version = 14 : i64} {
  func.func @_kv_kernel(%arg0: i32, %arg1: memref<512x1024xf32, #tpu.memory_space<vmem>>, %arg2: memref<512x1024xf32, #tpu.memory_space<vmem>>, %arg3: memref<1024x256xf32, #tpu.memory_space<vmem>>, %arg4: memref<1024x256xf32, #tpu.memory_space<vmem>>, %arg5: memref<512x256xbf16, #tpu.memory_space<vmem>>, %arg6: memref<512x256xbf16, #tpu.memory_space<vmem>>) attributes {dimension_semantics = [#tpu.dimension_semantics<arbitrary>], iteration_bounds = array<i64: 4>, scalar_prefetch = 0 : i64, scratch_operands = 0 : i64, tpu.core_type = #tpu.core_type<tc>, window_params = [{transform_indices = @transform_0, window_bounds = array<i64: 512, 1024>}, {transform_indices = @transform_1, window_bounds = array<i64: 512, 1024>}, {pipeline_mode = #tpu.pipeline_mode<synchronous>, transform_indices = @transform_2, window_bounds = array<i64: 1024, 256>}, {pipeline_mode = #tpu.pipeline_mode<synchronous>, transform_indices = @transform_3, window_bounds = array<i64: 1024, 256>}, {transform_indices = @transform_4, window_bounds = array<i64: 512, 256>}, {transform_indices = @transform_5, window_bounds = array<i64: 512, 256>}]} {
    %get3A = arith.constant 0 : index
    %get3A_0 = arith.constant 0 : index
    %get3A_1 = vector.load %arg1[%get3A, %get3A_0] : memref<512x1024xf32, #tpu.memory_space<vmem>>, vector<512x1024xf32>
    %get3A_2 = arith.constant 0 : index
    %get3A_3 = arith.constant 0 : index
    %get3A_4 = vector.load %arg3[%get3A_2, %get3A_3] : memref<1024x256xf32, #tpu.memory_space<vmem>>, vector<1024x256xf32>
    %dot_general3A = arith.constant dense<0.000000e+00> : vector<512x256xf32>
    %dot_general3A_5 = tpu.matmul %get3A_1, %get3A_4, %dot_general3A {dimension_numbers = #tpu.dot_dimension_numbers<[1], [0], [0], [1], [0, 0, 1, 1], [], []>, transpose_lhs_hint = false} : vector<512x1024xf32>, vector<1024x256xf32>, vector<512x256xf32> -> vector<512x256xf32>
    %mul3A = arith.constant 0.353553385 : f32
    %mul3A_6 = vector.broadcast %mul3A : f32 to vector<512x256xf32>
    %mul3A_7 = arith.mulf %dot_general3A_5, %mul3A_6 : vector<512x256xf32>
    %convert_element_type3A = arith.truncf %mul3A_7 : vector<512x256xf32> to vector<512x256xbf16>
    %swap3A = arith.constant 0 : index
    %swap3A_8 = arith.constant 0 : index
    %swap3A_9 = vector.load %arg5[%swap3A, %swap3A_8] : memref<512x256xbf16, #tpu.memory_space<vmem>>, vector<512x256xbf16>
    tpu.vector_store %arg5[%swap3A, %swap3A_8], %convert_element_type3A {strides = array<i32>} : memref<512x256xbf16, #tpu.memory_space<vmem>>, vector<512x256xbf16>,
    %get3A_10 = arith.constant 0 : index
    %get3A_11 = arith.constant 0 : index
    %get3A_12 = vector.load %arg2[%get3A_10, %get3A_11] : memref<512x1024xf32, #tpu.memory_space<vmem>>, vector<512x1024xf32>
    %get3A_13 = arith.constant 0 : index
    %get3A_14 = arith.constant 0 : index
    %get3A_15 = vector.load %arg4[%get3A_13, %get3A_14] : memref<1024x256xf32, #tpu.memory_space<vmem>>, vector<1024x256xf32>
    %dot_general3A_16 = arith.constant dense<0.000000e+00> : vector<512x256xf32>
    %dot_general3A_17 = tpu.matmul %get3A_12, %get3A_15, %dot_general3A_16 {dimension_numbers = #tpu.dot_dimension_numbers<[1], [0], [0], [1], [0, 0, 1, 1], [], []>, transpose_lhs_hint = false} : vector<512x1024xf32>, vector<1024x256xf32>, vector<512x256xf32> -> vector<512x256xf32>
    %convert_element_type3A_18 = arith.truncf %dot_general3A_17 : vector<512x256xf32> to vector<512x256xbf16>
    %swap3A_19 = arith.constant 0 : index
    %swap3A_20 = arith.constant 0 : index
    %swap3A_21 = vector.load %arg6[%swap3A_19, %swap3A_20] : memref<512x256xbf16, #tpu.memory_space<vmem>>, vector<512x256xbf16>
    tpu.vector_store %arg6[%swap3A_19, %swap3A_20], %convert_element_type3A_18 {strides = array<i32>} : memref<512x256xbf16, #tpu.memory_space<vmem>>, vector<512x256xbf16>,
    return
  }
  func.func @transform_0(%arg0: i32) -> (i32, i32) {
    %c0_i32 = arith.constant 0 : i32
    %c0_i32_0 = arith.constant 0 : i32
    return %arg0, %c0_i32 : i32, i32
  }
  func.func @transform_1(%arg0: i32) -> (i32, i32) {
    %c0_i32 = arith.constant 0 : i32
    %c0_i32_0 = arith.constant 0 : i32
    return %arg0, %c0_i32 : i32, i32
  }
  func.func @transform_2(%arg0: i32) -> (i32, i32) {
    %c0_i32 = arith.constant 0 : i32
    %c0_i32_0 = arith.constant 0 : i32
    %c0_i32_1 = arith.constant 0 : i32
    return %c0_i32, %c0_i32_0 : i32, i32
  }
  func.func @transform_3(%arg0: i32) -> (i32, i32) {
    %c0_i32 = arith.constant 0 : i32
    %c0_i32_0 = arith.constant 0 : i32
    %c0_i32_1 = arith.constant 0 : i32
    return %c0_i32, %c0_i32_0 : i32, i32
  }
  func.func @transform_4(%arg0: i32) -> (i32, i32) {
    %c0_i32 = arith.constant 0 : i32
    %c0_i32_0 = arith.constant 0 : i32
    return %arg0, %c0_i32 : i32, i32
  }
  func.func @transform_5(%arg0: i32) -> (i32, i32) {
    %c0_i32 = arith.constant 0 : i32
    %c0_i32_0 = arith.constant 0 : i32
    return %arg0, %c0_i32 : i32, i32
  }
}

module attributes {stable_mosaic.version = 14 : i64} {
  func.func @_qproj_kernel(%arg0: i32, %arg1: i32, %arg2: memref<512x1024xf32, #tpu.memory_space<vmem>>, %arg3: memref<1x1024x256xf32, #tpu.memory_space<vmem>>, %arg4: memref<512x2xi32, #tpu.memory_space<vmem>>, %arg5: memref<512x512xbf16, #tpu.memory_space<vmem>>) attributes {dimension_semantics = [#tpu.dimension_semantics<arbitrary>, #tpu.dimension_semantics<arbitrary>], iteration_bounds = array<i64: 4, 16>, scalar_prefetch = 0 : i64, scratch_operands = 0 : i64, tpu.core_type = #tpu.core_type<tc>, window_params = [{transform_indices = @transform_0, window_bounds = array<i64: 512, 1024>}, {transform_indices = @transform_1, window_bounds = array<i64: 1, 1024, 256>}, {transform_indices = @transform_2, window_bounds = array<i64: 512, 2>}, {transform_indices = @transform_3, window_bounds = array<i64: 512, 512>}]} {
    %eq3A = arith.constant 0 : i32
    %eq3A_0 = arith.cmpi eq, %arg1, %eq3A : i32
    %convert_element_type3A = arith.extui %eq3A_0 : i1 to i32
    %cond3A = arith.constant 0 : i32
    %cond3A_1 = arith.cmpi ne, %convert_element_type3A, %cond3A : i32
    scf.if %cond3A_1 {
      %broadcast_in_dim3A_40 = arith.constant 0.000000e+00 : bf16
      %broadcast_in_dim3A_41 = vector.broadcast %broadcast_in_dim3A_40 : bf16 to vector<512x512xbf16>
      %swap3A_42 = arith.constant 0 : index
      %swap3A_43 = arith.constant 0 : index
      %swap3A_44 = vector.load %arg5[%swap3A_42, %swap3A_43] : memref<512x512xbf16, #tpu.memory_space<vmem>>, vector<512x512xbf16>
      tpu.vector_store %arg5[%swap3A_42, %swap3A_43], %broadcast_in_dim3A_41 {strides = array<i32>} : memref<512x512xbf16, #tpu.memory_space<vmem>>, vector<512x512xbf16>,
    } else {
    }
    %get3A = arith.constant 0 : index
    %get3A_2 = arith.constant 0 : index
    %get3A_3 = vector.load %arg2[%get3A, %get3A_2] : memref<512x1024xf32, #tpu.memory_space<vmem>>, vector<512x1024xf32>
    %get3A_4 = arith.constant 0 : index
    %get3A_5 = arith.constant 0 : index
    %get3A_6 = arith.constant 0 : index
    %get3A_7 = vector.load %arg3[%get3A_4, %get3A_5, %get3A_6] : memref<1x1024x256xf32, #tpu.memory_space<vmem>>, vector<1x1024x256xf32>
    %get3A_8 = vector.shape_cast %get3A_7 : vector<1x1024x256xf32> to vector<1024x256xf32>
    %dot_general3A = arith.constant dense<0.000000e+00> : vector<512x256xf32>
    %dot_general3A_9 = tpu.matmul %get3A_3, %get3A_8, %dot_general3A {dimension_numbers = #tpu.dot_dimension_numbers<[1], [0], [0], [1], [0, 0, 1, 1], [], []>, transpose_lhs_hint = false} : vector<512x1024xf32>, vector<1024x256xf32>, vector<512x256xf32> -> vector<512x256xf32>
    %mul3A = arith.constant 0.353553385 : f32
    %mul3A_10 = vector.broadcast %mul3A : f32 to vector<512x256xf32>
    %mul3A_11 = arith.mulf %dot_general3A_9, %mul3A_10 : vector<512x256xf32>
    %convert_element_type3A_12 = arith.truncf %mul3A_11 : vector<512x256xf32> to vector<512x256xbf16>
    %get3A_13 = arith.constant 0 : index
    %get3A_14 = arith.constant 0 : index
    %get3A_15 = vector.load %arg4[%get3A_13, %get3A_14] : memref<512x2xi32, #tpu.memory_space<vmem>>, vector<512x2xi32>
    %slice3A = vector.extract_strided_slice %get3A_15 {offsets = [0, 0], sizes = [512, 1], strides = [1, 1]} : vector<512x2xi32> to vector<512x1xi32>
    %eq3A_16 = vector.broadcast %arg1 : i32 to vector<512x1xi32>
    %eq3A_17 = arith.cmpi eq, %slice3A, %eq3A_16 : vector<512x1xi32>
    %get3A_18 = arith.constant 0 : index
    %get3A_19 = arith.constant 0 : index
    %get3A_20 = vector.load %arg5[%get3A_18, %get3A_19] : memref<512x512xbf16, #tpu.memory_space<vmem>>, vector<512x256xbf16>
    %jit3A = arith.constant 0.000000e+00 : bf16
    %broadcast_in_dim3A = vector.shape_cast %eq3A_17 : vector<512x1xi1> to vector<512x1xi1>
    %broadcast_in_dim3A_21 = vector.broadcast %broadcast_in_dim3A : vector<512x1xi1> to vector<512x256xi1>
    %broadcast_in_dim3A_22 = vector.broadcast %jit3A : bf16 to vector<512x256xbf16>
    %select_n3A = arith.select %broadcast_in_dim3A_21, %convert_element_type3A_12, %broadcast_in_dim3A_22 : vector<512x256xi1>, vector<512x256xbf16>
    %add3A = arith.addf %get3A_20, %select_n3A : vector<512x256xbf16>
    %swap3A = arith.constant 0 : index
    %swap3A_23 = arith.constant 0 : index
    %swap3A_24 = vector.load %arg5[%swap3A, %swap3A_23] : memref<512x512xbf16, #tpu.memory_space<vmem>>, vector<512x256xbf16>
    tpu.vector_store %arg5[%swap3A, %swap3A_23], %add3A {strides = array<i32>} : memref<512x512xbf16, #tpu.memory_space<vmem>>, vector<512x256xbf16>,
    %slice3A_25 = vector.extract_strided_slice %get3A_15 {offsets = [0, 1], sizes = [512, 1], strides = [1, 1]} : vector<512x2xi32> to vector<512x1xi32>
    %eq3A_26 = vector.broadcast %arg1 : i32 to vector<512x1xi32>
    %eq3A_27 = arith.cmpi eq, %slice3A_25, %eq3A_26 : vector<512x1xi32>
    %get3A_28 = arith.constant 0 : index
    %get3A_29 = arith.constant 256 : index
    %get3A_30 = vector.load %arg5[%get3A_28, %get3A_29] : memref<512x512xbf16, #tpu.memory_space<vmem>>, vector<512x256xbf16>
    %jit3A_31 = arith.constant 0.000000e+00 : bf16
    %broadcast_in_dim3A_32 = vector.shape_cast %eq3A_27 : vector<512x1xi1> to vector<512x1xi1>
    %broadcast_in_dim3A_33 = vector.broadcast %broadcast_in_dim3A_32 : vector<512x1xi1> to vector<512x256xi1>
    %broadcast_in_dim3A_34 = vector.broadcast %jit3A_31 : bf16 to vector<512x256xbf16>
    %select_n3A_35 = arith.select %broadcast_in_dim3A_33, %convert_element_type3A_12, %broadcast_in_dim3A_34 : vector<512x256xi1>, vector<512x256xbf16>
    %add3A_36 = arith.addf %get3A_30, %select_n3A_35 : vector<512x256xbf16>
    %swap3A_37 = arith.constant 0 : index
    %swap3A_38 = arith.constant 256 : index
    %swap3A_39 = vector.load %arg5[%swap3A_37, %swap3A_38] : memref<512x512xbf16, #tpu.memory_space<vmem>>, vector<512x256xbf16>
    tpu.vector_store %arg5[%swap3A_37, %swap3A_38], %add3A_36 {strides = array<i32>} : memref<512x512xbf16, #tpu.memory_space<vmem>>, vector<512x256xbf16>,
    return
  }
  func.func @transform_0(%arg0: i32, %arg1: i32) -> (i32, i32) {
    %c0_i32 = arith.constant 0 : i32
    %c0_i32_0 = arith.constant 0 : i32
    return %arg0, %c0_i32 : i32, i32
  }
  func.func @transform_1(%arg0: i32, %arg1: i32) -> (i32, i32, i32) {
    %c0_i32 = arith.constant 0 : i32
    %c0_i32_0 = arith.constant 0 : i32
    %c0_i32_1 = arith.constant 0 : i32
    return %arg1, %c0_i32, %c0_i32_0 : i32, i32, i32
  }
  func.func @transform_2(%arg0: i32, %arg1: i32) -> (i32, i32) {
    %c0_i32 = arith.constant 0 : i32
    %c0_i32_0 = arith.constant 0 : i32
    return %arg0, %c0_i32 : i32, i32
  }
  func.func @transform_3(%arg0: i32, %arg1: i32) -> (i32, i32) {
    %c0_i32 = arith.constant 0 : i32
    %c0_i32_0 = arith.constant 0 : i32
    return %arg0, %c0_i32 : i32, i32
  }
}

module attributes {stable_mosaic.version = 14 : i64} {
  func.func @_attn_kernel(%arg0: i32, %arg1: i32, %arg2: memref<256x256xbf16, #tpu.memory_space<vmem>>, %arg3: memref<2048x256xbf16, #tpu.memory_space<vmem>>, %arg4: memref<2048x256xbf16, #tpu.memory_space<vmem>>, %arg5: memref<4x64x128xbf16, #tpu.memory_space<vmem>>, %arg6: memref<256x256xf32, #tpu.memory_space<vmem>>, %arg7: memref<256x2048xbf16, #tpu.memory_space<vmem>>, %arg8: memref<256x1024xi32, #tpu.memory_space<vmem>>) attributes {dimension_semantics = [#tpu.dimension_semantics<arbitrary>, #tpu.dimension_semantics<arbitrary>], iteration_bounds = array<i64: 2, 8>, scalar_prefetch = 0 : i64, scratch_operands = 2 : i64, tpu.core_type = #tpu.core_type<tc>, window_params = [{transform_indices = @transform_0, window_bounds = array<i64: 256, 256>}, {pipeline_mode = #tpu.pipeline_mode<synchronous>, transform_indices = @transform_1, window_bounds = array<i64: 2048, 256>}, {pipeline_mode = #tpu.pipeline_mode<synchronous>, transform_indices = @transform_2, window_bounds = array<i64: 2048, 256>}, {pipeline_mode = #tpu.pipeline_mode<synchronous>, transform_indices = @transform_3, window_bounds = array<i64: 4, 64, 128>}, {transform_indices = @transform_4, window_bounds = array<i64: 256, 256>}]} {
    %mul3A = arith.constant 256 : i32
    %mul3A_0 = arith.muli %arg1, %mul3A : i32
    %sub3A = arith.constant 128 : i32
    %sub3A_1 = arith.subi %mul3A_0, %sub3A : i32
    %jit3A = arith.constant 512 : i32
    %div3A = arith.divsi %sub3A_1, %jit3A : i32
    %sign3A = arith.constant 0 : i32
    %sign3A_2 = arith.cmpi sgt, %sub3A_1, %sign3A : i32
    %sign3A_3 = arith.extui %sign3A_2 : i1 to i32
    %sign3A_4 = arith.constant 0 : i32
    %sign3A_5 = arith.cmpi slt, %sub3A_1, %sign3A_4 : i32
    %sign3A_6 = arith.extui %sign3A_5 : i1 to i32
    %sign3A_7 = arith.subi %sign3A_3, %sign3A_6 : i32
    %sign3A_8 = arith.constant 0 : i32
    %sign3A_9 = arith.cmpi sgt, %jit3A, %sign3A_8 : i32
    %sign3A_10 = arith.extui %sign3A_9 : i1 to i32
    %sign3A_11 = arith.constant 0 : i32
    %sign3A_12 = arith.cmpi slt, %jit3A, %sign3A_11 : i32
    %sign3A_13 = arith.extui %sign3A_12 : i1 to i32
    %sign3A_14 = arith.subi %sign3A_10, %sign3A_13 : i32
    %ne3A = arith.cmpi ne, %sign3A_7, %sign3A_14 : i32
    %rem3A = arith.remsi %sub3A_1, %jit3A : i32
    %ne3A_15 = arith.constant 0 : i32
    %ne3A_16 = arith.cmpi ne, %rem3A, %ne3A_15 : i32
    %and3A = arith.andi %ne3A, %ne3A_16 : i1
    %sub3A_17 = arith.constant 1 : i32
    %sub3A_18 = arith.subi %div3A, %sub3A_17 : i32
    %select_n3A = arith.select %and3A, %sub3A_18, %div3A : i32
    %mul3A_19 = arith.constant 512 : i32
    %mul3A_20 = arith.muli %select_n3A, %mul3A_19 : i32
    %jit3A_21 = arith.constant 0 : i32
    %jit3A_22 = arith.constant 1024 : i32
    %max3A = arith.maxsi %jit3A_21, %mul3A_20 : i32
    %min3A = arith.minsi %jit3A_22, %max3A : i32
    %multiple_of3A = tpu.assume_multiple %min3A, 512 : i32
    %iota3A = tpu.iota {dimensions = array<i32: 0>} : vector<256x1024xi32>
    %iota3A_23 = tpu.iota {dimensions = array<i32: 1>} : vector<256x1024xi32>
    %add3A = vector.broadcast %multiple_of3A : i32 to vector<256x1024xi32>
    %add3A_24 = arith.addi %add3A, %iota3A_23 : vector<256x1024xi32>
    %add3A_25 = vector.broadcast %mul3A_0 : i32 to vector<256x1024xi32>
    %add3A_26 = arith.addi %add3A_25, %iota3A : vector<256x1024xi32>
    %sub3A_27 = arith.subi %add3A_24, %add3A_26 : vector<256x1024xi32>
    %jit3A_28 = arith.constant -63 : i32
    %jit3A_29 = arith.constant 63 : i32
    %max3A_30 = vector.broadcast %jit3A_28 : i32 to vector<256x1024xi32>
    %max3A_31 = arith.maxsi %max3A_30, %sub3A_27 : vector<256x1024xi32>
    %min3A_32 = vector.broadcast %jit3A_29 : i32 to vector<256x1024xi32>
    %min3A_33 = arith.minsi %min3A_32, %max3A_31 : vector<256x1024xi32>
    %add3A_34 = arith.constant 64 : i32
    %add3A_35 = vector.broadcast %add3A_34 : i32 to vector<256x1024xi32>
    %add3A_36 = arith.addi %min3A_33, %add3A_35 : vector<256x1024xi32>
    %swap3A = arith.constant 0 : index
    %swap3A_37 = arith.constant 0 : index
    %swap3A_38 = vector.load %arg8[%swap3A, %swap3A_37] : memref<256x1024xi32, #tpu.memory_space<vmem>>, vector<256x1024xi32>
    tpu.vector_store %arg8[%swap3A, %swap3A_37], %add3A_36 {strides = array<i32>} : memref<256x1024xi32, #tpu.memory_space<vmem>>, vector<256x1024xi32>,
    %get3A = arith.constant 0 : index
    %get3A_39 = arith.constant 0 : index
    %get3A_40 = vector.load %arg3[%get3A, %get3A_39] : memref<2048x256xbf16, #tpu.memory_space<vmem>>, vector<2048x256xbf16>
    %get3A_41 = arith.constant 0 : index
    %get3A_42 = arith.constant 0 : index
    %get3A_43 = vector.load %arg4[%get3A_41, %get3A_42] : memref<2048x256xbf16, #tpu.memory_space<vmem>>, vector<2048x256xbf16>
    %get3A_44 = arith.constant 0 : index
    %get3A_45 = arith.constant 0 : index
    %get3A_46 = vector.load %arg2[%get3A_44, %get3A_45] : memref<256x256xbf16, #tpu.memory_space<vmem>>, vector<256x64xbf16>
    %slice3A = vector.extract_strided_slice %get3A_40 {offsets = [0, 0], sizes = [2048, 64], strides = [1, 1]} : vector<2048x256xbf16> to vector<2048x64xbf16>
    %slice3A_47 = vector.extract_strided_slice %get3A_43 {offsets = [0, 0], sizes = [2048, 64], strides = [1, 1]} : vector<2048x256xbf16> to vector<2048x64xbf16>
    %get3A_48 = arith.constant 0 : index
    %get3A_49 = arith.constant 0 : index
    %get3A_50 = arith.constant 0 : index
    %get3A_51 = vector.load %arg5[%get3A_48, %get3A_49, %get3A_50] : memref<4x64x128xbf16, #tpu.memory_space<vmem>>, vector<1x64x128xbf16>
    %get3A_52 = vector.shape_cast %get3A_51 : vector<1x64x128xbf16> to vector<64x128xbf16>
    %dot_general3A = arith.constant dense<0.000000e+00> : vector<256x128xf32>
    %dot_general3A_53 = tpu.matmul %get3A_46, %get3A_52, %dot_general3A {dimension_numbers = #tpu.dot_dimension_numbers<[1], [0], [0], [1], [0, 0, 1, 1], [], []>, transpose_lhs_hint = false} : vector<256x64xbf16>, vector<64x128xbf16>, vector<256x128xf32> -> vector<256x128xf32>
    %slice3A_54 = vector.extract_strided_slice %dot_general3A_53 {offsets = [0, 1], sizes = [256, 1], strides = [1, 1]} : vector<256x128xf32> to vector<256x1xf32>
    %slice3A_55 = vector.extract_strided_slice %dot_general3A_53 {offsets = [0, 127], sizes = [256, 1], strides = [1, 1]} : vector<256x128xf32> to vector<256x1xf32>
    %slice3A_56 = vector.extract_strided_slice %dot_general3A_53 {offsets = [0, 1], sizes = [256, 127], strides = [1, 1]} : vector<256x128xf32> to vector<256x127xf32>
    %reduce_max3A = arith.constant dense<0xFF800000> : vector<256xf32>
    %reduce_max3A_57 = vector.multi_reduction <maximumf>, %slice3A_56, %reduce_max3A [1] : vector<256x127xf32> to vector<256xf32>
    %broadcast_in_dim3A = vector.shape_cast %reduce_max3A_57 : vector<256xf32> to vector<256x1xf32>
    %convert_element_type3A = arith.extf %get3A_46 : vector<256x64xbf16> to vector<256x64xf32>
    %mul3A_58 = arith.mulf %convert_element_type3A, %convert_element_type3A : vector<256x64xf32>
    %reduce_sum3A = arith.constant dense<0.000000e+00> : vector<256xf32>
    %reduce_sum3A_59 = vector.multi_reduction <add>, %mul3A_58, %reduce_sum3A [1] : vector<256x64xf32> to vector<256xf32>
    %broadcast_in_dim3A_60 = vector.shape_cast %reduce_sum3A_59 : vector<256xf32> to vector<256x1xf32>
    %convert_element_type3A_61 = arith.extf %slice3A : vector<2048x64xbf16> to vector<2048x64xf32>
    %mul3A_62 = arith.mulf %convert_element_type3A_61, %convert_element_type3A_61 : vector<2048x64xf32>
    %reduce_sum3A_63 = arith.constant dense<0.000000e+00> : vector<2048xf32>
    %reduce_sum3A_64 = vector.multi_reduction <add>, %mul3A_62, %reduce_sum3A_63 [1] : vector<2048x64xf32> to vector<2048xf32>
    %broadcast_in_dim3A_65 = vector.shape_cast %reduce_sum3A_64 : vector<2048xf32> to vector<2048x1xf32>
    %reduce_max3A_66 = vector.shape_cast %broadcast_in_dim3A_65 : vector<2048x1xf32> to vector<1x2048x1xf32>
    %reduce_max3A_67 = arith.constant dense<0xFF800000> : vector<1xf32>
    %reduce_max3A_68 = vector.multi_reduction <maximumf>, %reduce_max3A_66, %reduce_max3A_67 [1, 2] : vector<1x2048x1xf32> to vector<1xf32>
    %reduce_max3A_69 = vector.shape_cast %reduce_max3A_68 : vector<1xf32> to vector<1x1x1xf32>
    %reduce_max3A_70 = vector.extract %reduce_max3A_69[0, 0, 0] : f32 from vector<1x1x1xf32>
    %mul3A_71 = vector.broadcast %reduce_max3A_70 : f32 to vector<256x1xf32>
    %mul3A_72 = arith.mulf %broadcast_in_dim3A_60, %mul3A_71 : vector<256x1xf32>
    %sqrt3A = math.sqrt %mul3A_72 : vector<256x1xf32>
    %add3A_73 = arith.addf %sqrt3A, %broadcast_in_dim3A : vector<256x1xf32>
    %sub3A_74 = arith.subf %add3A_73, %slice3A_54 : vector<256x1xf32>
    %slice3A_75 = vector.extract_strided_slice %slice3A {offsets = [0, 0], sizes = [512, 64], strides = [1, 1]} : vector<2048x64xbf16> to vector<512x64xbf16>
    %dot_general3A_76 = arith.constant dense<0.000000e+00> : vector<256x512xf32>
    %dot_general3A_77 = tpu.matmul %get3A_46, %slice3A_75, %dot_general3A_76 {dimension_numbers = #tpu.dot_dimension_numbers<[1], [1], [0], [0], [0, 0, 1, 0], [], []>, transpose_lhs_hint = false} : vector<256x64xbf16>, vector<512x64xbf16>, vector<256x512xf32> -> vector<256x512xf32>
    %add3A_78 = arith.constant 1024 : i32
    %add3A_79 = arith.addi %multiple_of3A, %add3A_78 : i32
    %le3A = arith.constant 0 : i32
    %le3A_80 = arith.cmpi sle, %add3A_79, %le3A : i32
    %sub3A_81 = arith.subf %slice3A_55, %slice3A_54 : vector<256x1xf32>
    %jit3A_82 = arith.constant 0.000000e+00 : f32
    %broadcast_in_dim3A_83 = vector.broadcast %jit3A_82 : f32 to vector<256x1xf32>
    %select_n3A_84 = arith.select %le3A_80, %sub3A_81, %broadcast_in_dim3A_83 : vector<256x1xf32>
    %sub3A_85 = arith.subf %select_n3A_84, %sub3A_74 : vector<256x1xf32>
    %add3A_86 = vector.broadcast %sub3A_85 : vector<256x1xf32> to vector<256x512xf32>
    %add3A_87 = arith.addf %dot_general3A_77, %add3A_86 : vector<256x512xf32>
    %exp3A = math.exp %add3A_87 : vector<256x512xf32>
    %reduce_sum3A_88 = arith.constant dense<0.000000e+00> : vector<256xf32>
    %reduce_sum3A_89 = vector.multi_reduction <add>, %exp3A, %reduce_sum3A_88 [1] : vector<256x512xf32> to vector<256xf32>
    %broadcast_in_dim3A_90 = vector.shape_cast %reduce_sum3A_89 : vector<256xf32> to vector<256x1xf32>
    %convert_element_type3A_91 = arith.truncf %exp3A : vector<256x512xf32> to vector<256x512xbf16>
    %swap3A_92 = arith.constant 0 : index
    %swap3A_93 = arith.constant 0 : index
    %swap3A_94 = vector.load %arg7[%swap3A_92, %swap3A_93] : memref<256x2048xbf16, #tpu.memory_space<vmem>>, vector<256x512xbf16>
    tpu.vector_store %arg7[%swap3A_92, %swap3A_93], %convert_element_type3A_91 {strides = array<i32>} : memref<256x2048xbf16, #tpu.memory_space<vmem>>, vector<256x512xbf16>,
    %slice3A_95 = vector.extract_strided_slice %slice3A {offsets = [512, 0], sizes = [512, 64], strides = [1, 1]} : vector<2048x64xbf16> to vector<512x64xbf16>
    %dot_general3A_96 = arith.constant dense<0.000000e+00> : vector<256x512xf32>
    %dot_general3A_97 = tpu.matmul %get3A_46, %slice3A_95, %dot_general3A_96 {dimension_numbers = #tpu.dot_dimension_numbers<[1], [1], [0], [0], [0, 0, 1, 0], [], []>, transpose_lhs_hint = false} : vector<256x64xbf16>, vector<512x64xbf16>, vector<256x512xf32> -> vector<256x512xf32>
    %add3A_98 = arith.constant 1024 : i32
    %add3A_99 = arith.addi %multiple_of3A, %add3A_98 : i32
    %le3A_100 = arith.constant 512 : i32
    %le3A_101 = arith.cmpi sle, %add3A_99, %le3A_100 : i32
    %sub3A_102 = arith.subf %slice3A_55, %slice3A_54 : vector<256x1xf32>
    %jit3A_103 = arith.constant 0.000000e+00 : f32
    %broadcast_in_dim3A_104 = vector.broadcast %jit3A_103 : f32 to vector<256x1xf32>
    %select_n3A_105 = arith.select %le3A_101, %sub3A_102, %broadcast_in_dim3A_104 : vector<256x1xf32>
    %sub3A_106 = arith.subf %select_n3A_105, %sub3A_74 : vector<256x1xf32>
    %add3A_107 = vector.broadcast %sub3A_106 : vector<256x1xf32> to vector<256x512xf32>
    %add3A_108 = arith.addf %dot_general3A_97, %add3A_107 : vector<256x512xf32>
    %exp3A_109 = math.exp %add3A_108 : vector<256x512xf32>
    %reduce_sum3A_110 = arith.constant dense<0.000000e+00> : vector<256xf32>
    %reduce_sum3A_111 = vector.multi_reduction <add>, %exp3A_109, %reduce_sum3A_110 [1] : vector<256x512xf32> to vector<256xf32>
    %broadcast_in_dim3A_112 = vector.shape_cast %reduce_sum3A_111 : vector<256xf32> to vector<256x1xf32>
    %add3A_113 = arith.addf %broadcast_in_dim3A_90, %broadcast_in_dim3A_112 : vector<256x1xf32>
    %convert_element_type3A_114 = arith.truncf %exp3A_109 : vector<256x512xf32> to vector<256x512xbf16>
    %swap3A_115 = arith.constant 0 : index
    %swap3A_116 = arith.constant 512 : index
    %swap3A_117 = vector.load %arg7[%swap3A_115, %swap3A_116] : memref<256x2048xbf16, #tpu.memory_space<vmem>>, vector<256x512xbf16>
    tpu.vector_store %arg7[%swap3A_115, %swap3A_116], %convert_element_type3A_114 {strides = array<i32>} : memref<256x2048xbf16, #tpu.memory_space<vmem>>, vector<256x512xbf16>,
    %slice3A_118 = vector.extract_strided_slice %slice3A {offsets = [1024, 0], sizes = [512, 64], strides = [1, 1]} : vector<2048x64xbf16> to vector<512x64xbf16>
    %dot_general3A_119 = arith.constant dense<0.000000e+00> : vector<256x512xf32>
    %dot_general3A_120 = tpu.matmul %get3A_46, %slice3A_118, %dot_general3A_119 {dimension_numbers = #tpu.dot_dimension_numbers<[1], [1], [0], [0], [0, 0, 1, 0], [], []>, transpose_lhs_hint = false} : vector<256x64xbf16>, vector<512x64xbf16>, vector<256x512xf32> -> vector<256x512xf32>
    %add3A_121 = arith.constant 1024 : i32
    %add3A_122 = arith.addi %multiple_of3A, %add3A_121 : i32
    %le3A_123 = arith.constant 1024 : i32
    %le3A_124 = arith.cmpi sle, %add3A_122, %le3A_123 : i32
    %sub3A_125 = arith.subf %slice3A_55, %slice3A_54 : vector<256x1xf32>
    %jit3A_126 = arith.constant 0.000000e+00 : f32
    %broadcast_in_dim3A_127 = vector.broadcast %jit3A_126 : f32 to vector<256x1xf32>
    %select_n3A_128 = arith.select %le3A_124, %sub3A_125, %broadcast_in_dim3A_127 : vector<256x1xf32>
    %sub3A_129 = arith.subf %select_n3A_128, %sub3A_74 : vector<256x1xf32>
    %add3A_130 = vector.broadcast %sub3A_129 : vector<256x1xf32> to vector<256x512xf32>
    %add3A_131 = arith.addf %dot_general3A_120, %add3A_130 : vector<256x512xf32>
    %exp3A_132 = math.exp %add3A_131 : vector<256x512xf32>
    %reduce_sum3A_133 = arith.constant dense<0.000000e+00> : vector<256xf32>
    %reduce_sum3A_134 = vector.multi_reduction <add>, %exp3A_132, %reduce_sum3A_133 [1] : vector<256x512xf32> to vector<256xf32>
    %broadcast_in_dim3A_135 = vector.shape_cast %reduce_sum3A_134 : vector<256xf32> to vector<256x1xf32>
    %add3A_136 = arith.addf %add3A_113, %broadcast_in_dim3A_135 : vector<256x1xf32>
    %convert_element_type3A_137 = arith.truncf %exp3A_132 : vector<256x512xf32> to vector<256x512xbf16>
    %swap3A_138 = arith.constant 0 : index
    %swap3A_139 = arith.constant 1024 : index
    %swap3A_140 = vector.load %arg7[%swap3A_138, %swap3A_139] : memref<256x2048xbf16, #tpu.memory_space<vmem>>, vector<256x512xbf16>
    tpu.vector_store %arg7[%swap3A_138, %swap3A_139], %convert_element_type3A_137 {strides = array<i32>} : memref<256x2048xbf16, #tpu.memory_space<vmem>>, vector<256x512xbf16>,
    %slice3A_141 = vector.extract_strided_slice %slice3A {offsets = [1536, 0], sizes = [512, 64], strides = [1, 1]} : vector<2048x64xbf16> to vector<512x64xbf16>
    %dot_general3A_142 = arith.constant dense<0.000000e+00> : vector<256x512xf32>
    %dot_general3A_143 = tpu.matmul %get3A_46, %slice3A_141, %dot_general3A_142 {dimension_numbers = #tpu.dot_dimension_numbers<[1], [1], [0], [0], [0, 0, 1, 0], [], []>, transpose_lhs_hint = false} : vector<256x64xbf16>, vector<512x64xbf16>, vector<256x512xf32> -> vector<256x512xf32>
    %add3A_144 = arith.constant 1024 : i32
    %add3A_145 = arith.addi %multiple_of3A, %add3A_144 : i32
    %le3A_146 = arith.constant 1536 : i32
    %le3A_147 = arith.cmpi sle, %add3A_145, %le3A_146 : i32
    %sub3A_148 = arith.subf %slice3A_55, %slice3A_54 : vector<256x1xf32>
    %jit3A_149 = arith.constant 0.000000e+00 : f32
    %broadcast_in_dim3A_150 = vector.broadcast %jit3A_149 : f32 to vector<256x1xf32>
    %select_n3A_151 = arith.select %le3A_147, %sub3A_148, %broadcast_in_dim3A_150 : vector<256x1xf32>
    %sub3A_152 = arith.subf %select_n3A_151, %sub3A_74 : vector<256x1xf32>
    %add3A_153 = vector.broadcast %sub3A_152 : vector<256x1xf32> to vector<256x512xf32>
    %add3A_154 = arith.addf %dot_general3A_143, %add3A_153 : vector<256x512xf32>
    %exp3A_155 = math.exp %add3A_154 : vector<256x512xf32>
    %reduce_sum3A_156 = arith.constant dense<0.000000e+00> : vector<256xf32>
    %reduce_sum3A_157 = vector.multi_reduction <add>, %exp3A_155, %reduce_sum3A_156 [1] : vector<256x512xf32> to vector<256xf32>
    %broadcast_in_dim3A_158 = vector.shape_cast %reduce_sum3A_157 : vector<256xf32> to vector<256x1xf32>
    %add3A_159 = arith.addf %add3A_136, %broadcast_in_dim3A_158 : vector<256x1xf32>
    %convert_element_type3A_160 = arith.truncf %exp3A_155 : vector<256x512xf32> to vector<256x512xbf16>
    %swap3A_161 = arith.constant 0 : index
    %swap3A_162 = arith.constant 1536 : index
    %swap3A_163 = vector.load %arg7[%swap3A_161, %swap3A_162] : memref<256x2048xbf16, #tpu.memory_space<vmem>>, vector<256x512xbf16>
    tpu.vector_store %arg7[%swap3A_161, %swap3A_162], %convert_element_type3A_160 {strides = array<i32>} : memref<256x2048xbf16, #tpu.memory_space<vmem>>, vector<256x512xbf16>,
    %get3A_164 = arith.constant 0 : index
    %get3A_165 = arith.constant 0 : index
    %get3A_166 = vector.load %arg8[%get3A_164, %get3A_165] : memref<256x1024xi32, #tpu.memory_space<vmem>>, vector<256x1024xi32>
    %lt3A = arith.constant 0 : i32
    %lt3A_167 = vector.broadcast %lt3A : i32 to vector<256x1024xi32>
    %lt3A_168 = arith.cmpi slt, %get3A_166, %lt3A_167 : vector<256x1024xi32>
    %add3A_169 = arith.constant 128 : i32
    %add3A_170 = vector.broadcast %add3A_169 : i32 to vector<256x1024xi32>
    %add3A_171 = arith.addi %get3A_166, %add3A_170 : vector<256x1024xi32>
    %select_n3A_172 = arith.select %lt3A_168, %add3A_171, %get3A_166 : vector<256x1024xi1>, vector<256x1024xi32>
    %reshape3A = vector.shape_cast %select_n3A_172 : vector<256x1024xi32> to vector<256x1024x1xi32>
    %gather3A = vector.shape_cast %reshape3A : vector<256x1024x1xi32> to vector<256x1024xi32>
    %gather3A_173 = tpu.dynamic_gather %dot_general3A_53[%gather3A] in [1] : vector<256x128xf32>, vector<256x1024xi32> -> vector<256x1024xf32>
    %sub3A_174 = vector.broadcast %slice3A_54 : vector<256x1xf32> to vector<256x1024xf32>
    %sub3A_175 = arith.subf %gather3A_173, %sub3A_174 : vector<256x1024xf32>
    %get3A_176 = arith.constant 0 : index
    %get3A_177 = arith.index_cast %multiple_of3A : i32 to index
    %get3A_178 = vector.load %arg7[%get3A_176, %get3A_177] : memref<256x2048xbf16, #tpu.memory_space<vmem>>, vector<256x1024xbf16>
    %convert_element_type3A_179 = arith.extf %get3A_178 : vector<256x1024xbf16> to vector<256x1024xf32>
    %exp3A_180 = math.exp %sub3A_175 : vector<256x1024xf32>
    %mul3A_181 = arith.mulf %convert_element_type3A_179, %exp3A_180 : vector<256x1024xf32>
    %sub3A_182 = arith.subf %mul3A_181, %convert_element_type3A_179 : vector<256x1024xf32>
    %reduce_sum3A_183 = arith.constant dense<0.000000e+00> : vector<256xf32>
    %reduce_sum3A_184 = vector.multi_reduction <add>, %sub3A_182, %reduce_sum3A_183 [1] : vector<256x1024xf32> to vector<256xf32>
    %broadcast_in_dim3A_185 = vector.shape_cast %reduce_sum3A_184 : vector<256xf32> to vector<256x1xf32>
    %add3A_186 = arith.addf %add3A_159, %broadcast_in_dim3A_185 : vector<256x1xf32>
    %convert_element_type3A_187 = arith.truncf %mul3A_181 : vector<256x1024xf32> to vector<256x1024xbf16>
    %swap3A_188 = arith.constant 0 : index
    %swap3A_189 = arith.index_cast %multiple_of3A : i32 to index
    %swap3A_190 = vector.load %arg7[%swap3A_188, %swap3A_189] : memref<256x2048xbf16, #tpu.memory_space<vmem>>, vector<256x1024xbf16>
    tpu.vector_store %arg7[%swap3A_188, %swap3A_189], %convert_element_type3A_187 {strides = array<i32>} : memref<256x2048xbf16, #tpu.memory_space<vmem>>, vector<256x1024xbf16>,
    %get3A_191 = arith.constant 0 : index
    %get3A_192 = arith.constant 0 : index
    %get3A_193 = vector.load %arg7[%get3A_191, %get3A_192] : memref<256x2048xbf16, #tpu.memory_space<vmem>>, vector<256x2048xbf16>
    %dot_general3A_194 = arith.constant dense<0.000000e+00> : vector<256x64xf32>
    %dot_general3A_195 = tpu.matmul %get3A_193, %slice3A_47, %dot_general3A_194 {dimension_numbers = #tpu.dot_dimension_numbers<[1], [0], [0], [1], [0, 0, 1, 1], [], []>, transpose_lhs_hint = false} : vector<256x2048xbf16>, vector<2048x64xbf16>, vector<256x64xf32> -> vector<256x64xf32>
    %div3A_196 = vector.broadcast %add3A_186 : vector<256x1xf32> to vector<256x64xf32>
    %div3A_197 = arith.divf %dot_general3A_195, %div3A_196 : vector<256x64xf32>
    %swap3A_198 = arith.constant 0 : index
    %swap3A_199 = arith.constant 0 : index
    %swap3A_200 = vector.load %arg6[%swap3A_198, %swap3A_199] : memref<256x256xf32, #tpu.memory_space<vmem>>, vector<256x64xf32>
    tpu.vector_store %arg6[%swap3A_198, %swap3A_199], %div3A_197 {strides = array<i32>} : memref<256x256xf32, #tpu.memory_space<vmem>>, vector<256x64xf32>,
    %get3A_201 = arith.constant 0 : index
    %get3A_202 = arith.constant 64 : index
    %get3A_203 = vector.load %arg2[%get3A_201, %get3A_202] : memref<256x256xbf16, #tpu.memory_space<vmem>>, vector<256x64xbf16>
    %slice3A_204 = vector.extract_strided_slice %get3A_40 {offsets = [0, 64], sizes = [2048, 64], strides = [1, 1]} : vector<2048x256xbf16> to vector<2048x64xbf16>
    %slice3A_205 = vector.extract_strided_slice %get3A_43 {offsets = [0, 64], sizes = [2048, 64], strides = [1, 1]} : vector<2048x256xbf16> to vector<2048x64xbf16>
    %get3A_206 = arith.constant 1 : index
    %get3A_207 = arith.constant 0 : index
    %get3A_208 = arith.constant 0 : index
    %get3A_209 = vector.load %arg5[%get3A_206, %get3A_207, %get3A_208] : memref<4x64x128xbf16, #tpu.memory_space<vmem>>, vector<1x64x128xbf16>
    %get3A_210 = vector.shape_cast %get3A_209 : vector<1x64x128xbf16> to vector<64x128xbf16>
    %dot_general3A_211 = arith.constant dense<0.000000e+00> : vector<256x128xf32>
    %dot_general3A_212 = tpu.matmul %get3A_203, %get3A_210, %dot_general3A_211 {dimension_numbers = #tpu.dot_dimension_numbers<[1], [0], [0], [1], [0, 0, 1, 1], [], []>, transpose_lhs_hint = false} : vector<256x64xbf16>, vector<64x128xbf16>, vector<256x128xf32> -> vector<256x128xf32>
    %slice3A_213 = vector.extract_strided_slice %dot_general3A_212 {offsets = [0, 1], sizes = [256, 1], strides = [1, 1]} : vector<256x128xf32> to vector<256x1xf32>
    %slice3A_214 = vector.extract_strided_slice %dot_general3A_212 {offsets = [0, 127], sizes = [256, 1], strides = [1, 1]} : vector<256x128xf32> to vector<256x1xf32>
    %slice3A_215 = vector.extract_strided_slice %dot_general3A_212 {offsets = [0, 1], sizes = [256, 127], strides = [1, 1]} : vector<256x128xf32> to vector<256x127xf32>
    %reduce_max3A_216 = arith.constant dense<0xFF800000> : vector<256xf32>
    %reduce_max3A_217 = vector.multi_reduction <maximumf>, %slice3A_215, %reduce_max3A_216 [1] : vector<256x127xf32> to vector<256xf32>
    %broadcast_in_dim3A_218 = vector.shape_cast %reduce_max3A_217 : vector<256xf32> to vector<256x1xf32>
    %convert_element_type3A_219 = arith.extf %get3A_203 : vector<256x64xbf16> to vector<256x64xf32>
    %mul3A_220 = arith.mulf %convert_element_type3A_219, %convert_element_type3A_219 : vector<256x64xf32>
    %reduce_sum3A_221 = arith.constant dense<0.000000e+00> : vector<256xf32>
    %reduce_sum3A_222 = vector.multi_reduction <add>, %mul3A_220, %reduce_sum3A_221 [1] : vector<256x64xf32> to vector<256xf32>
    %broadcast_in_dim3A_223 = vector.shape_cast %reduce_sum3A_222 : vector<256xf32> to vector<256x1xf32>
    %convert_element_type3A_224 = arith.extf %slice3A_204 : vector<2048x64xbf16> to vector<2048x64xf32>
    %mul3A_225 = arith.mulf %convert_element_type3A_224, %convert_element_type3A_224 : vector<2048x64xf32>
    %reduce_sum3A_226 = arith.constant dense<0.000000e+00> : vector<2048xf32>
    %reduce_sum3A_227 = vector.multi_reduction <add>, %mul3A_225, %reduce_sum3A_226 [1] : vector<2048x64xf32> to vector<2048xf32>
    %broadcast_in_dim3A_228 = vector.shape_cast %reduce_sum3A_227 : vector<2048xf32> to vector<2048x1xf32>
    %reduce_max3A_229 = vector.shape_cast %broadcast_in_dim3A_228 : vector<2048x1xf32> to vector<1x2048x1xf32>
    %reduce_max3A_230 = arith.constant dense<0xFF800000> : vector<1xf32>
    %reduce_max3A_231 = vector.multi_reduction <maximumf>, %reduce_max3A_229, %reduce_max3A_230 [1, 2] : vector<1x2048x1xf32> to vector<1xf32>
    %reduce_max3A_232 = vector.shape_cast %reduce_max3A_231 : vector<1xf32> to vector<1x1x1xf32>
    %reduce_max3A_233 = vector.extract %reduce_max3A_232[0, 0, 0] : f32 from vector<1x1x1xf32>
    %mul3A_234 = vector.broadcast %reduce_max3A_233 : f32 to vector<256x1xf32>
    %mul3A_235 = arith.mulf %broadcast_in_dim3A_223, %mul3A_234 : vector<256x1xf32>
    %sqrt3A_236 = math.sqrt %mul3A_235 : vector<256x1xf32>
    %add3A_237 = arith.addf %sqrt3A_236, %broadcast_in_dim3A_218 : vector<256x1xf32>
    %sub3A_238 = arith.subf %add3A_237, %slice3A_213 : vector<256x1xf32>
    %slice3A_239 = vector.extract_strided_slice %slice3A_204 {offsets = [0, 0], sizes = [512, 64], strides = [1, 1]} : vector<2048x64xbf16> to vector<512x64xbf16>
    %dot_general3A_240 = arith.constant dense<0.000000e+00> : vector<256x512xf32>
    %dot_general3A_241 = tpu.matmul %get3A_203, %slice3A_239, %dot_general3A_240 {dimension_numbers = #tpu.dot_dimension_numbers<[1], [1], [0], [0], [0, 0, 1, 0], [], []>, transpose_lhs_hint = false} : vector<256x64xbf16>, vector<512x64xbf16>, vector<256x512xf32> -> vector<256x512xf32>
    %add3A_242 = arith.constant 1024 : i32
    %add3A_243 = arith.addi %multiple_of3A, %add3A_242 : i32
    %le3A_244 = arith.constant 0 : i32
    %le3A_245 = arith.cmpi sle, %add3A_243, %le3A_244 : i32
    %sub3A_246 = arith.subf %slice3A_214, %slice3A_213 : vector<256x1xf32>
    %jit3A_247 = arith.constant 0.000000e+00 : f32
    %broadcast_in_dim3A_248 = vector.broadcast %jit3A_247 : f32 to vector<256x1xf32>
    %select_n3A_249 = arith.select %le3A_245, %sub3A_246, %broadcast_in_dim3A_248 : vector<256x1xf32>
    %sub3A_250 = arith.subf %select_n3A_249, %sub3A_238 : vector<256x1xf32>
    %add3A_251 = vector.broadcast %sub3A_250 : vector<256x1xf32> to vector<256x512xf32>
    %add3A_252 = arith.addf %dot_general3A_241, %add3A_251 : vector<256x512xf32>
    %exp3A_253 = math.exp %add3A_252 : vector<256x512xf32>
    %reduce_sum3A_254 = arith.constant dense<0.000000e+00> : vector<256xf32>
    %reduce_sum3A_255 = vector.multi_reduction <add>, %exp3A_253, %reduce_sum3A_254 [1] : vector<256x512xf32> to vector<256xf32>
    %broadcast_in_dim3A_256 = vector.shape_cast %reduce_sum3A_255 : vector<256xf32> to vector<256x1xf32>
    %convert_element_type3A_257 = arith.truncf %exp3A_253 : vector<256x512xf32> to vector<256x512xbf16>
    %swap3A_258 = arith.constant 0 : index
    %swap3A_259 = arith.constant 0 : index
    %swap3A_260 = vector.load %arg7[%swap3A_258, %swap3A_259] : memref<256x2048xbf16, #tpu.memory_space<vmem>>, vector<256x512xbf16>
    tpu.vector_store %arg7[%swap3A_258, %swap3A_259], %convert_element_type3A_257 {strides = array<i32>} : memref<256x2048xbf16, #tpu.memory_space<vmem>>, vector<256x512xbf16>,
    %slice3A_261 = vector.extract_strided_slice %slice3A_204 {offsets = [512, 0], sizes = [512, 64], strides = [1, 1]} : vector<2048x64xbf16> to vector<512x64xbf16>
    %dot_general3A_262 = arith.constant dense<0.000000e+00> : vector<256x512xf32>
    %dot_general3A_263 = tpu.matmul %get3A_203, %slice3A_261, %dot_general3A_262 {dimension_numbers = #tpu.dot_dimension_numbers<[1], [1], [0], [0], [0, 0, 1, 0], [], []>, transpose_lhs_hint = false} : vector<256x64xbf16>, vector<512x64xbf16>, vector<256x512xf32> -> vector<256x512xf32>
    %add3A_264 = arith.constant 1024 : i32
    %add3A_265 = arith.addi %multiple_of3A, %add3A_264 : i32
    %le3A_266 = arith.constant 512 : i32
    %le3A_267 = arith.cmpi sle, %add3A_265, %le3A_266 : i32
    %sub3A_268 = arith.subf %slice3A_214, %slice3A_213 : vector<256x1xf32>
    %jit3A_269 = arith.constant 0.000000e+00 : f32
    %broadcast_in_dim3A_270 = vector.broadcast %jit3A_269 : f32 to vector<256x1xf32>
    %select_n3A_271 = arith.select %le3A_267, %sub3A_268, %broadcast_in_dim3A_270 : vector<256x1xf32>
    %sub3A_272 = arith.subf %select_n3A_271, %sub3A_238 : vector<256x1xf32>
    %add3A_273 = vector.broadcast %sub3A_272 : vector<256x1xf32> to vector<256x512xf32>
    %add3A_274 = arith.addf %dot_general3A_263, %add3A_273 : vector<256x512xf32>
    %exp3A_275 = math.exp %add3A_274 : vector<256x512xf32>
    %reduce_sum3A_276 = arith.constant dense<0.000000e+00> : vector<256xf32>
    %reduce_sum3A_277 = vector.multi_reduction <add>, %exp3A_275, %reduce_sum3A_276 [1] : vector<256x512xf32> to vector<256xf32>
    %broadcast_in_dim3A_278 = vector.shape_cast %reduce_sum3A_277 : vector<256xf32> to vector<256x1xf32>
    %add3A_279 = arith.addf %broadcast_in_dim3A_256, %broadcast_in_dim3A_278 : vector<256x1xf32>
    %convert_element_type3A_280 = arith.truncf %exp3A_275 : vector<256x512xf32> to vector<256x512xbf16>
    %swap3A_281 = arith.constant 0 : index
    %swap3A_282 = arith.constant 512 : index
    %swap3A_283 = vector.load %arg7[%swap3A_281, %swap3A_282] : memref<256x2048xbf16, #tpu.memory_space<vmem>>, vector<256x512xbf16>
    tpu.vector_store %arg7[%swap3A_281, %swap3A_282], %convert_element_type3A_280 {strides = array<i32>} : memref<256x2048xbf16, #tpu.memory_space<vmem>>, vector<256x512xbf16>,
    %slice3A_284 = vector.extract_strided_slice %slice3A_204 {offsets = [1024, 0], sizes = [512, 64], strides = [1, 1]} : vector<2048x64xbf16> to vector<512x64xbf16>
    %dot_general3A_285 = arith.constant dense<0.000000e+00> : vector<256x512xf32>
    %dot_general3A_286 = tpu.matmul %get3A_203, %slice3A_284, %dot_general3A_285 {dimension_numbers = #tpu.dot_dimension_numbers<[1], [1], [0], [0], [0, 0, 1, 0], [], []>, transpose_lhs_hint = false} : vector<256x64xbf16>, vector<512x64xbf16>, vector<256x512xf32> -> vector<256x512xf32>
    %add3A_287 = arith.constant 1024 : i32
    %add3A_288 = arith.addi %multiple_of3A, %add3A_287 : i32
    %le3A_289 = arith.constant 1024 : i32
    %le3A_290 = arith.cmpi sle, %add3A_288, %le3A_289 : i32
    %sub3A_291 = arith.subf %slice3A_214, %slice3A_213 : vector<256x1xf32>
    %jit3A_292 = arith.constant 0.000000e+00 : f32
    %broadcast_in_dim3A_293 = vector.broadcast %jit3A_292 : f32 to vector<256x1xf32>
    %select_n3A_294 = arith.select %le3A_290, %sub3A_291, %broadcast_in_dim3A_293 : vector<256x1xf32>
    %sub3A_295 = arith.subf %select_n3A_294, %sub3A_238 : vector<256x1xf32>
    %add3A_296 = vector.broadcast %sub3A_295 : vector<256x1xf32> to vector<256x512xf32>
    %add3A_297 = arith.addf %dot_general3A_286, %add3A_296 : vector<256x512xf32>
    %exp3A_298 = math.exp %add3A_297 : vector<256x512xf32>
    %reduce_sum3A_299 = arith.constant dense<0.000000e+00> : vector<256xf32>
    %reduce_sum3A_300 = vector.multi_reduction <add>, %exp3A_298, %reduce_sum3A_299 [1] : vector<256x512xf32> to vector<256xf32>
    %broadcast_in_dim3A_301 = vector.shape_cast %reduce_sum3A_300 : vector<256xf32> to vector<256x1xf32>
    %add3A_302 = arith.addf %add3A_279, %broadcast_in_dim3A_301 : vector<256x1xf32>
    %convert_element_type3A_303 = arith.truncf %exp3A_298 : vector<256x512xf32> to vector<256x512xbf16>
    %swap3A_304 = arith.constant 0 : index
    %swap3A_305 = arith.constant 1024 : index
    %swap3A_306 = vector.load %arg7[%swap3A_304, %swap3A_305] : memref<256x2048xbf16, #tpu.memory_space<vmem>>, vector<256x512xbf16>
    tpu.vector_store %arg7[%swap3A_304, %swap3A_305], %convert_element_type3A_303 {strides = array<i32>} : memref<256x2048xbf16, #tpu.memory_space<vmem>>, vector<256x512xbf16>,
    %slice3A_307 = vector.extract_strided_slice %slice3A_204 {offsets = [1536, 0], sizes = [512, 64], strides = [1, 1]} : vector<2048x64xbf16> to vector<512x64xbf16>
    %dot_general3A_308 = arith.constant dense<0.000000e+00> : vector<256x512xf32>
    %dot_general3A_309 = tpu.matmul %get3A_203, %slice3A_307, %dot_general3A_308 {dimension_numbers = #tpu.dot_dimension_numbers<[1], [1], [0], [0], [0, 0, 1, 0], [], []>, transpose_lhs_hint = false} : vector<256x64xbf16>, vector<512x64xbf16>, vector<256x512xf32> -> vector<256x512xf32>
    %add3A_310 = arith.constant 1024 : i32
    %add3A_311 = arith.addi %multiple_of3A, %add3A_310 : i32
    %le3A_312 = arith.constant 1536 : i32
    %le3A_313 = arith.cmpi sle, %add3A_311, %le3A_312 : i32
    %sub3A_314 = arith.subf %slice3A_214, %slice3A_213 : vector<256x1xf32>
    %jit3A_315 = arith.constant 0.000000e+00 : f32
    %broadcast_in_dim3A_316 = vector.broadcast %jit3A_315 : f32 to vector<256x1xf32>
    %select_n3A_317 = arith.select %le3A_313, %sub3A_314, %broadcast_in_dim3A_316 : vector<256x1xf32>
    %sub3A_318 = arith.subf %select_n3A_317, %sub3A_238 : vector<256x1xf32>
    %add3A_319 = vector.broadcast %sub3A_318 : vector<256x1xf32> to vector<256x512xf32>
    %add3A_320 = arith.addf %dot_general3A_309, %add3A_319 : vector<256x512xf32>
    %exp3A_321 = math.exp %add3A_320 : vector<256x512xf32>
    %reduce_sum3A_322 = arith.constant dense<0.000000e+00> : vector<256xf32>
    %reduce_sum3A_323 = vector.multi_reduction <add>, %exp3A_321, %reduce_sum3A_322 [1] : vector<256x512xf32> to vector<256xf32>
    %broadcast_in_dim3A_324 = vector.shape_cast %reduce_sum3A_323 : vector<256xf32> to vector<256x1xf32>
    %add3A_325 = arith.addf %add3A_302, %broadcast_in_dim3A_324 : vector<256x1xf32>
    %convert_element_type3A_326 = arith.truncf %exp3A_321 : vector<256x512xf32> to vector<256x512xbf16>
    %swap3A_327 = arith.constant 0 : index
    %swap3A_328 = arith.constant 1536 : index
    %swap3A_329 = vector.load %arg7[%swap3A_327, %swap3A_328] : memref<256x2048xbf16, #tpu.memory_space<vmem>>, vector<256x512xbf16>
    tpu.vector_store %arg7[%swap3A_327, %swap3A_328], %convert_element_type3A_326 {strides = array<i32>} : memref<256x2048xbf16, #tpu.memory_space<vmem>>, vector<256x512xbf16>,
    %get3A_330 = arith.constant 0 : index
    %get3A_331 = arith.constant 0 : index
    %get3A_332 = vector.load %arg8[%get3A_330, %get3A_331] : memref<256x1024xi32, #tpu.memory_space<vmem>>, vector<256x1024xi32>
    %lt3A_333 = arith.constant 0 : i32
    %lt3A_334 = vector.broadcast %lt3A_333 : i32 to vector<256x1024xi32>
    %lt3A_335 = arith.cmpi slt, %get3A_332, %lt3A_334 : vector<256x1024xi32>
    %add3A_336 = arith.constant 128 : i32
    %add3A_337 = vector.broadcast %add3A_336 : i32 to vector<256x1024xi32>
    %add3A_338 = arith.addi %get3A_332, %add3A_337 : vector<256x1024xi32>
    %select_n3A_339 = arith.select %lt3A_335, %add3A_338, %get3A_332 : vector<256x1024xi1>, vector<256x1024xi32>
    %reshape3A_340 = vector.shape_cast %select_n3A_339 : vector<256x1024xi32> to vector<256x1024x1xi32>
    %gather3A_341 = vector.shape_cast %reshape3A_340 : vector<256x1024x1xi32> to vector<256x1024xi32>
    %gather3A_342 = tpu.dynamic_gather %dot_general3A_212[%gather3A_341] in [1] : vector<256x128xf32>, vector<256x1024xi32> -> vector<256x1024xf32>
    %sub3A_343 = vector.broadcast %slice3A_213 : vector<256x1xf32> to vector<256x1024xf32>
    %sub3A_344 = arith.subf %gather3A_342, %sub3A_343 : vector<256x1024xf32>
    %get3A_345 = arith.constant 0 : index
    %get3A_346 = arith.index_cast %multiple_of3A : i32 to index
    %get3A_347 = vector.load %arg7[%get3A_345, %get3A_346] : memref<256x2048xbf16, #tpu.memory_space<vmem>>, vector<256x1024xbf16>
    %convert_element_type3A_348 = arith.extf %get3A_347 : vector<256x1024xbf16> to vector<256x1024xf32>
    %exp3A_349 = math.exp %sub3A_344 : vector<256x1024xf32>
    %mul3A_350 = arith.mulf %convert_element_type3A_348, %exp3A_349 : vector<256x1024xf32>
    %sub3A_351 = arith.subf %mul3A_350, %convert_element_type3A_348 : vector<256x1024xf32>
    %reduce_sum3A_352 = arith.constant dense<0.000000e+00> : vector<256xf32>
    %reduce_sum3A_353 = vector.multi_reduction <add>, %sub3A_351, %reduce_sum3A_352 [1] : vector<256x1024xf32> to vector<256xf32>
    %broadcast_in_dim3A_354 = vector.shape_cast %reduce_sum3A_353 : vector<256xf32> to vector<256x1xf32>
    %add3A_355 = arith.addf %add3A_325, %broadcast_in_dim3A_354 : vector<256x1xf32>
    %convert_element_type3A_356 = arith.truncf %mul3A_350 : vector<256x1024xf32> to vector<256x1024xbf16>
    %swap3A_357 = arith.constant 0 : index
    %swap3A_358 = arith.index_cast %multiple_of3A : i32 to index
    %swap3A_359 = vector.load %arg7[%swap3A_357, %swap3A_358] : memref<256x2048xbf16, #tpu.memory_space<vmem>>, vector<256x1024xbf16>
    tpu.vector_store %arg7[%swap3A_357, %swap3A_358], %convert_element_type3A_356 {strides = array<i32>} : memref<256x2048xbf16, #tpu.memory_space<vmem>>, vector<256x1024xbf16>,
    %get3A_360 = arith.constant 0 : index
    %get3A_361 = arith.constant 0 : index
    %get3A_362 = vector.load %arg7[%get3A_360, %get3A_361] : memref<256x2048xbf16, #tpu.memory_space<vmem>>, vector<256x2048xbf16>
    %dot_general3A_363 = arith.constant dense<0.000000e+00> : vector<256x64xf32>
    %dot_general3A_364 = tpu.matmul %get3A_362, %slice3A_205, %dot_general3A_363 {dimension_numbers = #tpu.dot_dimension_numbers<[1], [0], [0], [1], [0, 0, 1, 1], [], []>, transpose_lhs_hint = false} : vector<256x2048xbf16>, vector<2048x64xbf16>, vector<256x64xf32> -> vector<256x64xf32>
    %div3A_365 = vector.broadcast %add3A_355 : vector<256x1xf32> to vector<256x64xf32>
    %div3A_366 = arith.divf %dot_general3A_364, %div3A_365 : vector<256x64xf32>
    %swap3A_367 = arith.constant 0 : index
    %swap3A_368 = arith.constant 64 : index
    %swap3A_369 = vector.load %arg6[%swap3A_367, %swap3A_368] : memref<256x256xf32, #tpu.memory_space<vmem>>, vector<256x64xf32>
    tpu.vector_store %arg6[%swap3A_367, %swap3A_368], %div3A_366 {strides = array<i32>} : memref<256x256xf32, #tpu.memory_space<vmem>>, vector<256x64xf32>,
    %get3A_370 = arith.constant 0 : index
    %get3A_371 = arith.constant 128 : index
    %get3A_372 = vector.load %arg2[%get3A_370, %get3A_371] : memref<256x256xbf16, #tpu.memory_space<vmem>>, vector<256x64xbf16>
    %slice3A_373 = vector.extract_strided_slice %get3A_40 {offsets = [0, 128], sizes = [2048, 64], strides = [1, 1]} : vector<2048x256xbf16> to vector<2048x64xbf16>
    %slice3A_374 = vector.extract_strided_slice %get3A_43 {offsets = [0, 128], sizes = [2048, 64], strides = [1, 1]} : vector<2048x256xbf16> to vector<2048x64xbf16>
    %get3A_375 = arith.constant 2 : index
    %get3A_376 = arith.constant 0 : index
    %get3A_377 = arith.constant 0 : index
    %get3A_378 = vector.load %arg5[%get3A_375, %get3A_376, %get3A_377] : memref<4x64x128xbf16, #tpu.memory_space<vmem>>, vector<1x64x128xbf16>
    %get3A_379 = vector.shape_cast %get3A_378 : vector<1x64x128xbf16> to vector<64x128xbf16>
    %dot_general3A_380 = arith.constant dense<0.000000e+00> : vector<256x128xf32>
    %dot_general3A_381 = tpu.matmul %get3A_372, %get3A_379, %dot_general3A_380 {dimension_numbers = #tpu.dot_dimension_numbers<[1], [0], [0], [1], [0, 0, 1, 1], [], []>, transpose_lhs_hint = false} : vector<256x64xbf16>, vector<64x128xbf16>, vector<256x128xf32> -> vector<256x128xf32>
    %slice3A_382 = vector.extract_strided_slice %dot_general3A_381 {offsets = [0, 1], sizes = [256, 1], strides = [1, 1]} : vector<256x128xf32> to vector<256x1xf32>
    %slice3A_383 = vector.extract_strided_slice %dot_general3A_381 {offsets = [0, 127], sizes = [256, 1], strides = [1, 1]} : vector<256x128xf32> to vector<256x1xf32>
    %slice3A_384 = vector.extract_strided_slice %dot_general3A_381 {offsets = [0, 1], sizes = [256, 127], strides = [1, 1]} : vector<256x128xf32> to vector<256x127xf32>
    %reduce_max3A_385 = arith.constant dense<0xFF800000> : vector<256xf32>
    %reduce_max3A_386 = vector.multi_reduction <maximumf>, %slice3A_384, %reduce_max3A_385 [1] : vector<256x127xf32> to vector<256xf32>
    %broadcast_in_dim3A_387 = vector.shape_cast %reduce_max3A_386 : vector<256xf32> to vector<256x1xf32>
    %convert_element_type3A_388 = arith.extf %get3A_372 : vector<256x64xbf16> to vector<256x64xf32>
    %mul3A_389 = arith.mulf %convert_element_type3A_388, %convert_element_type3A_388 : vector<256x64xf32>
    %reduce_sum3A_390 = arith.constant dense<0.000000e+00> : vector<256xf32>
    %reduce_sum3A_391 = vector.multi_reduction <add>, %mul3A_389, %reduce_sum3A_390 [1] : vector<256x64xf32> to vector<256xf32>
    %broadcast_in_dim3A_392 = vector.shape_cast %reduce_sum3A_391 : vector<256xf32> to vector<256x1xf32>
    %convert_element_type3A_393 = arith.extf %slice3A_373 : vector<2048x64xbf16> to vector<2048x64xf32>
    %mul3A_394 = arith.mulf %convert_element_type3A_393, %convert_element_type3A_393 : vector<2048x64xf32>
    %reduce_sum3A_395 = arith.constant dense<0.000000e+00> : vector<2048xf32>
    %reduce_sum3A_396 = vector.multi_reduction <add>, %mul3A_394, %reduce_sum3A_395 [1] : vector<2048x64xf32> to vector<2048xf32>
    %broadcast_in_dim3A_397 = vector.shape_cast %reduce_sum3A_396 : vector<2048xf32> to vector<2048x1xf32>
    %reduce_max3A_398 = vector.shape_cast %broadcast_in_dim3A_397 : vector<2048x1xf32> to vector<1x2048x1xf32>
    %reduce_max3A_399 = arith.constant dense<0xFF800000> : vector<1xf32>
    %reduce_max3A_400 = vector.multi_reduction <maximumf>, %reduce_max3A_398, %reduce_max3A_399 [1, 2] : vector<1x2048x1xf32> to vector<1xf32>
    %reduce_max3A_401 = vector.shape_cast %reduce_max3A_400 : vector<1xf32> to vector<1x1x1xf32>
    %reduce_max3A_402 = vector.extract %reduce_max3A_401[0, 0, 0] : f32 from vector<1x1x1xf32>
    %mul3A_403 = vector.broadcast %reduce_max3A_402 : f32 to vector<256x1xf32>
    %mul3A_404 = arith.mulf %broadcast_in_dim3A_392, %mul3A_403 : vector<256x1xf32>
    %sqrt3A_405 = math.sqrt %mul3A_404 : vector<256x1xf32>
    %add3A_406 = arith.addf %sqrt3A_405, %broadcast_in_dim3A_387 : vector<256x1xf32>
    %sub3A_407 = arith.subf %add3A_406, %slice3A_382 : vector<256x1xf32>
    %slice3A_408 = vector.extract_strided_slice %slice3A_373 {offsets = [0, 0], sizes = [512, 64], strides = [1, 1]} : vector<2048x64xbf16> to vector<512x64xbf16>
    %dot_general3A_409 = arith.constant dense<0.000000e+00> : vector<256x512xf32>
    %dot_general3A_410 = tpu.matmul %get3A_372, %slice3A_408, %dot_general3A_409 {dimension_numbers = #tpu.dot_dimension_numbers<[1], [1], [0], [0], [0, 0, 1, 0], [], []>, transpose_lhs_hint = false} : vector<256x64xbf16>, vector<512x64xbf16>, vector<256x512xf32> -> vector<256x512xf32>
    %add3A_411 = arith.constant 1024 : i32
    %add3A_412 = arith.addi %multiple_of3A, %add3A_411 : i32
    %le3A_413 = arith.constant 0 : i32
    %le3A_414 = arith.cmpi sle, %add3A_412, %le3A_413 : i32
    %sub3A_415 = arith.subf %slice3A_383, %slice3A_382 : vector<256x1xf32>
    %jit3A_416 = arith.constant 0.000000e+00 : f32
    %broadcast_in_dim3A_417 = vector.broadcast %jit3A_416 : f32 to vector<256x1xf32>
    %select_n3A_418 = arith.select %le3A_414, %sub3A_415, %broadcast_in_dim3A_417 : vector<256x1xf32>
    %sub3A_419 = arith.subf %select_n3A_418, %sub3A_407 : vector<256x1xf32>
    %add3A_420 = vector.broadcast %sub3A_419 : vector<256x1xf32> to vector<256x512xf32>
    %add3A_421 = arith.addf %dot_general3A_410, %add3A_420 : vector<256x512xf32>
    %exp3A_422 = math.exp %add3A_421 : vector<256x512xf32>
    %reduce_sum3A_423 = arith.constant dense<0.000000e+00> : vector<256xf32>
    %reduce_sum3A_424 = vector.multi_reduction <add>, %exp3A_422, %reduce_sum3A_423 [1] : vector<256x512xf32> to vector<256xf32>
    %broadcast_in_dim3A_425 = vector.shape_cast %reduce_sum3A_424 : vector<256xf32> to vector<256x1xf32>
    %convert_element_type3A_426 = arith.truncf %exp3A_422 : vector<256x512xf32> to vector<256x512xbf16>
    %swap3A_427 = arith.constant 0 : index
    %swap3A_428 = arith.constant 0 : index
    %swap3A_429 = vector.load %arg7[%swap3A_427, %swap3A_428] : memref<256x2048xbf16, #tpu.memory_space<vmem>>, vector<256x512xbf16>
    tpu.vector_store %arg7[%swap3A_427, %swap3A_428], %convert_element_type3A_426 {strides = array<i32>} : memref<256x2048xbf16, #tpu.memory_space<vmem>>, vector<256x512xbf16>,
    %slice3A_430 = vector.extract_strided_slice %slice3A_373 {offsets = [512, 0], sizes = [512, 64], strides = [1, 1]} : vector<2048x64xbf16> to vector<512x64xbf16>
    %dot_general3A_431 = arith.constant dense<0.000000e+00> : vector<256x512xf32>
    %dot_general3A_432 = tpu.matmul %get3A_372, %slice3A_430, %dot_general3A_431 {dimension_numbers = #tpu.dot_dimension_numbers<[1], [1], [0], [0], [0, 0, 1, 0], [], []>, transpose_lhs_hint = false} : vector<256x64xbf16>, vector<512x64xbf16>, vector<256x512xf32> -> vector<256x512xf32>
    %add3A_433 = arith.constant 1024 : i32
    %add3A_434 = arith.addi %multiple_of3A, %add3A_433 : i32
    %le3A_435 = arith.constant 512 : i32
    %le3A_436 = arith.cmpi sle, %add3A_434, %le3A_435 : i32
    %sub3A_437 = arith.subf %slice3A_383, %slice3A_382 : vector<256x1xf32>
    %jit3A_438 = arith.constant 0.000000e+00 : f32
    %broadcast_in_dim3A_439 = vector.broadcast %jit3A_438 : f32 to vector<256x1xf32>
    %select_n3A_440 = arith.select %le3A_436, %sub3A_437, %broadcast_in_dim3A_439 : vector<256x1xf32>
    %sub3A_441 = arith.subf %select_n3A_440, %sub3A_407 : vector<256x1xf32>
    %add3A_442 = vector.broadcast %sub3A_441 : vector<256x1xf32> to vector<256x512xf32>
    %add3A_443 = arith.addf %dot_general3A_432, %add3A_442 : vector<256x512xf32>
    %exp3A_444 = math.exp %add3A_443 : vector<256x512xf32>
    %reduce_sum3A_445 = arith.constant dense<0.000000e+00> : vector<256xf32>
    %reduce_sum3A_446 = vector.multi_reduction <add>, %exp3A_444, %reduce_sum3A_445 [1] : vector<256x512xf32> to vector<256xf32>
    %broadcast_in_dim3A_447 = vector.shape_cast %reduce_sum3A_446 : vector<256xf32> to vector<256x1xf32>
    %add3A_448 = arith.addf %broadcast_in_dim3A_425, %broadcast_in_dim3A_447 : vector<256x1xf32>
    %convert_element_type3A_449 = arith.truncf %exp3A_444 : vector<256x512xf32> to vector<256x512xbf16>
    %swap3A_450 = arith.constant 0 : index
    %swap3A_451 = arith.constant 512 : index
    %swap3A_452 = vector.load %arg7[%swap3A_450, %swap3A_451] : memref<256x2048xbf16, #tpu.memory_space<vmem>>, vector<256x512xbf16>
    tpu.vector_store %arg7[%swap3A_450, %swap3A_451], %convert_element_type3A_449 {strides = array<i32>} : memref<256x2048xbf16, #tpu.memory_space<vmem>>, vector<256x512xbf16>,
    %slice3A_453 = vector.extract_strided_slice %slice3A_373 {offsets = [1024, 0], sizes = [512, 64], strides = [1, 1]} : vector<2048x64xbf16> to vector<512x64xbf16>
    %dot_general3A_454 = arith.constant dense<0.000000e+00> : vector<256x512xf32>
    %dot_general3A_455 = tpu.matmul %get3A_372, %slice3A_453, %dot_general3A_454 {dimension_numbers = #tpu.dot_dimension_numbers<[1], [1], [0], [0], [0, 0, 1, 0], [], []>, transpose_lhs_hint = false} : vector<256x64xbf16>, vector<512x64xbf16>, vector<256x512xf32> -> vector<256x512xf32>
    %add3A_456 = arith.constant 1024 : i32
    %add3A_457 = arith.addi %multiple_of3A, %add3A_456 : i32
    %le3A_458 = arith.constant 1024 : i32
    %le3A_459 = arith.cmpi sle, %add3A_457, %le3A_458 : i32
    %sub3A_460 = arith.subf %slice3A_383, %slice3A_382 : vector<256x1xf32>
    %jit3A_461 = arith.constant 0.000000e+00 : f32
    %broadcast_in_dim3A_462 = vector.broadcast %jit3A_461 : f32 to vector<256x1xf32>
    %select_n3A_463 = arith.select %le3A_459, %sub3A_460, %broadcast_in_dim3A_462 : vector<256x1xf32>
    %sub3A_464 = arith.subf %select_n3A_463, %sub3A_407 : vector<256x1xf32>
    %add3A_465 = vector.broadcast %sub3A_464 : vector<256x1xf32> to vector<256x512xf32>
    %add3A_466 = arith.addf %dot_general3A_455, %add3A_465 : vector<256x512xf32>
    %exp3A_467 = math.exp %add3A_466 : vector<256x512xf32>
    %reduce_sum3A_468 = arith.constant dense<0.000000e+00> : vector<256xf32>
    %reduce_sum3A_469 = vector.multi_reduction <add>, %exp3A_467, %reduce_sum3A_468 [1] : vector<256x512xf32> to vector<256xf32>
    %broadcast_in_dim3A_470 = vector.shape_cast %reduce_sum3A_469 : vector<256xf32> to vector<256x1xf32>
    %add3A_471 = arith.addf %add3A_448, %broadcast_in_dim3A_470 : vector<256x1xf32>
    %convert_element_type3A_472 = arith.truncf %exp3A_467 : vector<256x512xf32> to vector<256x512xbf16>
    %swap3A_473 = arith.constant 0 : index
    %swap3A_474 = arith.constant 1024 : index
    %swap3A_475 = vector.load %arg7[%swap3A_473, %swap3A_474] : memref<256x2048xbf16, #tpu.memory_space<vmem>>, vector<256x512xbf16>
    tpu.vector_store %arg7[%swap3A_473, %swap3A_474], %convert_element_type3A_472 {strides = array<i32>} : memref<256x2048xbf16, #tpu.memory_space<vmem>>, vector<256x512xbf16>,
    %slice3A_476 = vector.extract_strided_slice %slice3A_373 {offsets = [1536, 0], sizes = [512, 64], strides = [1, 1]} : vector<2048x64xbf16> to vector<512x64xbf16>
    %dot_general3A_477 = arith.constant dense<0.000000e+00> : vector<256x512xf32>
    %dot_general3A_478 = tpu.matmul %get3A_372, %slice3A_476, %dot_general3A_477 {dimension_numbers = #tpu.dot_dimension_numbers<[1], [1], [0], [0], [0, 0, 1, 0], [], []>, transpose_lhs_hint = false} : vector<256x64xbf16>, vector<512x64xbf16>, vector<256x512xf32> -> vector<256x512xf32>
    %add3A_479 = arith.constant 1024 : i32
    %add3A_480 = arith.addi %multiple_of3A, %add3A_479 : i32
    %le3A_481 = arith.constant 1536 : i32
    %le3A_482 = arith.cmpi sle, %add3A_480, %le3A_481 : i32
    %sub3A_483 = arith.subf %slice3A_383, %slice3A_382 : vector<256x1xf32>
    %jit3A_484 = arith.constant 0.000000e+00 : f32
    %broadcast_in_dim3A_485 = vector.broadcast %jit3A_484 : f32 to vector<256x1xf32>
    %select_n3A_486 = arith.select %le3A_482, %sub3A_483, %broadcast_in_dim3A_485 : vector<256x1xf32>
    %sub3A_487 = arith.subf %select_n3A_486, %sub3A_407 : vector<256x1xf32>
    %add3A_488 = vector.broadcast %sub3A_487 : vector<256x1xf32> to vector<256x512xf32>
    %add3A_489 = arith.addf %dot_general3A_478, %add3A_488 : vector<256x512xf32>
    %exp3A_490 = math.exp %add3A_489 : vector<256x512xf32>
    %reduce_sum3A_491 = arith.constant dense<0.000000e+00> : vector<256xf32>
    %reduce_sum3A_492 = vector.multi_reduction <add>, %exp3A_490, %reduce_sum3A_491 [1] : vector<256x512xf32> to vector<256xf32>
    %broadcast_in_dim3A_493 = vector.shape_cast %reduce_sum3A_492 : vector<256xf32> to vector<256x1xf32>
    %add3A_494 = arith.addf %add3A_471, %broadcast_in_dim3A_493 : vector<256x1xf32>
    %convert_element_type3A_495 = arith.truncf %exp3A_490 : vector<256x512xf32> to vector<256x512xbf16>
    %swap3A_496 = arith.constant 0 : index
    %swap3A_497 = arith.constant 1536 : index
    %swap3A_498 = vector.load %arg7[%swap3A_496, %swap3A_497] : memref<256x2048xbf16, #tpu.memory_space<vmem>>, vector<256x512xbf16>
    tpu.vector_store %arg7[%swap3A_496, %swap3A_497], %convert_element_type3A_495 {strides = array<i32>} : memref<256x2048xbf16, #tpu.memory_space<vmem>>, vector<256x512xbf16>,
    %get3A_499 = arith.constant 0 : index
    %get3A_500 = arith.constant 0 : index
    %get3A_501 = vector.load %arg8[%get3A_499, %get3A_500] : memref<256x1024xi32, #tpu.memory_space<vmem>>, vector<256x1024xi32>
    %lt3A_502 = arith.constant 0 : i32
    %lt3A_503 = vector.broadcast %lt3A_502 : i32 to vector<256x1024xi32>
    %lt3A_504 = arith.cmpi slt, %get3A_501, %lt3A_503 : vector<256x1024xi32>
    %add3A_505 = arith.constant 128 : i32
    %add3A_506 = vector.broadcast %add3A_505 : i32 to vector<256x1024xi32>
    %add3A_507 = arith.addi %get3A_501, %add3A_506 : vector<256x1024xi32>
    %select_n3A_508 = arith.select %lt3A_504, %add3A_507, %get3A_501 : vector<256x1024xi1>, vector<256x1024xi32>
    %reshape3A_509 = vector.shape_cast %select_n3A_508 : vector<256x1024xi32> to vector<256x1024x1xi32>
    %gather3A_510 = vector.shape_cast %reshape3A_509 : vector<256x1024x1xi32> to vector<256x1024xi32>
    %gather3A_511 = tpu.dynamic_gather %dot_general3A_381[%gather3A_510] in [1] : vector<256x128xf32>, vector<256x1024xi32> -> vector<256x1024xf32>
    %sub3A_512 = vector.broadcast %slice3A_382 : vector<256x1xf32> to vector<256x1024xf32>
    %sub3A_513 = arith.subf %gather3A_511, %sub3A_512 : vector<256x1024xf32>
    %get3A_514 = arith.constant 0 : index
    %get3A_515 = arith.index_cast %multiple_of3A : i32 to index
    %get3A_516 = vector.load %arg7[%get3A_514, %get3A_515] : memref<256x2048xbf16, #tpu.memory_space<vmem>>, vector<256x1024xbf16>
    %convert_element_type3A_517 = arith.extf %get3A_516 : vector<256x1024xbf16> to vector<256x1024xf32>
    %exp3A_518 = math.exp %sub3A_513 : vector<256x1024xf32>
    %mul3A_519 = arith.mulf %convert_element_type3A_517, %exp3A_518 : vector<256x1024xf32>
    %sub3A_520 = arith.subf %mul3A_519, %convert_element_type3A_517 : vector<256x1024xf32>
    %reduce_sum3A_521 = arith.constant dense<0.000000e+00> : vector<256xf32>
    %reduce_sum3A_522 = vector.multi_reduction <add>, %sub3A_520, %reduce_sum3A_521 [1] : vector<256x1024xf32> to vector<256xf32>
    %broadcast_in_dim3A_523 = vector.shape_cast %reduce_sum3A_522 : vector<256xf32> to vector<256x1xf32>
    %add3A_524 = arith.addf %add3A_494, %broadcast_in_dim3A_523 : vector<256x1xf32>
    %convert_element_type3A_525 = arith.truncf %mul3A_519 : vector<256x1024xf32> to vector<256x1024xbf16>
    %swap3A_526 = arith.constant 0 : index
    %swap3A_527 = arith.index_cast %multiple_of3A : i32 to index
    %swap3A_528 = vector.load %arg7[%swap3A_526, %swap3A_527] : memref<256x2048xbf16, #tpu.memory_space<vmem>>, vector<256x1024xbf16>
    tpu.vector_store %arg7[%swap3A_526, %swap3A_527], %convert_element_type3A_525 {strides = array<i32>} : memref<256x2048xbf16, #tpu.memory_space<vmem>>, vector<256x1024xbf16>,
    %get3A_529 = arith.constant 0 : index
    %get3A_530 = arith.constant 0 : index
    %get3A_531 = vector.load %arg7[%get3A_529, %get3A_530] : memref<256x2048xbf16, #tpu.memory_space<vmem>>, vector<256x2048xbf16>
    %dot_general3A_532 = arith.constant dense<0.000000e+00> : vector<256x64xf32>
    %dot_general3A_533 = tpu.matmul %get3A_531, %slice3A_374, %dot_general3A_532 {dimension_numbers = #tpu.dot_dimension_numbers<[1], [0], [0], [1], [0, 0, 1, 1], [], []>, transpose_lhs_hint = false} : vector<256x2048xbf16>, vector<2048x64xbf16>, vector<256x64xf32> -> vector<256x64xf32>
    %div3A_534 = vector.broadcast %add3A_524 : vector<256x1xf32> to vector<256x64xf32>
    %div3A_535 = arith.divf %dot_general3A_533, %div3A_534 : vector<256x64xf32>
    %swap3A_536 = arith.constant 0 : index
    %swap3A_537 = arith.constant 128 : index
    %swap3A_538 = vector.load %arg6[%swap3A_536, %swap3A_537] : memref<256x256xf32, #tpu.memory_space<vmem>>, vector<256x64xf32>
    tpu.vector_store %arg6[%swap3A_536, %swap3A_537], %div3A_535 {strides = array<i32>} : memref<256x256xf32, #tpu.memory_space<vmem>>, vector<256x64xf32>,
    %get3A_539 = arith.constant 0 : index
    %get3A_540 = arith.constant 192 : index
    %get3A_541 = vector.load %arg2[%get3A_539, %get3A_540] : memref<256x256xbf16, #tpu.memory_space<vmem>>, vector<256x64xbf16>
    %slice3A_542 = vector.extract_strided_slice %get3A_40 {offsets = [0, 192], sizes = [2048, 64], strides = [1, 1]} : vector<2048x256xbf16> to vector<2048x64xbf16>
    %slice3A_543 = vector.extract_strided_slice %get3A_43 {offsets = [0, 192], sizes = [2048, 64], strides = [1, 1]} : vector<2048x256xbf16> to vector<2048x64xbf16>
    %get3A_544 = arith.constant 3 : index
    %get3A_545 = arith.constant 0 : index
    %get3A_546 = arith.constant 0 : index
    %get3A_547 = vector.load %arg5[%get3A_544, %get3A_545, %get3A_546] : memref<4x64x128xbf16, #tpu.memory_space<vmem>>, vector<1x64x128xbf16>
    %get3A_548 = vector.shape_cast %get3A_547 : vector<1x64x128xbf16> to vector<64x128xbf16>
    %dot_general3A_549 = arith.constant dense<0.000000e+00> : vector<256x128xf32>
    %dot_general3A_550 = tpu.matmul %get3A_541, %get3A_548, %dot_general3A_549 {dimension_numbers = #tpu.dot_dimension_numbers<[1], [0], [0], [1], [0, 0, 1, 1], [], []>, transpose_lhs_hint = false} : vector<256x64xbf16>, vector<64x128xbf16>, vector<256x128xf32> -> vector<256x128xf32>
    %slice3A_551 = vector.extract_strided_slice %dot_general3A_550 {offsets = [0, 1], sizes = [256, 1], strides = [1, 1]} : vector<256x128xf32> to vector<256x1xf32>
    %slice3A_552 = vector.extract_strided_slice %dot_general3A_550 {offsets = [0, 127], sizes = [256, 1], strides = [1, 1]} : vector<256x128xf32> to vector<256x1xf32>
    %slice3A_553 = vector.extract_strided_slice %dot_general3A_550 {offsets = [0, 1], sizes = [256, 127], strides = [1, 1]} : vector<256x128xf32> to vector<256x127xf32>
    %reduce_max3A_554 = arith.constant dense<0xFF800000> : vector<256xf32>
    %reduce_max3A_555 = vector.multi_reduction <maximumf>, %slice3A_553, %reduce_max3A_554 [1] : vector<256x127xf32> to vector<256xf32>
    %broadcast_in_dim3A_556 = vector.shape_cast %reduce_max3A_555 : vector<256xf32> to vector<256x1xf32>
    %convert_element_type3A_557 = arith.extf %get3A_541 : vector<256x64xbf16> to vector<256x64xf32>
    %mul3A_558 = arith.mulf %convert_element_type3A_557, %convert_element_type3A_557 : vector<256x64xf32>
    %reduce_sum3A_559 = arith.constant dense<0.000000e+00> : vector<256xf32>
    %reduce_sum3A_560 = vector.multi_reduction <add>, %mul3A_558, %reduce_sum3A_559 [1] : vector<256x64xf32> to vector<256xf32>
    %broadcast_in_dim3A_561 = vector.shape_cast %reduce_sum3A_560 : vector<256xf32> to vector<256x1xf32>
    %convert_element_type3A_562 = arith.extf %slice3A_542 : vector<2048x64xbf16> to vector<2048x64xf32>
    %mul3A_563 = arith.mulf %convert_element_type3A_562, %convert_element_type3A_562 : vector<2048x64xf32>
    %reduce_sum3A_564 = arith.constant dense<0.000000e+00> : vector<2048xf32>
    %reduce_sum3A_565 = vector.multi_reduction <add>, %mul3A_563, %reduce_sum3A_564 [1] : vector<2048x64xf32> to vector<2048xf32>
    %broadcast_in_dim3A_566 = vector.shape_cast %reduce_sum3A_565 : vector<2048xf32> to vector<2048x1xf32>
    %reduce_max3A_567 = vector.shape_cast %broadcast_in_dim3A_566 : vector<2048x1xf32> to vector<1x2048x1xf32>
    %reduce_max3A_568 = arith.constant dense<0xFF800000> : vector<1xf32>
    %reduce_max3A_569 = vector.multi_reduction <maximumf>, %reduce_max3A_567, %reduce_max3A_568 [1, 2] : vector<1x2048x1xf32> to vector<1xf32>
    %reduce_max3A_570 = vector.shape_cast %reduce_max3A_569 : vector<1xf32> to vector<1x1x1xf32>
    %reduce_max3A_571 = vector.extract %reduce_max3A_570[0, 0, 0] : f32 from vector<1x1x1xf32>
    %mul3A_572 = vector.broadcast %reduce_max3A_571 : f32 to vector<256x1xf32>
    %mul3A_573 = arith.mulf %broadcast_in_dim3A_561, %mul3A_572 : vector<256x1xf32>
    %sqrt3A_574 = math.sqrt %mul3A_573 : vector<256x1xf32>
    %add3A_575 = arith.addf %sqrt3A_574, %broadcast_in_dim3A_556 : vector<256x1xf32>
    %sub3A_576 = arith.subf %add3A_575, %slice3A_551 : vector<256x1xf32>
    %slice3A_577 = vector.extract_strided_slice %slice3A_542 {offsets = [0, 0], sizes = [512, 64], strides = [1, 1]} : vector<2048x64xbf16> to vector<512x64xbf16>
    %dot_general3A_578 = arith.constant dense<0.000000e+00> : vector<256x512xf32>
    %dot_general3A_579 = tpu.matmul %get3A_541, %slice3A_577, %dot_general3A_578 {dimension_numbers = #tpu.dot_dimension_numbers<[1], [1], [0], [0], [0, 0, 1, 0], [], []>, transpose_lhs_hint = false} : vector<256x64xbf16>, vector<512x64xbf16>, vector<256x512xf32> -> vector<256x512xf32>
    %add3A_580 = arith.constant 1024 : i32
    %add3A_581 = arith.addi %multiple_of3A, %add3A_580 : i32
    %le3A_582 = arith.constant 0 : i32
    %le3A_583 = arith.cmpi sle, %add3A_581, %le3A_582 : i32
    %sub3A_584 = arith.subf %slice3A_552, %slice3A_551 : vector<256x1xf32>
    %jit3A_585 = arith.constant 0.000000e+00 : f32
    %broadcast_in_dim3A_586 = vector.broadcast %jit3A_585 : f32 to vector<256x1xf32>
    %select_n3A_587 = arith.select %le3A_583, %sub3A_584, %broadcast_in_dim3A_586 : vector<256x1xf32>
    %sub3A_588 = arith.subf %select_n3A_587, %sub3A_576 : vector<256x1xf32>
    %add3A_589 = vector.broadcast %sub3A_588 : vector<256x1xf32> to vector<256x512xf32>
    %add3A_590 = arith.addf %dot_general3A_579, %add3A_589 : vector<256x512xf32>
    %exp3A_591 = math.exp %add3A_590 : vector<256x512xf32>
    %reduce_sum3A_592 = arith.constant dense<0.000000e+00> : vector<256xf32>
    %reduce_sum3A_593 = vector.multi_reduction <add>, %exp3A_591, %reduce_sum3A_592 [1] : vector<256x512xf32> to vector<256xf32>
    %broadcast_in_dim3A_594 = vector.shape_cast %reduce_sum3A_593 : vector<256xf32> to vector<256x1xf32>
    %convert_element_type3A_595 = arith.truncf %exp3A_591 : vector<256x512xf32> to vector<256x512xbf16>
    %swap3A_596 = arith.constant 0 : index
    %swap3A_597 = arith.constant 0 : index
    %swap3A_598 = vector.load %arg7[%swap3A_596, %swap3A_597] : memref<256x2048xbf16, #tpu.memory_space<vmem>>, vector<256x512xbf16>
    tpu.vector_store %arg7[%swap3A_596, %swap3A_597], %convert_element_type3A_595 {strides = array<i32>} : memref<256x2048xbf16, #tpu.memory_space<vmem>>, vector<256x512xbf16>,
    %slice3A_599 = vector.extract_strided_slice %slice3A_542 {offsets = [512, 0], sizes = [512, 64], strides = [1, 1]} : vector<2048x64xbf16> to vector<512x64xbf16>
    %dot_general3A_600 = arith.constant dense<0.000000e+00> : vector<256x512xf32>
    %dot_general3A_601 = tpu.matmul %get3A_541, %slice3A_599, %dot_general3A_600 {dimension_numbers = #tpu.dot_dimension_numbers<[1], [1], [0], [0], [0, 0, 1, 0], [], []>, transpose_lhs_hint = false} : vector<256x64xbf16>, vector<512x64xbf16>, vector<256x512xf32> -> vector<256x512xf32>
    %add3A_602 = arith.constant 1024 : i32
    %add3A_603 = arith.addi %multiple_of3A, %add3A_602 : i32
    %le3A_604 = arith.constant 512 : i32
    %le3A_605 = arith.cmpi sle, %add3A_603, %le3A_604 : i32
    %sub3A_606 = arith.subf %slice3A_552, %slice3A_551 : vector<256x1xf32>
    %jit3A_607 = arith.constant 0.000000e+00 : f32
    %broadcast_in_dim3A_608 = vector.broadcast %jit3A_607 : f32 to vector<256x1xf32>
    %select_n3A_609 = arith.select %le3A_605, %sub3A_606, %broadcast_in_dim3A_608 : vector<256x1xf32>
    %sub3A_610 = arith.subf %select_n3A_609, %sub3A_576 : vector<256x1xf32>
    %add3A_611 = vector.broadcast %sub3A_610 : vector<256x1xf32> to vector<256x512xf32>
    %add3A_612 = arith.addf %dot_general3A_601, %add3A_611 : vector<256x512xf32>
    %exp3A_613 = math.exp %add3A_612 : vector<256x512xf32>
    %reduce_sum3A_614 = arith.constant dense<0.000000e+00> : vector<256xf32>
    %reduce_sum3A_615 = vector.multi_reduction <add>, %exp3A_613, %reduce_sum3A_614 [1] : vector<256x512xf32> to vector<256xf32>
    %broadcast_in_dim3A_616 = vector.shape_cast %reduce_sum3A_615 : vector<256xf32> to vector<256x1xf32>
    %add3A_617 = arith.addf %broadcast_in_dim3A_594, %broadcast_in_dim3A_616 : vector<256x1xf32>
    %convert_element_type3A_618 = arith.truncf %exp3A_613 : vector<256x512xf32> to vector<256x512xbf16>
    %swap3A_619 = arith.constant 0 : index
    %swap3A_620 = arith.constant 512 : index
    %swap3A_621 = vector.load %arg7[%swap3A_619, %swap3A_620] : memref<256x2048xbf16, #tpu.memory_space<vmem>>, vector<256x512xbf16>
    tpu.vector_store %arg7[%swap3A_619, %swap3A_620], %convert_element_type3A_618 {strides = array<i32>} : memref<256x2048xbf16, #tpu.memory_space<vmem>>, vector<256x512xbf16>,
    %slice3A_622 = vector.extract_strided_slice %slice3A_542 {offsets = [1024, 0], sizes = [512, 64], strides = [1, 1]} : vector<2048x64xbf16> to vector<512x64xbf16>
    %dot_general3A_623 = arith.constant dense<0.000000e+00> : vector<256x512xf32>
    %dot_general3A_624 = tpu.matmul %get3A_541, %slice3A_622, %dot_general3A_623 {dimension_numbers = #tpu.dot_dimension_numbers<[1], [1], [0], [0], [0, 0, 1, 0], [], []>, transpose_lhs_hint = false} : vector<256x64xbf16>, vector<512x64xbf16>, vector<256x512xf32> -> vector<256x512xf32>
    %add3A_625 = arith.constant 1024 : i32
    %add3A_626 = arith.addi %multiple_of3A, %add3A_625 : i32
    %le3A_627 = arith.constant 1024 : i32
    %le3A_628 = arith.cmpi sle, %add3A_626, %le3A_627 : i32
    %sub3A_629 = arith.subf %slice3A_552, %slice3A_551 : vector<256x1xf32>
    %jit3A_630 = arith.constant 0.000000e+00 : f32
    %broadcast_in_dim3A_631 = vector.broadcast %jit3A_630 : f32 to vector<256x1xf32>
    %select_n3A_632 = arith.select %le3A_628, %sub3A_629, %broadcast_in_dim3A_631 : vector<256x1xf32>
    %sub3A_633 = arith.subf %select_n3A_632, %sub3A_576 : vector<256x1xf32>
    %add3A_634 = vector.broadcast %sub3A_633 : vector<256x1xf32> to vector<256x512xf32>
    %add3A_635 = arith.addf %dot_general3A_624, %add3A_634 : vector<256x512xf32>
    %exp3A_636 = math.exp %add3A_635 : vector<256x512xf32>
    %reduce_sum3A_637 = arith.constant dense<0.000000e+00> : vector<256xf32>
    %reduce_sum3A_638 = vector.multi_reduction <add>, %exp3A_636, %reduce_sum3A_637 [1] : vector<256x512xf32> to vector<256xf32>
    %broadcast_in_dim3A_639 = vector.shape_cast %reduce_sum3A_638 : vector<256xf32> to vector<256x1xf32>
    %add3A_640 = arith.addf %add3A_617, %broadcast_in_dim3A_639 : vector<256x1xf32>
    %convert_element_type3A_641 = arith.truncf %exp3A_636 : vector<256x512xf32> to vector<256x512xbf16>
    %swap3A_642 = arith.constant 0 : index
    %swap3A_643 = arith.constant 1024 : index
    %swap3A_644 = vector.load %arg7[%swap3A_642, %swap3A_643] : memref<256x2048xbf16, #tpu.memory_space<vmem>>, vector<256x512xbf16>
    tpu.vector_store %arg7[%swap3A_642, %swap3A_643], %convert_element_type3A_641 {strides = array<i32>} : memref<256x2048xbf16, #tpu.memory_space<vmem>>, vector<256x512xbf16>,
    %slice3A_645 = vector.extract_strided_slice %slice3A_542 {offsets = [1536, 0], sizes = [512, 64], strides = [1, 1]} : vector<2048x64xbf16> to vector<512x64xbf16>
    %dot_general3A_646 = arith.constant dense<0.000000e+00> : vector<256x512xf32>
    %dot_general3A_647 = tpu.matmul %get3A_541, %slice3A_645, %dot_general3A_646 {dimension_numbers = #tpu.dot_dimension_numbers<[1], [1], [0], [0], [0, 0, 1, 0], [], []>, transpose_lhs_hint = false} : vector<256x64xbf16>, vector<512x64xbf16>, vector<256x512xf32> -> vector<256x512xf32>
    %add3A_648 = arith.constant 1024 : i32
    %add3A_649 = arith.addi %multiple_of3A, %add3A_648 : i32
    %le3A_650 = arith.constant 1536 : i32
    %le3A_651 = arith.cmpi sle, %add3A_649, %le3A_650 : i32
    %sub3A_652 = arith.subf %slice3A_552, %slice3A_551 : vector<256x1xf32>
    %jit3A_653 = arith.constant 0.000000e+00 : f32
    %broadcast_in_dim3A_654 = vector.broadcast %jit3A_653 : f32 to vector<256x1xf32>
    %select_n3A_655 = arith.select %le3A_651, %sub3A_652, %broadcast_in_dim3A_654 : vector<256x1xf32>
    %sub3A_656 = arith.subf %select_n3A_655, %sub3A_576 : vector<256x1xf32>
    %add3A_657 = vector.broadcast %sub3A_656 : vector<256x1xf32> to vector<256x512xf32>
    %add3A_658 = arith.addf %dot_general3A_647, %add3A_657 : vector<256x512xf32>
    %exp3A_659 = math.exp %add3A_658 : vector<256x512xf32>
    %reduce_sum3A_660 = arith.constant dense<0.000000e+00> : vector<256xf32>
    %reduce_sum3A_661 = vector.multi_reduction <add>, %exp3A_659, %reduce_sum3A_660 [1] : vector<256x512xf32> to vector<256xf32>
    %broadcast_in_dim3A_662 = vector.shape_cast %reduce_sum3A_661 : vector<256xf32> to vector<256x1xf32>
    %add3A_663 = arith.addf %add3A_640, %broadcast_in_dim3A_662 : vector<256x1xf32>
    %convert_element_type3A_664 = arith.truncf %exp3A_659 : vector<256x512xf32> to vector<256x512xbf16>
    %swap3A_665 = arith.constant 0 : index
    %swap3A_666 = arith.constant 1536 : index
    %swap3A_667 = vector.load %arg7[%swap3A_665, %swap3A_666] : memref<256x2048xbf16, #tpu.memory_space<vmem>>, vector<256x512xbf16>
    tpu.vector_store %arg7[%swap3A_665, %swap3A_666], %convert_element_type3A_664 {strides = array<i32>} : memref<256x2048xbf16, #tpu.memory_space<vmem>>, vector<256x512xbf16>,
    %get3A_668 = arith.constant 0 : index
    %get3A_669 = arith.constant 0 : index
    %get3A_670 = vector.load %arg8[%get3A_668, %get3A_669] : memref<256x1024xi32, #tpu.memory_space<vmem>>, vector<256x1024xi32>
    %lt3A_671 = arith.constant 0 : i32
    %lt3A_672 = vector.broadcast %lt3A_671 : i32 to vector<256x1024xi32>
    %lt3A_673 = arith.cmpi slt, %get3A_670, %lt3A_672 : vector<256x1024xi32>
    %add3A_674 = arith.constant 128 : i32
    %add3A_675 = vector.broadcast %add3A_674 : i32 to vector<256x1024xi32>
    %add3A_676 = arith.addi %get3A_670, %add3A_675 : vector<256x1024xi32>
    %select_n3A_677 = arith.select %lt3A_673, %add3A_676, %get3A_670 : vector<256x1024xi1>, vector<256x1024xi32>
    %reshape3A_678 = vector.shape_cast %select_n3A_677 : vector<256x1024xi32> to vector<256x1024x1xi32>
    %gather3A_679 = vector.shape_cast %reshape3A_678 : vector<256x1024x1xi32> to vector<256x1024xi32>
    %gather3A_680 = tpu.dynamic_gather %dot_general3A_550[%gather3A_679] in [1] : vector<256x128xf32>, vector<256x1024xi32> -> vector<256x1024xf32>
    %sub3A_681 = vector.broadcast %slice3A_551 : vector<256x1xf32> to vector<256x1024xf32>
    %sub3A_682 = arith.subf %gather3A_680, %sub3A_681 : vector<256x1024xf32>
    %get3A_683 = arith.constant 0 : index
    %get3A_684 = arith.index_cast %multiple_of3A : i32 to index
    %get3A_685 = vector.load %arg7[%get3A_683, %get3A_684] : memref<256x2048xbf16, #tpu.memory_space<vmem>>, vector<256x1024xbf16>
    %convert_element_type3A_686 = arith.extf %get3A_685 : vector<256x1024xbf16> to vector<256x1024xf32>
    %exp3A_687 = math.exp %sub3A_682 : vector<256x1024xf32>
    %mul3A_688 = arith.mulf %convert_element_type3A_686, %exp3A_687 : vector<256x1024xf32>
    %sub3A_689 = arith.subf %mul3A_688, %convert_element_type3A_686 : vector<256x1024xf32>
    %reduce_sum3A_690 = arith.constant dense<0.000000e+00> : vector<256xf32>
    %reduce_sum3A_691 = vector.multi_reduction <add>, %sub3A_689, %reduce_sum3A_690 [1] : vector<256x1024xf32> to vector<256xf32>
    %broadcast_in_dim3A_692 = vector.shape_cast %reduce_sum3A_691 : vector<256xf32> to vector<256x1xf32>
    %add3A_693 = arith.addf %add3A_663, %broadcast_in_dim3A_692 : vector<256x1xf32>
    %convert_element_type3A_694 = arith.truncf %mul3A_688 : vector<256x1024xf32> to vector<256x1024xbf16>
    %swap3A_695 = arith.constant 0 : index
    %swap3A_696 = arith.index_cast %multiple_of3A : i32 to index
    %swap3A_697 = vector.load %arg7[%swap3A_695, %swap3A_696] : memref<256x2048xbf16, #tpu.memory_space<vmem>>, vector<256x1024xbf16>
    tpu.vector_store %arg7[%swap3A_695, %swap3A_696], %convert_element_type3A_694 {strides = array<i32>} : memref<256x2048xbf16, #tpu.memory_space<vmem>>, vector<256x1024xbf16>,
    %get3A_698 = arith.constant 0 : index
    %get3A_699 = arith.constant 0 : index
    %get3A_700 = vector.load %arg7[%get3A_698, %get3A_699] : memref<256x2048xbf16, #tpu.memory_space<vmem>>, vector<256x2048xbf16>
    %dot_general3A_701 = arith.constant dense<0.000000e+00> : vector<256x64xf32>
    %dot_general3A_702 = tpu.matmul %get3A_700, %slice3A_543, %dot_general3A_701 {dimension_numbers = #tpu.dot_dimension_numbers<[1], [0], [0], [1], [0, 0, 1, 1], [], []>, transpose_lhs_hint = false} : vector<256x2048xbf16>, vector<2048x64xbf16>, vector<256x64xf32> -> vector<256x64xf32>
    %div3A_703 = vector.broadcast %add3A_693 : vector<256x1xf32> to vector<256x64xf32>
    %div3A_704 = arith.divf %dot_general3A_702, %div3A_703 : vector<256x64xf32>
    %swap3A_705 = arith.constant 0 : index
    %swap3A_706 = arith.constant 192 : index
    %swap3A_707 = vector.load %arg6[%swap3A_705, %swap3A_706] : memref<256x256xf32, #tpu.memory_space<vmem>>, vector<256x64xf32>
    tpu.vector_store %arg6[%swap3A_705, %swap3A_706], %div3A_704 {strides = array<i32>} : memref<256x256xf32, #tpu.memory_space<vmem>>, vector<256x64xf32>,
    return
  }
  func.func @transform_0(%arg0: i32, %arg1: i32) -> (i32, i32) {
    %c0_i32 = arith.constant 0 : i32
    return %arg1, %arg0 : i32, i32
  }
  func.func @transform_1(%arg0: i32, %arg1: i32) -> (i32, i32) {
    %c0_i32 = arith.constant 0 : i32
    %c0_i32_0 = arith.constant 0 : i32
    %c0_i32_1 = arith.constant 0 : i32
    return %c0_i32, %c0_i32_0 : i32, i32
  }
  func.func @transform_2(%arg0: i32, %arg1: i32) -> (i32, i32) {
    %c0_i32 = arith.constant 0 : i32
    %c0_i32_0 = arith.constant 0 : i32
    %c0_i32_1 = arith.constant 0 : i32
    return %c0_i32, %c0_i32_0 : i32, i32
  }
  func.func @transform_3(%arg0: i32, %arg1: i32) -> (i32, i32, i32) {
    %c0_i32 = arith.constant 0 : i32
    %c0_i32_0 = arith.constant 0 : i32
    %c0_i32_1 = arith.constant 0 : i32
    %c0_i32_2 = arith.constant 0 : i32
    return %c0_i32, %c0_i32_0, %c0_i32_1 : i32, i32, i32
  }
  func.func @transform_4(%arg0: i32, %arg1: i32) -> (i32, i32) {
    %c0_i32 = arith.constant 0 : i32
    return %arg1, %arg0 : i32, i32
  }
}

module attributes {stable_mosaic.version = 14 : i64} {
  func.func @_oproj_kernel(%arg0: i32, %arg1: i32, %arg2: memref<512x512xf32, #tpu.memory_space<vmem>>, %arg3: memref<512x2xi32, #tpu.memory_space<vmem>>, %arg4: memref<512x2xf32, #tpu.memory_space<vmem>>, %arg5: memref<1x256x1024xf32, #tpu.memory_space<vmem>>, %arg6: memref<512x1024xf32, #tpu.memory_space<vmem>>) attributes {dimension_semantics = [#tpu.dimension_semantics<arbitrary>, #tpu.dimension_semantics<arbitrary>], iteration_bounds = array<i64: 4, 16>, scalar_prefetch = 0 : i64, scratch_operands = 0 : i64, tpu.core_type = #tpu.core_type<tc>, window_params = [{transform_indices = @transform_0, window_bounds = array<i64: 512, 512>}, {transform_indices = @transform_1, window_bounds = array<i64: 512, 2>}, {transform_indices = @transform_2, window_bounds = array<i64: 512, 2>}, {transform_indices = @transform_3, window_bounds = array<i64: 1, 256, 1024>}, {transform_indices = @transform_4, window_bounds = array<i64: 512, 1024>}]} {
    %eq3A = arith.constant 0 : i32
    %eq3A_0 = arith.cmpi eq, %arg1, %eq3A : i32
    %convert_element_type3A = arith.extui %eq3A_0 : i1 to i32
    %cond3A = arith.constant 0 : i32
    %cond3A_1 = arith.cmpi ne, %convert_element_type3A, %cond3A : i32
    scf.if %cond3A_1 {
      %broadcast_in_dim3A_38 = arith.constant 0.000000e+00 : f32
      %broadcast_in_dim3A_39 = vector.broadcast %broadcast_in_dim3A_38 : f32 to vector<512x1024xf32>
      %swap3A_40 = arith.constant 0 : index
      %swap3A_41 = arith.constant 0 : index
      %swap3A_42 = vector.load %arg6[%swap3A_40, %swap3A_41] : memref<512x1024xf32, #tpu.memory_space<vmem>>, vector<512x1024xf32>
      tpu.vector_store %arg6[%swap3A_40, %swap3A_41], %broadcast_in_dim3A_39 {strides = array<i32>} : memref<512x1024xf32, #tpu.memory_space<vmem>>, vector<512x1024xf32>,
    } else {
    }
    %get3A = arith.constant 0 : index
    %get3A_2 = arith.constant 0 : index
    %get3A_3 = vector.load %arg3[%get3A, %get3A_2] : memref<512x2xi32, #tpu.memory_space<vmem>>, vector<512x2xi32>
    %get3A_4 = arith.constant 0 : index
    %get3A_5 = arith.constant 0 : index
    %get3A_6 = vector.load %arg4[%get3A_4, %get3A_5] : memref<512x2xf32, #tpu.memory_space<vmem>>, vector<512x2xf32>
    %slice3A = vector.extract_strided_slice %get3A_3 {offsets = [0, 0], sizes = [512, 1], strides = [1, 1]} : vector<512x2xi32> to vector<512x1xi32>
    %eq3A_7 = vector.broadcast %arg1 : i32 to vector<512x1xi32>
    %eq3A_8 = arith.cmpi eq, %slice3A, %eq3A_7 : vector<512x1xi32>
    %slice3A_9 = vector.extract_strided_slice %get3A_6 {offsets = [0, 0], sizes = [512, 1], strides = [1, 1]} : vector<512x2xf32> to vector<512x1xf32>
    %jit3A = arith.constant 0.000000e+00 : f32
    %broadcast_in_dim3A = vector.broadcast %jit3A : f32 to vector<512x1xf32>
    %select_n3A = arith.select %eq3A_8, %slice3A_9, %broadcast_in_dim3A : vector<512x1xi1>, vector<512x1xf32>
    %get3A_10 = arith.constant 0 : index
    %get3A_11 = arith.constant 0 : index
    %get3A_12 = vector.load %arg2[%get3A_10, %get3A_11] : memref<512x512xf32, #tpu.memory_space<vmem>>, vector<512x256xf32>
    %mul3A = vector.broadcast %select_n3A : vector<512x1xf32> to vector<512x256xf32>
    %mul3A_13 = arith.mulf %get3A_12, %mul3A : vector<512x256xf32>
    %slice3A_14 = vector.extract_strided_slice %get3A_3 {offsets = [0, 1], sizes = [512, 1], strides = [1, 1]} : vector<512x2xi32> to vector<512x1xi32>
    %eq3A_15 = vector.broadcast %arg1 : i32 to vector<512x1xi32>
    %eq3A_16 = arith.cmpi eq, %slice3A_14, %eq3A_15 : vector<512x1xi32>
    %slice3A_17 = vector.extract_strided_slice %get3A_6 {offsets = [0, 1], sizes = [512, 1], strides = [1, 1]} : vector<512x2xf32> to vector<512x1xf32>
    %jit3A_18 = arith.constant 0.000000e+00 : f32
    %broadcast_in_dim3A_19 = vector.broadcast %jit3A_18 : f32 to vector<512x1xf32>
    %select_n3A_20 = arith.select %eq3A_16, %slice3A_17, %broadcast_in_dim3A_19 : vector<512x1xi1>, vector<512x1xf32>
    %get3A_21 = arith.constant 0 : index
    %get3A_22 = arith.constant 256 : index
    %get3A_23 = vector.load %arg2[%get3A_21, %get3A_22] : memref<512x512xf32, #tpu.memory_space<vmem>>, vector<512x256xf32>
    %mul3A_24 = vector.broadcast %select_n3A_20 : vector<512x1xf32> to vector<512x256xf32>
    %mul3A_25 = arith.mulf %get3A_23, %mul3A_24 : vector<512x256xf32>
    %add3A = arith.addf %mul3A_13, %mul3A_25 : vector<512x256xf32>
    %get3A_26 = arith.constant 0 : index
    %get3A_27 = arith.constant 0 : index
    %get3A_28 = vector.load %arg6[%get3A_26, %get3A_27] : memref<512x1024xf32, #tpu.memory_space<vmem>>, vector<512x1024xf32>
    %get3A_29 = arith.constant 0 : index
    %get3A_30 = arith.constant 0 : index
    %get3A_31 = arith.constant 0 : index
    %get3A_32 = vector.load %arg5[%get3A_29, %get3A_30, %get3A_31] : memref<1x256x1024xf32, #tpu.memory_space<vmem>>, vector<1x256x1024xf32>
    %get3A_33 = vector.shape_cast %get3A_32 : vector<1x256x1024xf32> to vector<256x1024xf32>
    %dot_general3A = arith.constant dense<0.000000e+00> : vector<512x1024xf32>
    %dot_general3A_34 = tpu.matmul %add3A, %get3A_33, %dot_general3A {dimension_numbers = #tpu.dot_dimension_numbers<[1], [0], [0], [1], [0, 0, 1, 1], [], []>, transpose_lhs_hint = false} : vector<512x256xf32>, vector<256x1024xf32>, vector<512x1024xf32> -> vector<512x1024xf32>
    %add3A_35 = arith.addf %get3A_28, %dot_general3A_34 : vector<512x1024xf32>
    %swap3A = arith.constant 0 : index
    %swap3A_36 = arith.constant 0 : index
    %swap3A_37 = vector.load %arg6[%swap3A, %swap3A_36] : memref<512x1024xf32, #tpu.memory_space<vmem>>, vector<512x1024xf32>
    tpu.vector_store %arg6[%swap3A, %swap3A_36], %add3A_35 {strides = array<i32>} : memref<512x1024xf32, #tpu.memory_space<vmem>>, vector<512x1024xf32>,
    return
  }
  func.func @transform_0(%arg0: i32, %arg1: i32) -> (i32, i32) {
    %c0_i32 = arith.constant 0 : i32
    %c0_i32_0 = arith.constant 0 : i32
    return %arg0, %c0_i32 : i32, i32
  }
  func.func @transform_1(%arg0: i32, %arg1: i32) -> (i32, i32) {
    %c0_i32 = arith.constant 0 : i32
    %c0_i32_0 = arith.constant 0 : i32
    return %arg0, %c0_i32 : i32, i32
  }
  func.func @transform_2(%arg0: i32, %arg1: i32) -> (i32, i32) {
    %c0_i32 = arith.constant 0 : i32
    %c0_i32_0 = arith.constant 0 : i32
    return %arg0, %c0_i32 : i32, i32
  }
  func.func @transform_3(%arg0: i32, %arg1: i32) -> (i32, i32, i32) {
    %c0_i32 = arith.constant 0 : i32
    %c0_i32_0 = arith.constant 0 : i32
    %c0_i32_1 = arith.constant 0 : i32
    return %arg1, %c0_i32, %c0_i32_0 : i32, i32, i32
  }
  func.func @transform_4(%arg0: i32, %arg1: i32) -> (i32, i32) {
    %c0_i32 = arith.constant 0 : i32
    %c0_i32_0 = arith.constant 0 : i32
    return %arg0, %c0_i32 : i32, i32
  }
}

</mosaic_0001>

<sc_bundles>
// kernel: kernel.8.cloned.1.call-start
scs
__scs_entry_jumppad:
0x0: {  	(pc) =	sbr.rel $0x88, $3  }
0x1: {  	(tag) =	ssettag $0x0;
	lr =	simm.s32 $0x1  }
0x2: {  	[smem:$0x3F98] =	sst lr;
	_ =	strace $0xD0000000  }
0x3: {  	_ = 	snop  }
0x4: {  	_ = 	snop  }
0x5: {  	_ = 	snop  }
0x6: {  	_ = 	snop  }
0x7: {  	_ = 	snop  }
__scs_overlays_trampoline_lowered:
0x8: {  	[smem:$0x3FA7] =	sst s0  }
0x9: {  	[smem:$0x3FA8] =	sst s1  }
0xa: {  	[smem:$0x3FA9] =	sst s2  }
0xb: {  	[smem:$0x3FAA] =	sst s3  }
0xc: {  	[smem:$0x3FAB] =	sst s4  }
0xd: {  	[smem:$0x3FAC] =	sst s5  }
0xe: {  	[smem:$0x3FAD] =	sst s6  }
0xf: {  	[smem:$0x3FAE] =	sst s7  }
0x10: {  	[smem:$0x3FAF] =	sst s8  }
0x11: {  	[smem:$0x3FB0] =	sst s9;
	s0 =	simm.s32 @!p0 $0x0  }
0x12: {  	s1 =	sld [smem:$0x3F96];
	s0 =	simm.s32 @p0 $0x1  }
0x13: {  	[smem:$0x3FB1] =	sst s0;
	s0 =	simm.s32 @!p1 $0x0  }
0x14: {  	s2 =	sld [smem:$0x3F95];
	s0 =	simm.s32 @p1 $0x1  }
0x15: {  	[smem:$0x3FB2] =	sst s0;
	s0 =	simm.s32 @!p2 $0x0  }
0x16: {  	s3 =	sld [smem:$0x3FDB];
	s0 =	simm.s32 @p2 $0x1  }
0x17: {  	s4 =	simm.s32 $0x1BF5;
	[smem:$0x3FB4] =	sst s0  }
0x18: {  	s0 =	sld [smem:$0x3F97];
	_ =	swait.ge [sflag:s4], $0x0  }
0x19: {  	s7 =	sld [smem:$0x3F98]  }
0x1a: {  	s8 =	sadd.s32 $0xFFFFE003, lr  }
0x1b: {  	s9 =	sadd.s32 $0xFFFFFEF7, lr;
	s5 =	simm.s32 $0xFFFFFFFF;
	p2 =	slt.u32 s8, $0xFFFFF086  }
0x1c: {  	p1 =	slt.u32 s9, $0xF7A;
	s5 =	simm.s32 @!p2 $0x0  }
0x1d: {  	s5 =	simm.s32 @p1 $0x1;
	p0 =	seq.s32 s7, s2  }
0x1e: {  	s7 =	smul.u32 @!p0 $0xF7A, s2;
	p2 =	seq.s32 @!p0 s5, $0x0  }
0x1f: {  	s9 =	smul.u32 $0xF7A, s1;
	s8 =	simm.s32 @!p0 $0x1BF5;
	p2 =	por !p2, p0  }
0x20: {  	[sflag:s8] =	ssyncset.s32 @!p0 $0xFFFFF086;
	s6 =	sadd.s32 @!p0 s3, s7;
	s7 =	simm.s32 @!p0 $0x108  }
0x21: {  	s3 =	sadd.s32 s3, s9;
	s6 =	sadd.s32 @!p0 $0x88, s6;
	s7 =	simm.s32 @p2 $0x1082  }
0x22: {  	[simem:s7], [sflag:s8] =	dma.local @!p0 [hbm:s6], $0xF7A  }
0x23: {  	s9 =	sor.u32 $0xD0000000, s2;
	s6 =	simm.s32 $0x108;
	_ =	swait.ge @!p0 [sflag:s8], $0x0  }
0x24: {  	s3 =	sadd.s32 $0x88, s3;
	s6 =	simm.s32 @!p1 $0x1082;
	[sflag:s4] =	ssyncset.s32 $0xFFFFF086  }
0x25: {  	[simem:s6], [sflag:s4] =	dma.local [hbm:s3], $0xF7A  }
0x26: {  	[smem:$0x3F98] =	sst s1;
	(tag) =	ssettag s2;
	_ =	strace s9  }
0x27: {  	s1 =	sld [smem:$0x3FA8]  }
0x28: {  	s2 =	sld [smem:$0x3FA9]  }
0x29: {  	s4 =	sld [smem:$0x3FAB]  }
0x2a: {  	p0 =	seq.s32 s5, $0x0;
	s5 =	sld [smem:$0x3FAC]  }
0x2b: {  	s6 =	sld [smem:$0x3FAD]  }
0x2c: {  	s7 =	sld [smem:$0x3FAE]  }
0x2d: {  	s3 =	simm.s32 $0x108;
	s8 =	sld [smem:$0x3FAF]  }
0x2e: {  	s3 =	simm.s32 @!p0 $0x1082;
	s9 =	sld [smem:$0x3FB0]  }
0x2f: {  	lr =	sadd.s32 s0, s3;
	s0 =	sld [smem:$0x3FA7]  }
0x30: {  	s3 =	sld [smem:$0x3FAA]  }
0x31: {  	[smem:$0x3FB3] =	sst s10  }
0x32: {  	s10 =	sld [smem:$0x3FB1];
	_ =	sdelay $0x3  }
0x33: {  	p0 =	seq.s32 s10, $0x1;
	s10 =	sld [smem:$0x3FB3];
	_ =	sdelay $0x3  }
0x34: {  	[smem:$0x3FB3] =	sst s10  }
0x35: {  	s10 =	sld [smem:$0x3FB2];
	_ =	sdelay $0x3  }
0x36: {  	p1 =	seq.s32 s10, $0x1;
	s10 =	sld [smem:$0x3FB3];
	_ =	sdelay $0x3  }
0x37: {  	[smem:$0x3FB3] =	sst s10  }
0x38: {  	s10 =	sld [smem:$0x3FB4]  }
0x39: {  	_ = 	snop;
	(pc) =	sbr.ind lr, $3  }
0x3a: {  	_ = 	snop  }
0x3b: {  	_ = 	snop  }
0x3c: {  	p2 =	seq.s32 s10, $0x1;
	s10 =	sld [smem:$0x3FB3]  }
0x3d: {  	_ =	shalt  }
0x3e: {  	_ =	shalt  }
0x3f: {  	_ =	shalt  }
0x40: {  	_ =	shalt  }
0x41: {  	_ =	shalt  }
0x42: {  	_ =	shalt  }
0x43: {  	_ =	shalt  }
0x44: {  	_ =	shalt  }
0x45: {  	_ =	shalt  }
0x46: {  	_ =	shalt  }
0x47: {  	_ =	shalt  }
0x48: {  	_ =	shalt  }
0x49: {  	_ =	shalt  }
0x4a: {  	_ =	shalt  }
0x4b: {  	_ =	shalt  }
0x4c: {  	_ =	shalt  }
0x4d: {  	_ =	shalt  }
0x4e: {  	_ =	shalt  }
0x4f: {  	_ =	shalt  }
0x50: {  	_ =	shalt  }
0x51: {  	_ =	shalt  }
0x52: {  	_ =	shalt  }
0x53: {  	_ =	shalt  }
0x54: {  	_ =	shalt  }
0x55: {  	_ =	shalt  }
0x56: {  	_ =	shalt  }
0x57: {  	_ =	shalt  }
0x58: {  	_ =	shalt  }
0x59: {  	_ =	shalt  }
0x5a: {  	_ =	shalt  }
0x5b: {  	_ =	shalt  }
0x5c: {  	_ =	shalt  }
0x5d: {  	_ =	shalt  }
0x5e: {  	_ =	shalt  }
0x5f: {  	_ =	shalt  }
0x60: {  	_ =	shalt  }
0x61: {  	_ =	shalt  }
0x62: {  	_ =	shalt  }
0x63: {  	_ =	shalt  }
0x64: {  	_ =	shalt  }
0x65: {  	_ =	shalt  }
0x66: {  	_ =	shalt  }
0x67: {  	_ =	shalt  }
0x68: {  	_ =	shalt  }
0x69: {  	_ =	shalt  }
0x6a: {  	_ =	shalt  }
0x6b: {  	_ =	shalt  }
0x6c: {  	_ =	shalt  }
0x6d: {  	_ =	shalt  }
0x6e: {  	_ =	shalt  }
0x6f: {  	_ =	shalt  }
0x70: {  	_ =	shalt  }
0x71: {  	_ =	shalt  }
0x72: {  	_ =	shalt  }
0x73: {  	_ =	shalt  }
0x74: {  	_ =	shalt  }
0x75: {  	_ =	shalt  }
0x76: {  	_ =	shalt  }
0x77: {  	_ =	shalt  }
0x78: {  	_ =	shalt  }
0x79: {  	_ =	shalt  }
0x7a: {  	_ =	shalt  }
0x7b: {  	_ =	shalt  }
0x7c: {  	_ =	shalt  }
0x7d: {  	_ =	shalt  }
0x7e: {  	_ =	shalt  }
0x7f: {  	_ =	shalt  }
0x80: {  	_ =	shalt  }
0x81: {  	_ =	shalt  }
0x82: {  	_ =	shalt  }
0x83: {  	_ =	shalt  }
0x84: {  	_ =	shalt  }
0x85: {  	_ =	shalt  }
0x86: {  	_ =	shalt  }
0x87: {  	_ =	shalt  }
.Lfunc_end0:
.L_simem_size_0:
called_computation_lowered:
.L_overlay_start_0:
0x88: {  	s2 =	sld [smem:$0x3FD9]  }
0x89: {  	s3 =	sld [smem:$0x3FFE];
	_ =	sdelay $0x1  }
0x8a: {  	s1 =	srdreg.scid  }
0x8b: {  	s0 =	sand.u32 $0x1, s1  }
0x8c: {  	s17 =	sshll.u32 s0, $0xA;
	s2 =	sadd.s32 s3, s2  }
0x8d: {  	s2 =	sadd.s32 s2, s17  }
0x8e: {  	[smem:$0x3FBF] =	sst s2  }
0x8f: {  	_ = 	snop  }
0x90: {  	s2 =	sld [smem:$0x3FD0];
	(tm) =	ssettm $0x1  }
0x91: {  	s18 =	sld [smem:$0x3FFB];
	_ =	sdelay $0x3  }
0x92: {  	_ =	strace s18  }
0x93: {  	s3 =	sld [smem:$0x3FFC];
	_ =	sdelay $0x3  }
0x94: {  	_ =	strace s3  }
0x95: {  	s3 =	sld [smem:$0x3FFD];
	_ =	sdelay $0x3  }
0x96: {  	_ =	strace s3  }
0x97: {  	_ =	strace $0x8FFFFFFF  }
0x98: {  	s19 =	sld [smem:$0x3FDB];
	_ =	sdelay $0x1  }
0x99: {  	s4 =	simm.s32 $_scs_section_size  }
0x9a: {  	s5 =	simm.s32 $_size__tile_overlayer_lowered;
	s6 =	simm.s32 $_tile_overlayer_lowered  }
0x9b: {  	s22 =	simm.s32 $0x1BFF;
	s21 =	sshll.u32 s6, $0x1;
	s3 =	sadd.s32 s4, s19  }
0x9c: {  	s7 =	simm.s32 $0x0;
	s20 =	sshll.u32 s5, $0x1;
	s5 =	sadd.s32 s21, s3  }
0x9d: {  	[timem:s7], [sflag:s22] =	dma.local [hbm:s5], s20  }
0x9e: {  	_ =	swait.ge [sflag:s22], s20  }
0x9f: {  	s4 =	ssub.s32 $0x0, s20;
	[sflag:s22] =	ssyncset.done $0x0  }
0xa0: {  	[sflag:s22] =	ssyncadd.s32 s4;
	_ =	sdelay $0x1  }
0xa1: {  	s23 =	simm.s32 $0x1B8B  }
0xa2: {  	_ =	swait.ge [sflag:s23], $0x1  }
0xa3: {  	[sflag:s23] =	ssyncset.done $0x0  }
0xa4: {  	s25 =	simm.s32 $0x1B8E;
	s24 =	sld [smem:$0x3FFE];
	[sflag:s23] =	ssyncadd.s32 $0xFFFFFFFF  }
0xa5: {  	s26 =	simm.s32 $execute0_lowered;
	[smem:$0x3FD2] =	sst s25  }
0xa6: {  	s5 =	sshll.u32 s26, $0x1;
	_ =	strace $0x80000046;
	[dreg:$0x1] =	wrdreg $0xFFFFFFFF  }
0xa7: {  	s28 =	simm.s32 $_size_execute0_lowered;
	s3 =	sadd.s32 s3, s5;
	[dreg:$0x0] =	wrdreg $0x0  }
0xa8: {  	s5 =	sshll.u32 s28, $0x1;
	[dreg:$0x2] =	wrdreg s3  }
0xa9: {  	[dreg:$0x3] =	wrdreg s5  }
0xaa: {  	[dreg:$0x4] =	wrdreg $0xC0  }
0xab: {  	_ =	task [dreg:s7], $0x5FFFF  }
0xac: {  	[dreg:$0x1] =	wrdreg $0xFFFFFFFF  }
0xad: {  	[dreg:$0x0] =	wrdreg $0x60  }
0xae: {  	[dreg:$0x2] =	wrdreg s2  }
0xaf: {  	[dreg:$0x3] =	wrdreg s24  }
0xb0: {  	[dreg:$0x4] =	wrdreg $0x9  }
0xb1: {  	_ =	task.clear_ibuf [dreg:s7], $0x5FFFF;
	_ =	strace $0x90000046  }
0xb2: {  	s29 =	simm.s32 $0x9;
	_ =	strace $0x80000048  }
0xb3: {  	_ =	swait.ge [sflag:s29], $0x1  }
0xb4: {  	[sflag:s29] =	ssyncadd.s32 $0xFFFFFFFF  }
0xb5: {  	_ =	strace $0x90000048  }
0xb6: {  	_ =	sfence  }
0xb7: {  	s30 =	sld [smem:$0x0];
	_ =	sdelay $0x2  }
0xb8: {  	s31 =	sshll.u32 s1, $0xD;
	s1 =	sshrl.u32 s1, $0x2  }
0xb9: {  	s3 =	sand.u32 $0x4000, s31;
	s1 =	sadd.s32 s1, s30  }
0xba: {  	s0 =	sor.u32 s3, s0;
	s1 =	sshll.u32 s1, $0x11  }
0xbb: {  	s0 =	sor.u32 s1, s0  }
0xbc: {  	s0 =	sadd.s32 $0x8F2B, s0  }
0xbd: {  	[sflag:s0] =	ssyncadd.remote.s32 $0x1  }
0xbe: {  	_ =	sfence.sel $0xFFFF  }
0xbf: {  	[dreg:$0x0] =	wrdreg $0xFFFFFFFF;
	(pc) =	sbr.abs _section_cstart, $3  }
0xc0: {  	[dreg:$0x1] =	wrdreg $0xFFFFFFFF  }
0xc1: {  	_ =	task.clear_ibuf [dreg:s7], $0x2FFFF;
	_ =	strace $0x9FFFFFFF  }
0xc2: {  	(tm) =	ssettm $0x7FFFFFFF  }
0xc3: {  	_ =	shalt  }
tec
execute0_lowered:
.L_overlay_start_1:
0x0: {  	(tag) =	ssettag $0x1  }
0x1: {  	s3 =	rddreg [dreg:$0x0]  }
0x2: {  	s4 =	rddreg [dreg:$0x1]  }
0x3: {  	s0 =	rddreg [dreg:$0x2];
	s5 =	srdreg.scid  }
0x4: {  	s1 =	stileid.u32;
	s2 =	simm.s32 $0x0;
	s9 =	simm.s32 $0x1  }
0x5: {  	s10 =	simm.s32 $0x800;
	s11 =	simm.s32 $0x880;
	s12 =	simm.s32 $0x900  }
0x6: {  	s13 =	simm.s32 $0x980;
	s5 =	sand.u32 $0x1, s5;
	s6 =	sshll.u32 s1, $0x1  }
0x7: {  	[smem:$0x7FF] =	sst s2;
	s6 =	sor.u32 s5, s6;
	s5 =	ssub.s32 $0x2, s5  }
0x8: {  	_ =	strace $0x80000047;
	s7 =	sshll.u32 s6, $0x3;
	s31 =	sshrl.u32 s5, $0x1  }
0x9: {  	s6 =	sshll.u32 s6, $0x8;
	s7 =	sadd.s32 s7, s4;
	s8 =	ssub.s32 s5, s31  }
0xa: {  	s3 =	sadd.s32 s3, s6;
	s4 =	sadd.s32 $0x1400, s7;
	s5 =	sadd.s32 $0x1600, s7  }
0xb: {  	v0 =	vimm.s32 $0x10;
	s6 =	sadd.s32 $0x1800, s7;
	s7 =	sadd.s32 $0x1A00, s7;
	s8 =	smax.u32 s8, $0x1  }
.LBB2_1:
0xc: {  	[tilespmem:s2], [sflag:$0x1] =	stream.linear.gather [hbm4b:s3+s2], $0x800, $0x38;
	[tilespmem:$0xA00] =	vst v63  }
0xd: {  	_ =	swait.ge [sflag:s9], $0x800  }
0xe: {  	[sflag:s9] =	ssyncset.done $0x0  }
0xf: {  	[sflag:s9] =	ssyncadd.s32 $0xFFFFF800  }
0x10: {  	v3 =	vld [tilespmem:$0x0]  }
0x11: {  	v4 =	vld [tilespmem:$0x80]  }
0x12: {  	v5 =	vld [tilespmem:$0x100]  }
0x13: {  	v6 =	vld [tilespmem:$0x180]  }
0x14: {  	v7 =	vld [tilespmem:$0x200]  }
0x15: {  	v8 =	vld [tilespmem:$0x280]  }
0x16: {  	v9 =	vld [tilespmem:$0x300];
	v1 =	vmax.f32 v3, v4  }
0x17: {  	v10 =	vld [tilespmem:$0x380];
	v1 =	vmax.f32 v1, v5  }
0x18: {  	v11 =	vld [tilespmem:$0x400];
	v1 =	vmax.f32 v1, v6  }
0x19: {  	v12 =	vld [tilespmem:$0x480];
	v1 =	vmax.f32 v1, v7  }
0x1a: {  	v13 =	vld [tilespmem:$0x500];
	v1 =	vmax.f32 v1, v8  }
0x1b: {  	v14 =	vld [tilespmem:$0x580];
	v1 =	vmax.f32 v1, v9  }
0x1c: {  	v15 =	vld [tilespmem:$0x600];
	v1 =	vmax.f32 v1, v10  }
0x1d: {  	v16 =	vld [tilespmem:$0x680];
	v1 =	vmax.f32 v1, v11  }
0x1e: {  	v17 =	vld [tilespmem:$0x700];
	v1 =	vmax.f32 v1, v12  }
0x1f: {  	v18 =	vld [tilespmem:$0x780];
	v1 =	vmax.f32 v1, v13  }
0x20: {  	v1 =	vmax.f32 v1, v14  }
0x21: {  	v1 =	vmax.f32 v1, v15  }
0x22: {  	v1 =	vmax.f32 v1, v16  }
0x23: {  	v1 =	vmax.f32 v1, v17  }
0x24: {  	v2 =	vmax.f32 v1, v18  }
0x25: {  	vm0 =	veq.f32 v18, v2  }
0x26: {  	vm1 =	veq.f32 v17, v2;
	v1 =	vsel vm0, $0xF, v0  }
0x27: {  	vm10 =	veq.f32 v16, v2;
	v1 =	vsel vm1, $0xE, v1  }
0x28: {  	vm11 =	veq.f32 v15, v2;
	v1 =	vsel vm10, $0xD, v1  }
0x29: {  	vm12 =	veq.f32 v14, v2;
	v1 =	vsel vm11, $0xC, v1  }
0x2a: {  	vm13 =	veq.f32 v13, v2;
	v1 =	vsel vm12, $0xB, v1  }
0x2b: {  	vm14 =	veq.f32 v12, v2;
	v1 =	vsel vm13, $0xA, v1  }
0x2c: {  	vm15 =	veq.f32 v11, v2;
	v1 =	vsel vm14, $0x9, v1  }
0x2d: {  	vm4 =	veq.f32 v10, v2;
	v1 =	vsel vm15, $0x8, v1  }
0x2e: {  	vm5 =	veq.f32 v9, v2;
	v1 =	vsel vm4, $0x7, v1  }
0x2f: {  	vm6 =	veq.f32 v8, v2;
	v1 =	vsel vm5, $0x6, v1  }
0x30: {  	v38 =	vld [tilespmem:$0x10];
	vm7 =	veq.f32 v7, v2;
	v1 =	vsel vm6, $0x5, v1  }
0x31: {  	v22 =	vld [tilespmem:$0x90];
	vm8 =	veq.f32 v6, v2;
	v1 =	vsel vm7, $0x4, v1  }
0x32: {  	vm9 =	veq.f32 v5, v2;
	v1 =	vsel vm8, $0x3, v1  }
0x33: {  	vm10 =	veq.f32 v4, v2;
	v1 =	vsel vm9, $0x2, v1  }
0x34: {  	vm11 =	veq.f32 v3, v2;
	v1 =	vsel vm10, $0x1, v1  }
0x35: {  	v1 =	vsel vm11, $0x0, v1  }
0x36: {  	v39 =	vmax.f32 v38, v22;
	vm12 =	veq.s32 v1, $0x0;
	vm13 =	veq.s32 v1, $0x1  }
0x37: {  	vm14 =	veq.s32 v1, $0x2;
	vm1 =	veq.s32 v1, $0x3;
	vm15 =	veq.s32 v1, $0x4  }
0x38: {  	vm4 =	veq.s32 v1, $0x5;
	v3 =	vsel vm12, $0xFF800000, v3;
	v4 =	vsel vm13, $0xFF800000, v4  }
0x39: {  	vm5 =	veq.s32 v1, $0x6;
	v5 =	vsel vm14, $0xFF800000, v5;
	v37 =	vmax.f32 v3, v4  }
0x3a: {  	v6 =	vsel vm1, $0xFF800000, v6;
	v19 =	vsel vm15, $0xFF800000, v7;
	v7 =	vmax.f32 v37, v5  }
0x3b: {  	vm6 =	veq.s32 v1, $0x7;
	vm7 =	veq.s32 v1, $0x8;
	v7 =	vmax.f32 v7, v6  }
0x3c: {  	v23 =	vld [tilespmem:$0x110];
	vm8 =	veq.s32 v1, $0x9;
	v8 =	vsel vm4, $0xFF800000, v8;
	v7 =	vmax.f32 v7, v19  }
0x3d: {  	v24 =	vld [tilespmem:$0x190];
	vm9 =	veq.s32 v1, $0xA;
	v20 =	vsel vm5, $0xFF800000, v9;
	v7 =	vmax.f32 v7, v8  }
0x3e: {  	v25 =	vld [tilespmem:$0x210];
	vm10 =	veq.s32 v1, $0xB;
	v10 =	vsel vm6, $0xFF800000, v10;
	v7 =	vmax.f32 v7, v20  }
0x3f: {  	v26 =	vld [tilespmem:$0x290];
	vm11 =	veq.s32 v1, $0xC;
	v21 =	vsel vm7, $0xFF800000, v11;
	v7 =	vmax.f32 v7, v10  }
0x40: {  	v27 =	vld [tilespmem:$0x310];
	v12 =	vsel vm8, $0xFF800000, v12;
	v13 =	vsel vm9, $0xFF800000, v13;
	v7 =	vmax.f32 v7, v21  }
0x41: {  	v28 =	vld [tilespmem:$0x390];
	v14 =	vsel vm10, $0xFF800000, v14;
	v15 =	vsel vm11, $0xFF800000, v15;
	v7 =	vmax.f32 v7, v12  }
0x42: {  	v61 =	vld [tilespmem:$0x20];
	vm12 =	veq.s32 v1, $0xD;
	vm13 =	veq.s32 v1, $0xE;
	v7 =	vmax.f32 v7, v13  }
0x43: {  	v62 =	vld [tilespmem:$0xA0];
	v11 =	vmax.f32 v39, v23;
	vm14 =	veq.s32 v1, $0xF;
	v7 =	vmax.f32 v7, v14  }
0x44: {  	v29 =	vld [tilespmem:$0x410];
	v16 =	vsel vm12, $0xFF800000, v16;
	v11 =	vmax.f32 v11, v24;
	v7 =	vmax.f32 v7, v15  }
0x45: {  	v30 =	vld [tilespmem:$0x490];
	v17 =	vsel vm13, $0xFF800000, v17;
	v11 =	vmax.f32 v11, v25;
	v7 =	vmax.f32 v7, v16  }
0x46: {  	v31 =	vld [tilespmem:$0x510];
	v18 =	vsel vm14, $0xFF800000, v18;
	v11 =	vmax.f32 v11, v26;
	v7 =	vmax.f32 v7, v17  }
0x47: {  	v33 =	vld [tilespmem:$0x590];
	v40 =	vmax.f32 v11, v27;
	v32 =	vmax.f32 v7, v18  }
0x48: {  	v41 =	vld [tilespmem:$0x610];
	v44 =	vmax.f32 v61, v62;
	vm0 =	veq.f32 v3, v32;
	v3 =	vmax.f32 v40, v28  }
0x49: {  	v42 =	vld [tilespmem:$0x690];
	vm1 =	veq.f32 v4, v32;
	vm2 =	veq.f32 v5, v32;
	v3 =	vmax.f32 v3, v29  }
0x4a: {  	v55 =	vld [tilespmem:$0x710];
	vm3 =	veq.f32 v6, v32;
	vm4 =	veq.f32 v19, v32;
	v3 =	vmax.f32 v3, v30  }
0x4b: {  	vm5 =	veq.f32 v8, v32;
	vm6 =	veq.f32 v20, v32;
	v5 =	vld [tilespmem:$0x790];
	v3 =	vmax.f32 v3, v31  }
0x4c: {  	vm7 =	veq.f32 v10, v32;
	vm8 =	veq.f32 v21, v32;
	v3 =	vmax.f32 v3, v33  }
0x4d: {  	vm9 =	veq.f32 v12, v32;
	vm10 =	veq.f32 v13, v32;
	v3 =	vmax.f32 v3, v41  }
0x4e: {  	vm11 =	veq.f32 v14, v32;
	vm12 =	veq.f32 v18, v32;
	v3 =	vmax.f32 v3, v42  }
0x4f: {  	vm13 =	veq.f32 v17, v32;
	v56 =	vsel vm12, $0xF, v0;
	v3 =	vmax.f32 v3, v55  }
0x50: {  	vm12 =	veq.f32 v16, v32;
	v57 =	vsel vm13, $0xE, v56;
	v4 =	vmax.f32 v3, v5  }
0x51: {  	v63 =	vld [tilespmem:$0x120];
	vm13 =	veq.f32 v15, v32;
	v3 =	vsel vm12, $0xD, v57;
	vm12 =	veq.f32 v5, v4  }
0x52: {  	v3 =	vsel vm13, $0xC, v3;
	vm13 =	veq.f32 v55, v4;
	v58 =	vsel vm12, $0xF, v0  }
0x53: {  	v2 =	vsub.f32 v32, v2;
	v19 =	vld [tilespmem:$0x1A0];
	vm12 =	veq.f32 v42, v4;
	v8 =	vsel vm13, $0xE, v58  }
0x54: {  	v3 =	vsel vm11, $0xB, v3;
	vm11 =	veq.f32 v41, v4;
	v8 =	vsel vm12, $0xD, v8  }
0x55: {  	v2 =	vmul.f32 $1.442695020e+00, v2;
	vm12 =	veq.f32 v33, v4;
	v8 =	vsel vm11, $0xC, v8  }
0x56: {  	v14 =	vmax.f32 v44, v63;
	vm15 =	veq.f32 v31, v4;
	v8 =	vsel vm12, $0xB, v8  }
0x57: {  	(erf) = vpow2.f32 v2;
	vm13 =	veq.f32 v30, v4;
	v2 =	vsel vm15, $0xA, v8  }
0x58: {  	v14 =	vmax.f32 v14, v19;
	vm14 =	veq.f32 v29, v4;
	v2 =	vsel vm13, $0x9, v2  }
0x59: {  	v3 =	vsel vm10, $0xA, v3;
	vm15 =	veq.f32 v28, v4;
	v2 =	vsel vm14, $0x8, v2  }
0x5a: {  	vm10 =	veq.f32 v27, v4;
	v3 =	vsel vm9, $0x9, v3;
	v2 =	vsel vm15, $0x7, v2  }
0x5b: {  	v3 =	vsel vm8, $0x8, v3;
	vm11 =	veq.f32 v26, v4;
	v2 =	vsel vm10, $0x6, v2  }
0x5c: {  	v18 =	vld [tilespmem:$0x220];
	v3 =	vsel vm7, $0x7, v3;
	vm12 =	veq.f32 v25, v4;
	v2 =	vsel vm11, $0x5, v2  }
0x5d: {  	v3 =	vsel vm6, $0x6, v3;
	vm13 =	veq.f32 v24, v4;
	v2 =	vsel vm12, $0x4, v2  }
0x5e: {  	v3 =	vsel vm5, $0x5, v3;
	vm14 =	veq.f32 v23, v4;
	v2 =	vsel vm13, $0x3, v2  }
0x5f: {  	v3 =	vsel vm4, $0x4, v3;
	vm15 =	veq.f32 v22, v4;
	v2 =	vsel vm14, $0x2, v2  }
0x60: {  	vm4 =	veq.f32 v38, v4;
	v3 =	vsel vm3, $0x3, v3;
	v2 =	vsel vm15, $0x1, v2  }
0x61: {  	v14 =	vmax.f32 v14, v18;
	v59 =	vpop (erf);
	v3 =	vsel vm2, $0x2, v3;
	v2 =	vsel vm4, $0x0, v2  }
0x62: {  	v60 =	vadd.f32 $1.000000000e+00, v59;
	v3 =	vsel vm1, $0x1, v3;
	vm5 =	veq.s32 v2, $0x0  }
0x63: {  	vm1 =	veq.s32 v2, $0x1;
	vm6 =	veq.s32 v2, $0x2;
	vm7 =	veq.s32 v2, $0x3  }
0x64: {  	vm8 =	veq.s32 v2, $0x4;
	vm9 =	veq.s32 v2, $0x5;
	vm10 =	veq.s32 v2, $0x6  }
0x65: {  	vm11 =	veq.s32 v2, $0x7;
	vm12 =	veq.s32 v2, $0x8;
	vm13 =	veq.s32 v2, $0x9  }
0x66: {  	vm14 =	veq.s32 v2, $0xA;
	v34 =	vsel vm5, $0xFF800000, v38;
	v35 =	vsel vm1, $0xFF800000, v22  }
0x67: {  	v23 =	vsel vm6, $0xFF800000, v23;
	v36 =	vsel vm7, $0xFF800000, v24;
	v24 =	vld [tilespmem:$0x2A0];
	v43 =	vmax.f32 v34, v35  }
0x68: {  	v10 =	vld [tilespmem:$0x320];
	vm15 =	veq.s32 v2, $0xB;
	vm4 =	veq.s32 v2, $0xC;
	v13 =	vmax.f32 v43, v23  }
0x69: {  	v45 =	vld [tilespmem:$0x3A0];
	v25 =	vsel vm8, $0xFF800000, v25;
	v26 =	vsel vm9, $0xFF800000, v26;
	v46 =	vmax.f32 v13, v36  }
0x6a: {  	v47 =	vld [tilespmem:$0x420];
	v27 =	vsel vm10, $0xFF800000, v27;
	v28 =	vsel vm11, $0xFF800000, v28;
	v15 =	vmax.f32 v46, v25  }
0x6b: {  	v48 =	vld [tilespmem:$0x4A0];
	v29 =	vsel vm12, $0xFF800000, v29;
	v30 =	vsel vm13, $0xFF800000, v30;
	v49 =	vmax.f32 v15, v26  }
0x6c: {  	v50 =	vld [tilespmem:$0x520];
	v31 =	vsel vm14, $0xFF800000, v31;
	v14 =	vmax.f32 v14, v24;
	v16 =	vmax.f32 v49, v27  }
0x6d: {  	v51 =	vld [tilespmem:$0x5A0];
	v33 =	vsel vm15, $0xFF800000, v33;
	v14 =	vmax.f32 v14, v10;
	v16 =	vmax.f32 v16, v28  }
0x6e: {  	v52 =	vld [tilespmem:$0x620];
	v37 =	vsel vm4, $0xFF800000, v41;
	v14 =	vmax.f32 v14, v45;
	v53 =	vmax.f32 v16, v29  }
0x6f: {  	vm5 =	veq.s32 v2, $0xD;
	v16 =	vld [tilespmem:$0x6A0];
	v38 =	vmax.f32 v14, v47;
	v11 =	vmax.f32 v53, v30  }
0x70: {  	v54 =	vld [tilespmem:$0x720];
	vm6 =	veq.s32 v2, $0xE;
	v38 =	vmax.f32 v38, v48;
	v39 =	vmax.f32 v11, v31  }
0x71: {  	v7 =	vsel vm5, $0xFF800000, v42;
	v11 =	vld [tilespmem:$0x7A0];
	v38 =	vmax.f32 v38, v50;
	v39 =	vmax.f32 v39, v33  }
0x72: {  	v40 =	vsel vm6, $0xFF800000, v55;
	v38 =	vmax.f32 v38, v51;
	v55 =	vmax.f32 v39, v37  }
0x73: {  	vm7 =	veq.s32 v2, $0xF;
	v38 =	vmax.f32 v38, v52;
	v6 =	vmax.f32 v55, v7  }
0x74: {  	v5 =	vsel vm7, $0xFF800000, v5;
	v38 =	vmax.f32 v38, v16;
	v6 =	vmax.f32 v6, v40  }
0x75: {  	(erf) = vrcp.f32 v60;
	v38 =	vmax.f32 v38, v54;
	v56 =	vmax.f32 v6, v5  }
0x76: {  	v3 =	vsel vm0, $0x0, v3;
	v6 =	vmax.f32 v38, v11;
	vm0 =	veq.f32 v34, v56  }
0x77: {  	vm1 =	veq.f32 v35, v56;
	vm8 =	veq.f32 v11, v6;
	vm2 =	veq.f32 v23, v56  }
0x78: {  	vm9 =	veq.f32 v54, v6;
	vm3 =	veq.f32 v36, v56;
	v57 =	vsel vm8, $0xF, v0  }
0x79: {  	vm10 =	veq.f32 v16, v6;
	vm4 =	veq.f32 v25, v56;
	v23 =	vsel vm9, $0xE, v57  }
0x7a: {  	vm11 =	veq.f32 v52, v6;
	v4 =	vsub.f32 v56, v4;
	v23 =	vsel vm10, $0xD, v23  }
0x7b: {  	vm12 =	veq.f32 v51, v6;
	vm5 =	veq.f32 v26, v56;
	v23 =	vsel vm11, $0xC, v23  }
0x7c: {  	vm13 =	veq.f32 v50, v6;
	vm14 =	veq.f32 v48, v6;
	v23 =	vsel vm12, $0xB, v23  }
0x7d: {  	vm6 =	veq.f32 v27, v56;
	v4 =	vmul.f32 $1.442695020e+00, v4;
	v23 =	vsel vm13, $0xA, v23  }
0x7e: {  	vm15 =	veq.f32 v47, v6;
	vm7 =	veq.f32 v28, v56;
	v23 =	vsel vm14, $0x9, v23  }
0x7f: {  	(erf) = vpow2.f32 v4;
	vm12 =	veq.f32 v45, v6;
	v58 =	vsel vm15, $0x8, v23  }
0x80: {  	v25 =	vld [tilespmem:$0xB0];
	vm8 =	veq.f32 v29, v56;
	vm13 =	veq.f32 v10, v6;
	v4 =	vsel vm12, $0x7, v58  }
0x81: {  	vm9 =	veq.f32 v19, v6;
	vm14 =	veq.f32 v24, v6;
	v23 =	vld [tilespmem:$0x30];
	v4 =	vsel vm13, $0x6, v4  }
0x82: {  	vm10 =	veq.f32 v18, v6;
	vm11 =	veq.f32 v30, v56;
	v4 =	vsel vm14, $0x5, v4  }
0x83: {  	vm15 =	veq.f32 v61, v6;
	vm12 =	veq.f32 v31, v56;
	v4 =	vsel vm10, $0x4, v4  }
0x84: {  	vm13 =	veq.f32 v37, v56;
	vm10 =	veq.f32 v63, v6;
	v4 =	vsel vm9, $0x3, v4  }
0x85: {  	vm14 =	veq.f32 v33, v56;
	vm9 =	veq.f32 v62, v6;
	v4 =	vsel vm10, $0x2, v4  }
0x86: {  	v44 =	vmax.f32 v23, v25;
	vm10 =	veq.f32 v5, v56;
	v4 =	vsel vm9, $0x1, v4  }
0x87: {  	v27 =	vld [tilespmem:$0x130];
	v5 =	vpop (erf);
	vm9 =	veq.f32 v40, v56;
	v59 =	vsel vm10, $0xF, v0;
	vm10 =	veq.f32 v7, v56  }
0x88: {  	[tilespmem:$0x800] =	vst v1;
	v29 =	vld [tilespmem:$0x1B0];
	v60 =	vpop (erf);
	v1 =	vsub.f32 $1.000000000e+00, v5;
	v4 =	vsel vm15, $0x0, v4;
	v26 =	vsel vm9, $0xE, v59  }
0x89: {  	v7 =	vadd.f32 $1.000000000e+00, v60;
	vm15 =	veq.s32 v4, $0x0;
	vm9 =	veq.s32 v4, $0x2  }
0x8a: {  	v31 =	vld [tilespmem:$0x230];
	v59 =	vsel vm10, $0xD, v26;
	v61 =	vsel vm15, $0xFF800000, v61;
	vm15 =	veq.s32 v4, $0x1  }
0x8b: {  	v33 =	vld [tilespmem:$0x2B0];
	(erf) = vrcp.f32 v7;
	v63 =	vsel vm9, $0xFF800000, v63;
	vm9 =	veq.s32 v4, $0x4  }
0x8c: {  	v34 =	vld [tilespmem:$0x330];
	v7 =	vmax.f32 v44, v27;
	v62 =	vsel vm15, $0xFF800000, v62;
	vm15 =	veq.s32 v4, $0x3  }
0x8d: {  	v35 =	vld [tilespmem:$0x3B0];
	v18 =	vsel vm9, $0xFF800000, v18;
	vm9 =	veq.s32 v4, $0x6;
	v7 =	vmax.f32 v7, v29  }
0x8e: {  	v36 =	vld [tilespmem:$0x430];
	v19 =	vsel vm15, $0xFF800000, v19;
	vm15 =	veq.s32 v4, $0x5;
	v12 =	vsel vm9, $0xFF800000, v10  }
0x8f: {  	v20 =	vld [tilespmem:$0x4B0];
	v7 =	vmax.f32 v7, v31;
	v24 =	vsel vm15, $0xFF800000, v24;
	vm15 =	veq.s32 v4, $0x7  }
0x90: {  	vm9 =	veq.s32 v4, $0x8;
	v7 =	vmax.f32 v7, v33;
	v9 =	vsel vm15, $0xFF800000, v45;
	v45 =	vld [tilespmem:$0x530]  }
0x91: {  	v46 =	vld [tilespmem:$0x5B0];
	v13 =	vsel vm9, $0xFF800000, v47;
	vm15 =	veq.s32 v4, $0x9;
	v7 =	vmax.f32 v7, v34  }
0x92: {  	vm9 =	veq.s32 v4, $0xA;
	v47 =	vld [tilespmem:$0x630];
	v10 =	vsel vm15, $0xFF800000, v48;
	v48 =	vmax.f32 v7, v35  }
0x93: {  	v49 =	vld [tilespmem:$0x6B0];
	v15 =	vsel vm9, $0xFF800000, v50;
	vm15 =	veq.s32 v4, $0xB;
	v8 =	vmax.f32 v48, v36  }
0x94: {  	v7 =	vsel vm15, $0xFF800000, v51;
	vm15 =	veq.s32 v4, $0xC;
	v51 =	vld [tilespmem:$0x730];
	v41 =	vmax.f32 v8, v20  }
0x95: {  	v53 =	vld [tilespmem:$0x7B0];
	v50 =	vmax.f32 v61, v62;
	v8 =	vsel vm15, $0xFF800000, v52;
	v41 =	vmax.f32 v41, v45  }
0x96: {  	v52 =	vmax.f32 v50, v63;
	vm15 =	veq.s32 v4, $0xD;
	v41 =	vmax.f32 v41, v46  }
0x97: {  	v17 =	vmax.f32 v52, v19;
	v16 =	vsel vm15, $0xFF800000, v16;
	v41 =	vmax.f32 v41, v47  }
0x98: {  	vm15 =	veq.s32 v4, $0xE;
	v17 =	vmax.f32 v17, v18;
	v41 =	vmax.f32 v41, v49  }
0x99: {  	v42 =	vsel vm15, $0xFF800000, v54;
	v17 =	vmax.f32 v17, v24;
	v55 =	vmax.f32 v41, v51  }
0x9a: {  	vm15 =	veq.s32 v4, $0xF;
	v54 =	vmax.f32 v17, v12;
	v17 =	vmax.f32 v55, v53  }
0x9b: {  	v14 =	vmax.f32 v54, v9;
	v41 =	vsel vm15, $0xFF800000, v11;
	vm9 =	veq.f32 v53, v17  }
0x9c: {  	v56 =	vmax.f32 v14, v13;
	vm15 =	veq.f32 v51, v17;
	v57 =	vsel vm9, $0xF, v0  }
0x9d: {  	v11 =	vmax.f32 v56, v10;
	v14 =	vsel vm15, $0xE, v57;
	vm15 =	veq.f32 v49, v17  }
0x9e: {  	v11 =	vmax.f32 v11, v15;
	v14 =	vsel vm15, $0xD, v14;
	vm15 =	veq.f32 v47, v17  }
0x9f: {  	v11 =	vmax.f32 v11, v7;
	v14 =	vsel vm15, $0xC, v14;
	vm15 =	veq.f32 v46, v17  }
0xa0: {  	v11 =	vmax.f32 v11, v8;
	v14 =	vsel vm15, $0xB, v14;
	vm15 =	veq.f32 v45, v17  }
0xa1: {  	v11 =	vmax.f32 v11, v16;
	v14 =	vsel vm15, $0xA, v14;
	vm15 =	veq.f32 v20, v17  }
0xa2: {  	v11 =	vmax.f32 v11, v42;
	v58 =	vsel vm15, $0x9, v14;
	vm15 =	veq.f32 v36, v17  }
0xa3: {  	v43 =	vmax.f32 v11, v41;
	v11 =	vsel vm15, $0x8, v58;
	vm15 =	veq.f32 v35, v17  }
0xa4: {  	vm9 =	veq.f32 v61, v43;
	v11 =	vsel vm15, $0x7, v11;
	vm15 =	veq.f32 v34, v17  }
0xa5: {  	vm10 =	veq.f32 v62, v43;
	v11 =	vsel vm15, $0x6, v11;
	vm15 =	veq.f32 v33, v17  }
0xa6: {  	v60 =	vsub.f32 v43, v6;
	v11 =	vsel vm15, $0x5, v11;
	vm15 =	veq.f32 v31, v17  }
0xa7: {  	v14 =	vsel vm13, $0xC, v59;
	v11 =	vsel vm15, $0x4, v11;
	vm15 =	veq.f32 v29, v17  }
0xa8: {  	vm13 =	veq.f32 v63, v43;
	v11 =	vsel vm15, $0x3, v11;
	vm15 =	veq.f32 v27, v17  }
0xa9: {  	v14 =	vsel vm14, $0xB, v14;
	v11 =	vsel vm15, $0x2, v11;
	vm15 =	veq.f32 v25, v17  }
0xaa: {  	vm14 =	veq.f32 v19, v43;
	v61 =	vsel vm15, $0x1, v11;
	vm15 =	veq.f32 v23, v17  }
0xab: {  	v32 =	vmul.f32 $1.442695020e+00, v60;
	v62 =	vsel vm12, $0xA, v14;
	v6 =	vsel vm15, $0x0, v61  }
0xac: {  	vm12 =	veq.f32 v18, v43;
	v63 =	vsel vm11, $0x9, v62;
	vm15 =	veq.s32 v6, $0x0  }
0xad: {  	vm11 =	veq.f32 v24, v43;
	v11 =	vsel vm15, $0xFF800000, v23;
	vm15 =	veq.s32 v6, $0x1  }
0xae: {  	(erf) = vpow2.f32 v32;
	v14 =	vsel vm15, $0xFF800000, v25;
	vm15 =	veq.s32 v6, $0x2  }
0xaf: {  	v19 =	vsel vm15, $0xFF800000, v27;
	vm15 =	veq.s32 v6, $0x3;
	v23 =	vmax.f32 v11, v14  }
0xb0: {  	v24 =	vsel vm15, $0xFF800000, v29;
	vm15 =	veq.s32 v6, $0x4;
	v23 =	vmax.f32 v23, v19  }
0xb1: {  	v25 =	vsel vm15, $0xFF800000, v31;
	vm15 =	veq.s32 v6, $0x5;
	v23 =	vmax.f32 v23, v24  }
0xb2: {  	v26 =	vsel vm15, $0xFF800000, v33;
	vm15 =	veq.s32 v6, $0x6;
	v23 =	vmax.f32 v23, v25  }
0xb3: {  	v27 =	vsel vm15, $0xFF800000, v34;
	vm15 =	veq.s32 v6, $0x7;
	v23 =	vmax.f32 v23, v26  }
0xb4: {  	v28 =	vsel vm15, $0xFF800000, v35;
	vm15 =	veq.s32 v6, $0x8;
	v23 =	vmax.f32 v23, v27  }
0xb5: {  	v44 =	vsel vm15, $0xFF800000, v36;
	vm15 =	veq.s32 v6, $0x9;
	v23 =	vmax.f32 v23, v28  }
0xb6: {  	v20 =	vsel vm15, $0xFF800000, v20;
	vm15 =	veq.s32 v6, $0xA;
	v23 =	vmax.f32 v23, v44  }
0xb7: {  	v45 =	vsel vm15, $0xFF800000, v45;
	vm15 =	veq.s32 v6, $0xB;
	v23 =	vmax.f32 v23, v20  }
0xb8: {  	v21 =	vsel vm15, $0xFF800000, v46;
	vm15 =	veq.s32 v6, $0xC;
	v23 =	vmax.f32 v23, v45  }
0xb9: {  	v46 =	vsel vm15, $0xFF800000, v47;
	vm15 =	veq.s32 v6, $0xD;
	v23 =	vmax.f32 v23, v21  }
0xba: {  	v22 =	vsel vm15, $0xFF800000, v49;
	vm15 =	veq.s32 v6, $0xE;
	v23 =	vmax.f32 v23, v46  }
0xbb: {  	v47 =	vsel vm15, $0xFF800000, v51;
	vm15 =	veq.s32 v6, $0xF;
	v23 =	vmax.f32 v23, v22  }
0xbc: {  	v18 =	vsel vm8, $0x8, v63;
	v48 =	vsel vm15, $0xFF800000, v53;
	v49 =	vmax.f32 v23, v47  }
0xbd: {  	v50 =	vpop (erf);
	vm8 =	veq.f32 v9, v43;
	vm15 =	veq.f32 v12, v43;
	v12 =	vmax.f32 v49, v48  }
0xbe: {  	v63 =	vsub.f32 $1.000000000e+00, v50;
	v18 =	vsel vm7, $0x7, v18;
	v51 =	vpop (erf);
	v17 =	vsub.f32 v12, v17  }
0xbf: {  	vm7 =	veq.f32 v13, v43;
	v18 =	vsel vm6, $0x6, v18;
	v52 =	vadd.f32 $1.000000000e+00, v51  }
0xc0: {  	vm6 =	veq.f32 v10, v43;
	v53 =	vsel vm5, $0x5, v18;
	v54 =	vmul.f32 $1.442695020e+00, v17  }
0xc1: {  	v55 =	vsel vm4, $0x4, v53;
	vm4 =	veq.f32 v41, v43;
	(erf) = vrcp.f32 v52  }
0xc2: {  	v56 =	vsel vm4, $0xF, v0;
	vm4 =	veq.f32 v42, v43;
	(erf) = vpow2.f32 v54  }
0xc3: {  	v10 =	vsel vm3, $0x3, v55;
	vm3 =	veq.f32 v16, v43;
	v13 =	vsel vm4, $0xE, v56  }
0xc4: {  	vm5 =	veq.f32 v15, v43;
	v57 =	vsel vm3, $0xD, v13;
	vm3 =	veq.f32 v8, v43  }
0xc5: {  	vm4 =	veq.f32 v7, v43;
	v58 =	vsel vm2, $0x2, v10;
	v7 =	vsel vm3, $0xC, v57  }
0xc6: {  	v8 =	vsel vm1, $0x1, v58;
	vm1 =	veq.f32 v48, v12;
	v7 =	vsel vm4, $0xB, v7  }
0xc7: {  	v59 =	vsel vm1, $0xF, v0;
	vm1 =	veq.f32 v47, v12;
	v7 =	vsel vm5, $0xA, v7  }
0xc8: {  	v10 =	vsel vm1, $0xE, v59;
	v7 =	vsel vm6, $0x9, v7;
	vm6 =	veq.f32 v22, v12  }
0xc9: {  	vm3 =	veq.f32 v20, v12;
	vm5 =	veq.f32 v46, v12;
	v10 =	vsel vm6, $0xD, v10  }
0xca: {  	v7 =	vsel vm7, $0x8, v7;
	vm7 =	veq.f32 v21, v12;
	v10 =	vsel vm5, $0xC, v10;
	v60 =	vpop (erf)  }
0xcb: {  	[tilespmem:$0x880] =	vst v3;
	vm4 =	veq.f32 v45, v12;
	v3 =	vsel vm8, $0x7, v7;
	v61 =	vsel vm7, $0xB, v10;
	v15 =	vpop (erf)  }
0xcc: {  	v3 =	vsel vm15, $0x6, v3;
	v7 =	vsel vm4, $0xA, v61;
	v62 =	vadd.f32 $1.000000000e+00, v15  }
0xcd: {  	[tilespmem:$0x980] =	vst v1;
	vm2 =	veq.f32 v44, v12;
	v1 =	vsel vm11, $0x5, v3;
	v3 =	vsel vm3, $0x9, v7  }
0xce: {  	[tilespmem:$0x810] =	vst v2;
	vm6 =	veq.f32 v28, v12;
	v2 =	vsel vm2, $0x8, v3;
	(erf) = vrcp.f32 v62  }
0xcf: {  	[tilespmem:$0x900] =	vst v5;
	vm7 =	veq.f32 v27, v12;
	v1 =	vsel vm12, $0x4, v1;
	v2 =	vsel vm6, $0x7, v2  }
0xd0: {  	[tilespmem:$0x820] =	vst v4;
	vm8 =	veq.f32 v26, v12;
	v1 =	vsel vm14, $0x3, v1;
	v2 =	vsel vm7, $0x6, v2  }
0xd1: {  	[tilespmem:$0x910] =	vst v50;
	vm11 =	veq.f32 v25, v12;
	v1 =	vsel vm13, $0x2, v1;
	v2 =	vsel vm8, $0x5, v2  }
0xd2: {  	[tilespmem:$0x990] =	vst v63;
	vm12 =	veq.f32 v24, v12;
	v1 =	vsel vm10, $0x1, v1;
	v2 =	vsel vm11, $0x4, v2  }
0xd3: {  	[tilespmem:$0x830] =	vst v6;
	vm13 =	veq.f32 v19, v12;
	v1 =	vsel vm9, $0x0, v1;
	v2 =	vsel vm12, $0x3, v2  }
0xd4: {  	v8 =	vsel vm0, $0x0, v8;
	[tilespmem:$0x8A0] =	vst v1;
	v1 =	vsub.f32 $1.000000000e+00, v60;
	v2 =	vsel vm13, $0x2, v2  }
0xd5: {  	[tilespmem:$0x890] =	vst v8;
	vm14 =	veq.f32 v14, v12  }
0xd6: {  	vm15 =	veq.f32 v11, v12;
	[tilespmem:$0x9A0] =	vst v1;
	v1 =	vsel vm14, $0x1, v2  }
0xd7: {  	[tilespmem:$0x920] =	vst v60;
	v1 =	vsel vm15, $0x0, v1;
	v2 =	vpop (erf)  }
0xd8: {  	[tilespmem:$0x8B0] =	vst v1;
	v1 =	vsub.f32 $1.000000000e+00, v2  }
0xd9: {  	[tilespmem:$0x930] =	vst v2  }
0xda: {  	[tilespmem:$0x9B0] =	vst v1  }
0xdb: {  	[hbm4b:s4+s2] =	stream.linear.scatter [tilespmem:s10], [sflag:$0x1], $0x40, $0x38;
	[tilespmem:$0xA00] =	vst v63  }
0xdc: {  	_ =	swait.ge [sflag:s9], $0x40  }
0xdd: {  	[sflag:s9] =	ssyncset.done $0x0  }
0xde: {  	[sflag:s9] =	ssyncadd.s32 $0xFFFFFFC0  }
0xdf: {  	[hbm4b:s5+s2] =	stream.linear.scatter [tilespmem:s11], [sflag:$0x1], $0x40, $0x38;
	[tilespmem:$0xA00] =	vst v63  }
0xe0: {  	_ =	swait.ge [sflag:s9], $0x40  }
0xe1: {  	[sflag:s9] =	ssyncset.done $0x0  }
0xe2: {  	[sflag:s9] =	ssyncadd.s32 $0xFFFFFFC0  }
0xe3: {  	[hbm4b:s6+s2] =	stream.linear.scatter [tilespmem:s12], [sflag:$0x1], $0x40, $0x38;
	[tilespmem:$0xA00] =	vst v63  }
0xe4: {  	_ =	swait.ge [sflag:s9], $0x40  }
0xe5: {  	p0 =	sne.s32 s8, $0x1;
	[sflag:s9] =	ssyncset.done $0x0  }
.Ltmp0:
0xe6: {  	[sflag:s9] =	ssyncadd.s32 $0xFFFFFFC0;
	(pc) =	sbr.rel @p0 .LBB2_1-.Ltmp0, $4  }
0xe7: {  	[hbm4b:s7+s2] =	stream.linear.scatter [tilespmem:s13], [sflag:$0x1], $0x40, $0x38;
	[tilespmem:$0xA00] =	vst v63  }
0xe8: {  	_ =	swait.ge [sflag:s9], $0x40  }
0xe9: {  	[sflag:s9] =	ssyncset.done $0x0  }
0xea: {  	s8 =	sadd.s32 $0xFFFFFFFF, s8;
	[sflag:s9] =	ssyncadd.s32 $0xFFFFFFC0  }
0xeb: {  	_ =	sfence.sel $0x180000  }
0xec: {  	[bflag:$0x0] =	sbarrier.arrive $0xFFFF  }
0xed: {  	p0 =	sne.s32 s1, $0x0;
	_ =	strace $0x90000047  }
0xee: {  	s0 =	sadd.s32 @!p0 $0x100000, s0;
	[bflag:$0x2] =	sbarrier.arrive $0xFFFF  }
0xef: {  	[sflag:s0] =	ssyncadd.tile.s32 @!p0 $0x1;
	_ =	shalt  }
.Lfunc_end2:
_tile_overlayer_lowered:
.L_overlay_start_2:
0xf0: {  	(tag) =	ssettag $0x2  }
0xf1: {  	s0 =	rddreg [dreg:$0x0];
	s2 =	stileid.u32  }
0xf2: {  	s1 =	rddreg [dreg:$0x1];
	p0 =	sne.s32 s2, $0x0  }
0xf3: {  	s3 =	rddreg [dreg:$0x2];
	[bflag:$0x3] =	sbarrier.arrive $0xFFFF;
	s2 =	simm.s32 @!p0 $0x1C01  }
0xf4: {  	[timem:s3], [sflag:s2] =	dma.local @!p0 [hbm:s0], s1  }
0xf5: {  	s0 =	simm.s32 @!p0 $0x1  }
0xf6: {  	_ =	swait.ge @!p0 [sflag:s0], s1  }
0xf7: {  	s1 =	ssub.s32 @!p0 $0x0, s1;
	[sflag:s0] =	ssyncset.done @!p0 $0x0  }
0xf8: {  	[sflag:s0] =	ssyncadd.s32 @!p0 s1  }
0xf9: {  	[bflag:$0x3] =	sbarrier.arrive $0xFFFF  }
0xfa: {  	_ =	shalt  }

</sc_bundles>
